<compile_context>
chip_gen: v7x
topology: tpu7x:2x2x1
jax: 0.10.2.dev20260603
libtpu: 0.0.44.dev20260713+nightly
codegen_flags: <defaults>
</compile_context>

<pallas_src>
import functools

import jax
import jax.numpy as jnp
from jax import lax
from jax.experimental import pallas as pl
from jax.experimental.pallas import tpu as pltpu
from jax.experimental.pallas import tpu_sc as plsc

VOCAB = 1000000
EMBED = 64
MAXLEN = 200
BATCH = 4096
NW = 32
BB = BATCH // NW
NBUF = 4
NLANES = 16
EBLK = EMBED // 8
PADROW = 2 * EMBED

_mesh = plsc.VectorSubcoreMesh(core_axis_name="c", subcore_axis_name="s")


@functools.partial(
    pl.kernel,
    out_type=jax.ShapeDtypeStruct((MAXLEN, EBLK, NW, 8, BB), jnp.float32),
    mesh=_mesh,
    scratch_types=[
        pltpu.VMEM((MAXLEN, EMBED), jnp.float32),
        [pltpu.VMEM((BB,), jnp.int32) for _ in range(NBUF)],
        [pltpu.VMEM((BB, PADROW), jnp.float32) for _ in range(NBUF)],
        [pltpu.VMEM((EBLK, 1, 8, BB + 1), jnp.float32) for _ in range(NBUF)],
        [pltpu.SemaphoreType.DMA for _ in range(NBUF)],
        [pltpu.SemaphoreType.DMA for _ in range(NBUF)],
        [pltpu.SemaphoreType.DMA for _ in range(NBUF)],
    ],
    compiler_params=pltpu.CompilerParams(use_tc_tiling_on_sc=False,
                                         needs_layout_passes=False),
)
def _embed_sc(xt_hbm, table_hbm, fix_hbm, out_hbm,
              fix_v, idx_v, rows_v, outb_v, isem, gsem, ssem):
    wid = lax.axis_index("s") * 2 + lax.axis_index("c")
    b0 = wid * BB
    pltpu.sync_copy(fix_hbm, fix_v)

    def idx_start(b, t):
        pltpu.async_copy(xt_hbm.at[t, pl.ds(b0, BB)], idx_v[b], isem[b])

    def idx_wait(b, t):
        pltpu.make_async_copy(xt_hbm.at[t, pl.ds(b0, BB)], idx_v[b],
                              isem[b]).wait()

    def gather_start(b):
        pltpu.async_copy(table_hbm.at[idx_v[b]], rows_v[b], gsem[b])

    def gather_wait(b):
        pltpu.make_async_copy(table_hbm.at[idx_v[b]], rows_v[b],
                              gsem[b]).wait()

    def out_slice(t):
        return out_hbm.at[t, :, pl.ds(wid, 1)]

    def ob_slice(b):
        return outb_v[b].at[:, :, :, pl.ds(0, BB)]

    def store_start(b, t):
        pltpu.async_copy(ob_slice(b), out_slice(t), ssem[b])

    def store_wait(b, t):
        pltpu.make_async_copy(ob_slice(b), out_slice(t), ssem[b]).wait()

    def add_transpose(b, t):
        rows = rows_v[b]
        ob = outb_v[b]
        lanes = lax.iota(jnp.int32, NLANES)
        zeros = jnp.zeros((NLANES,), jnp.int32)
        e_ids = [lanes + (g * NLANES) for g in range(EMBED // NLANES)]
        eb_ids = [e >> 3 for e in e_ids]
        ei_ids = [e & 7 for e in e_ids]
        frow = [fix_v[t, pl.ds(g * NLANES, NLANES)]
                for g in range(EMBED // NLANES)]

        @plsc.parallel_loop(0, BB, step=2, unroll=4)
        def b_body(bi):
            for u in range(2):
                brow = bi + u
                bsplat = jnp.full((NLANES,), brow, jnp.int32)
                for g in range(EMBED // NLANES):
                    vals = rows[brow, pl.ds(g * NLANES, NLANES)] + frow[g]
                    plsc.store_scatter(
                        ob, [eb_ids[g], zeros, ei_ids[g], bsplat], vals)

    for b in range(3):
        idx_start(b, b)
    for b in range(2):
        idx_wait(b, b)
        gather_start(b)

    def group_body(g, _):
        for b in range(NBUF):
            t = g * NBUF + b
            bi = (b + 3) % NBUF

            @pl.when(t + 3 < MAXLEN)
            def _():
                idx_start(bi, t + 3)

            gather_wait(b)
            add_transpose(b, t)
            store_start(b, t)

            bn = (b + 2) % NBUF

            @pl.when(t + 2 < MAXLEN)
            def _():
                @pl.when(t >= 2)
                def _():
                    store_wait(bn, t - 2)
                idx_wait(bn, t + 2)
                gather_start(bn)
        return ()

    lax.fori_loop(0, MAXLEN // NBUF, group_body, ())

    for b in range(NBUF):
        store_wait(b, MAXLEN - NBUF + b)


_TC_COLS = 2048
_TC_NB = -(-VOCAB // _TC_COLS)


def _transpose_body(tab_ref, out_ref):
    blk = tab_ref[...]
    eye = jnp.eye(EMBED, dtype=jnp.float32)
    out_ref[:, 0:EMBED] = jax.lax.dot_general(
        blk, eye, (((0,), (0,)), ((), ())),
        preferred_element_type=jnp.float32)


def _transpose_tc(tab_t):
    return pl.pallas_call(
        _transpose_body,
        grid=(_TC_NB,),
        in_specs=[pl.BlockSpec((EMBED, _TC_COLS), lambda i: (0, i))],
        out_specs=pl.BlockSpec((_TC_COLS, PADROW), lambda i: (i, 0)),
        out_shape=jax.ShapeDtypeStruct((VOCAB, PADROW), jnp.float32),
    )(tab_t)


def kernel(x, input_table, fix_embedding):
    table_pad = _transpose_tc(input_table.T)
    out5 = _embed_sc(x.T, table_pad, fix_embedding)
    y = jnp.transpose(out5, (2, 4, 0, 1, 3)).reshape(BATCH, MAXLEN, EMBED)
    return y

# --- scband reference (transcript-rebuilt; emitter-appended) ---
"""Pipeline reference for scband-my-embedding-34351148434039 (READ-ONLY COPY).

The authoritative reference and input builder live on the scoring server;
editing this copy changes nothing except your own understanding.
"""

import jax, jax.numpy as jnp
import numpy as np

VOCAB = 1000000
EMBED = 64
MAXLEN = 200
BATCH = 4096


def _fix_position_embedding(L, d):
    # vectorized version of the torch double-loop:
    # even k: sin(j * 1/10000**(2*(k/2)/d)); odd k: cos(j * 1/10000**(2*((k-1)/2)/d))
    j = np.arange(L, dtype=np.float64)[:, None]
    k = np.arange(d)[None, :]
    half = (k // 2).astype(np.float64)
    w = 1.0 / np.power(10000.0, 2.0 * half / float(d))
    ang = j * w
    out = np.where(k % 2 == 0, np.sin(ang), np.cos(ang)).astype(np.float32)
    return jnp.asarray(out)


def setup_inputs(seed: int = 0) -> dict:
    key = jax.random.key(seed)
    k1, k2 = jax.random.split(key)
    x = jax.random.randint(k1, (BATCH, MAXLEN), 0, VOCAB, dtype=jnp.int32)
    # learned parameter: nn.Embedding(vocab_size, embed_size).weight
    input_table = jax.random.normal(k2, (VOCAB, EMBED), dtype=jnp.float32) * 0.02
    # registered buffer: fixed sinusoidal positional embedding
    fix_embedding = _fix_position_embedding(MAXLEN, EMBED)
    return {"x": x, "input_table": input_table, "fix_embedding": fix_embedding}


def reference(x, input_table, fix_embedding):
    # a = self.input_embedding(x)
    a = jnp.take(input_table, x, axis=0)
    # fix_pos_embed=True branch: b = stack([fix_embedding] * batch)
    b = jnp.broadcast_to(fix_embedding[None, :, :], a.shape)
    return a + b

if __name__ == "__main__":
    import jax
    _d = setup_inputs()
    print(jax.jit(kernel)(*tuple(_d.values())))

</pallas_src>

<mosaic_0001>
#map = affine_map<(d0, d1) -> (0, 0)>
#map1 = affine_map<(d0, d1) -> (0, 0, 0, 0, 0)>
module attributes {stable_mosaic.version = 14 : i64} {
  func.func @_embed_sc(%arg0: i32, %arg1: i32, %arg2: memref<200x4096xi32, #tpu.memory_space<hbm>>, %arg3: memref<1000000x128xf32, #tpu.memory_space<hbm>>, %arg4: memref<200x64xf32, #tpu.memory_space<hbm>>, %arg5: memref<200x8x32x8x128xf32, #tpu.memory_space<hbm>>, %arg6: memref<200x64xf32, #tpu.memory_space<vmem>>, %arg7: memref<128xi32, #tpu.memory_space<vmem>>, %arg8: memref<128xi32, #tpu.memory_space<vmem>>, %arg9: memref<128xi32, #tpu.memory_space<vmem>>, %arg10: memref<128xi32, #tpu.memory_space<vmem>>, %arg11: memref<128x128xf32, #tpu.memory_space<vmem>>, %arg12: memref<128x128xf32, #tpu.memory_space<vmem>>, %arg13: memref<128x128xf32, #tpu.memory_space<vmem>>, %arg14: memref<128x128xf32, #tpu.memory_space<vmem>>, %arg15: memref<8x1x8x129xf32, #tpu.memory_space<vmem>>, %arg16: memref<8x1x8x129xf32, #tpu.memory_space<vmem>>, %arg17: memref<8x1x8x129xf32, #tpu.memory_space<vmem>>, %arg18: memref<8x1x8x129xf32, #tpu.memory_space<vmem>>, %arg19: memref<!tpu.dma_semaphore, #tpu.memory_space<semaphore_mem>>, %arg20: memref<!tpu.dma_semaphore, #tpu.memory_space<semaphore_mem>>, %arg21: memref<!tpu.dma_semaphore, #tpu.memory_space<semaphore_mem>>, %arg22: memref<!tpu.dma_semaphore, #tpu.memory_space<semaphore_mem>>, %arg23: memref<!tpu.dma_semaphore, #tpu.memory_space<semaphore_mem>>, %arg24: memref<!tpu.dma_semaphore, #tpu.memory_space<semaphore_mem>>, %arg25: memref<!tpu.dma_semaphore, #tpu.memory_space<semaphore_mem>>, %arg26: memref<!tpu.dma_semaphore, #tpu.memory_space<semaphore_mem>>, %arg27: memref<!tpu.dma_semaphore, #tpu.memory_space<semaphore_mem>>, %arg28: memref<!tpu.dma_semaphore, #tpu.memory_space<semaphore_mem>>, %arg29: memref<!tpu.dma_semaphore, #tpu.memory_space<semaphore_mem>>, %arg30: memref<!tpu.dma_semaphore, #tpu.memory_space<semaphore_mem>>) attributes {dimension_semantics = [#tpu.dimension_semantics<core_parallel>, #tpu.dimension_semantics<subcore_parallel>], iteration_bounds = array<i64: 2, 16>, scalar_prefetch = 0 : i64, scratch_operands = 25 : i64, tpu.core_type = #tpu.core_type<sc_vector_subcore>, window_params = [{transform_indices = #map}, {transform_indices = #map}, {transform_indices = #map}, {transform_indices = #map1}]} {
    %mul3A = arith.constant 2 : i32
    %mul3A_0 = arith.muli %arg1, %mul3A : i32
    %add3A = arith.addi %mul3A_0, %arg0 : i32
    %mul3A_1 = arith.constant 128 : i32
    %mul3A_2 = arith.muli %add3A, %mul3A_1 : i32
    "tpu.region"() ({
      %run_scoped3A = tpu.sem_alloc : memref<!tpu.dma_semaphore, #tpu.memory_space<semaphore_mem>>
      tpu.enqueue_dma source(%arg4 : memref<200x64xf32, #tpu.memory_space<hbm>>) target(%arg6 : memref<200x64xf32, #tpu.memory_space<vmem>>) target_semaphore(%run_scoped3A : memref<!tpu.dma_semaphore, #tpu.memory_space<semaphore_mem>>)
      tpu.wait_dma2 semaphore(%run_scoped3A : memref<!tpu.dma_semaphore, #tpu.memory_space<semaphore_mem>>) src(%arg4 : memref<200x64xf32, #tpu.memory_space<hbm>>) dst(%arg6 : memref<200x64xf32, #tpu.memory_space<vmem>>)
      tpu.yield
    }) : () -> ()
    %dma_start3A = arith.constant 0 : i32
    %dma_start3A_3 = tpu.memref_slice %arg2[%dma_start3A, %mul3A_2] : memref<200x4096xi32, #tpu.memory_space<hbm>> -> memref<1x128xi32, #tpu.memory_space<hbm>>
    %dma_start3A_4 = tpu.memref_squeeze %dma_start3A_3 : memref<1x128xi32, #tpu.memory_space<hbm>> -> memref<128xi32, #tpu.memory_space<hbm>>
    %dma_start3A_5 = tpu.memref_slice %arg2[%dma_start3A, %mul3A_2] : memref<200x4096xi32, #tpu.memory_space<hbm>> -> memref<1x128xi32, #tpu.memory_space<hbm>>
    %dma_start3A_6 = tpu.memref_squeeze %dma_start3A_5 : memref<1x128xi32, #tpu.memory_space<hbm>> -> memref<128xi32, #tpu.memory_space<hbm>>
    tpu.enqueue_dma source(%dma_start3A_6 : memref<128xi32, #tpu.memory_space<hbm>>) target(%arg7 : memref<128xi32, #tpu.memory_space<vmem>>) target_semaphore(%arg19 : memref<!tpu.dma_semaphore, #tpu.memory_space<semaphore_mem>>)
    %dma_start3A_7 = arith.constant 1 : i32
    %dma_start3A_8 = tpu.memref_slice %arg2[%dma_start3A_7, %mul3A_2] : memref<200x4096xi32, #tpu.memory_space<hbm>> -> memref<1x128xi32, #tpu.memory_space<hbm>>
    %dma_start3A_9 = tpu.memref_squeeze %dma_start3A_8 : memref<1x128xi32, #tpu.memory_space<hbm>> -> memref<128xi32, #tpu.memory_space<hbm>>
    %dma_start3A_10 = tpu.memref_slice %arg2[%dma_start3A_7, %mul3A_2] : memref<200x4096xi32, #tpu.memory_space<hbm>> -> memref<1x128xi32, #tpu.memory_space<hbm>>
    %dma_start3A_11 = tpu.memref_squeeze %dma_start3A_10 : memref<1x128xi32, #tpu.memory_space<hbm>> -> memref<128xi32, #tpu.memory_space<hbm>>
    tpu.enqueue_dma source(%dma_start3A_11 : memref<128xi32, #tpu.memory_space<hbm>>) target(%arg8 : memref<128xi32, #tpu.memory_space<vmem>>) target_semaphore(%arg20 : memref<!tpu.dma_semaphore, #tpu.memory_space<semaphore_mem>>)
    %dma_start3A_12 = arith.constant 2 : i32
    %dma_start3A_13 = tpu.memref_slice %arg2[%dma_start3A_12, %mul3A_2] : memref<200x4096xi32, #tpu.memory_space<hbm>> -> memref<1x128xi32, #tpu.memory_space<hbm>>
    %dma_start3A_14 = tpu.memref_squeeze %dma_start3A_13 : memref<1x128xi32, #tpu.memory_space<hbm>> -> memref<128xi32, #tpu.memory_space<hbm>>
    %dma_start3A_15 = tpu.memref_slice %arg2[%dma_start3A_12, %mul3A_2] : memref<200x4096xi32, #tpu.memory_space<hbm>> -> memref<1x128xi32, #tpu.memory_space<hbm>>
    %dma_start3A_16 = tpu.memref_squeeze %dma_start3A_15 : memref<1x128xi32, #tpu.memory_space<hbm>> -> memref<128xi32, #tpu.memory_space<hbm>>
    tpu.enqueue_dma source(%dma_start3A_16 : memref<128xi32, #tpu.memory_space<hbm>>) target(%arg9 : memref<128xi32, #tpu.memory_space<vmem>>) target_semaphore(%arg21 : memref<!tpu.dma_semaphore, #tpu.memory_space<semaphore_mem>>)
    %dma_wait3A = arith.constant 0 : i32
    %dma_wait3A_17 = tpu.memref_slice %arg2[%dma_wait3A, %mul3A_2] : memref<200x4096xi32, #tpu.memory_space<hbm>> -> memref<1x128xi32, #tpu.memory_space<hbm>>
    %dma_wait3A_18 = tpu.memref_squeeze %dma_wait3A_17 : memref<1x128xi32, #tpu.memory_space<hbm>> -> memref<128xi32, #tpu.memory_space<hbm>>
    %dma_wait3A_19 = tpu.memref_slice %arg2[%dma_wait3A, %mul3A_2] : memref<200x4096xi32, #tpu.memory_space<hbm>> -> memref<1x128xi32, #tpu.memory_space<hbm>>
    %dma_wait3A_20 = tpu.memref_squeeze %dma_wait3A_19 : memref<1x128xi32, #tpu.memory_space<hbm>> -> memref<128xi32, #tpu.memory_space<hbm>>
    tpu.wait_dma2 semaphore(%arg19 : memref<!tpu.dma_semaphore, #tpu.memory_space<semaphore_mem>>) src(%dma_wait3A_20 : memref<128xi32, #tpu.memory_space<hbm>>) dst(%arg7 : memref<128xi32, #tpu.memory_space<vmem>>)
    %dma_start3A_21 = arith.constant 0 : i32
    %dma_start3A_22 = arith.constant 0 : i32
    %dma_start3A_23 = tpu.memref_slice %arg3[%dma_start3A_21, %dma_start3A_22] : memref<1000000x128xf32, #tpu.memory_space<hbm>> -> memref<1000000x128xf32, #tpu.memory_space<hbm>>
    tpu.enqueue_indirect_dma source(%dma_start3A_23 : memref<1000000x128xf32, #tpu.memory_space<hbm>>) target(%arg11 : memref<128x128xf32, #tpu.memory_space<vmem>>) offsets(%arg7 : memref<128xi32, #tpu.memory_space<vmem>>) semaphore(%arg23 : memref<!tpu.dma_semaphore, #tpu.memory_space<semaphore_mem>>)
    %dma_wait3A_24 = arith.constant 1 : i32
    %dma_wait3A_25 = tpu.memref_slice %arg2[%dma_wait3A_24, %mul3A_2] : memref<200x4096xi32, #tpu.memory_space<hbm>> -> memref<1x128xi32, #tpu.memory_space<hbm>>
    %dma_wait3A_26 = tpu.memref_squeeze %dma_wait3A_25 : memref<1x128xi32, #tpu.memory_space<hbm>> -> memref<128xi32, #tpu.memory_space<hbm>>
    %dma_wait3A_27 = tpu.memref_slice %arg2[%dma_wait3A_24, %mul3A_2] : memref<200x4096xi32, #tpu.memory_space<hbm>> -> memref<1x128xi32, #tpu.memory_space<hbm>>
    %dma_wait3A_28 = tpu.memref_squeeze %dma_wait3A_27 : memref<1x128xi32, #tpu.memory_space<hbm>> -> memref<128xi32, #tpu.memory_space<hbm>>
    tpu.wait_dma2 semaphore(%arg20 : memref<!tpu.dma_semaphore, #tpu.memory_space<semaphore_mem>>) src(%dma_wait3A_28 : memref<128xi32, #tpu.memory_space<hbm>>) dst(%arg8 : memref<128xi32, #tpu.memory_space<vmem>>)
    %dma_start3A_29 = arith.constant 0 : i32
    %dma_start3A_30 = arith.constant 0 : i32
    %dma_start3A_31 = tpu.memref_slice %arg3[%dma_start3A_29, %dma_start3A_30] : memref<1000000x128xf32, #tpu.memory_space<hbm>> -> memref<1000000x128xf32, #tpu.memory_space<hbm>>
    tpu.enqueue_indirect_dma source(%dma_start3A_31 : memref<1000000x128xf32, #tpu.memory_space<hbm>>) target(%arg12 : memref<128x128xf32, #tpu.memory_space<vmem>>) offsets(%arg8 : memref<128xi32, #tpu.memory_space<vmem>>) semaphore(%arg24 : memref<!tpu.dma_semaphore, #tpu.memory_space<semaphore_mem>>)
    %scan3A = arith.constant 0 : i32
    %scan3A_32 = arith.constant 50 : i32
    %scan3A_33 = arith.addi %scan3A, %scan3A_32 : i32
    %scan3A_34 = arith.constant 1 : i32
    scf.for %scan3A_120 = %scan3A to %scan3A_33 step %scan3A_34  : i32 {
      %mul3A_121 = arith.constant 4 : i32
      %mul3A_122 = arith.muli %scan3A_120, %mul3A_121 : i32
      %add3A_123 = arith.constant 0 : i32
      %add3A_124 = arith.addi %mul3A_122, %add3A_123 : i32
      %add3A_125 = arith.constant 3 : i32
      %add3A_126 = arith.addi %add3A_124, %add3A_125 : i32
      %lt3A = arith.constant 200 : i32
      %lt3A_127 = arith.cmpi slt, %add3A_126, %lt3A : i32
      %convert_element_type3A = arith.extui %lt3A_127 : i1 to i32
      %cond3A = arith.constant 0 : i32
      %cond3A_128 = arith.cmpi ne, %convert_element_type3A, %cond3A : i32
      scf.if %cond3A_128 {
        %add3A_492 = arith.constant 3 : i32
        %add3A_493 = arith.addi %add3A_124, %add3A_492 : i32
        %dma_start3A_494 = tpu.memref_slice %arg2[%add3A_493, %mul3A_2] : memref<200x4096xi32, #tpu.memory_space<hbm>> -> memref<1x128xi32, #tpu.memory_space<hbm>>
        %dma_start3A_495 = tpu.memref_squeeze %dma_start3A_494 : memref<1x128xi32, #tpu.memory_space<hbm>> -> memref<128xi32, #tpu.memory_space<hbm>>
        %dma_start3A_496 = tpu.memref_slice %arg2[%add3A_493, %mul3A_2] : memref<200x4096xi32, #tpu.memory_space<hbm>> -> memref<1x128xi32, #tpu.memory_space<hbm>>
        %dma_start3A_497 = tpu.memref_squeeze %dma_start3A_496 : memref<1x128xi32, #tpu.memory_space<hbm>> -> memref<128xi32, #tpu.memory_space<hbm>>
        tpu.enqueue_dma source(%dma_start3A_497 : memref<128xi32, #tpu.memory_space<hbm>>) target(%arg10 : memref<128xi32, #tpu.memory_space<vmem>>) target_semaphore(%arg22 : memref<!tpu.dma_semaphore, #tpu.memory_space<semaphore_mem>>)
      } else {
      }
      %dma_wait3A_129 = arith.constant 0 : i32
      %dma_wait3A_130 = arith.constant 0 : i32
      %dma_wait3A_131 = tpu.memref_slice %arg3[%dma_wait3A_129, %dma_wait3A_130] : memref<1000000x128xf32, #tpu.memory_space<hbm>> -> memref<1000000x128xf32, #tpu.memory_space<hbm>>
      tpu.wait_indirect_dma semaphore(%arg23 : memref<!tpu.dma_semaphore, #tpu.memory_space<semaphore_mem>>) src(%dma_wait3A_131 : memref<1000000x128xf32, #tpu.memory_space<hbm>>) dst(%arg11 : memref<128x128xf32, #tpu.memory_space<vmem>>)
      %iota3A = tpu.iota {dimensions = array<i32: 0>} : vector<16xi32>
      %broadcast_in_dim3A = arith.constant 0 : i32
      %broadcast_in_dim3A_132 = vector.broadcast %broadcast_in_dim3A : i32 to vector<16xi32>
      %add3A_133 = arith.constant 0 : i32
      %add3A_134 = vector.broadcast %add3A_133 : i32 to vector<16xi32>
      %add3A_135 = arith.addi %iota3A, %add3A_134 : vector<16xi32>
      %add3A_136 = arith.constant 16 : i32
      %add3A_137 = vector.broadcast %add3A_136 : i32 to vector<16xi32>
      %add3A_138 = arith.addi %iota3A, %add3A_137 : vector<16xi32>
      %add3A_139 = arith.constant 32 : i32
      %add3A_140 = vector.broadcast %add3A_139 : i32 to vector<16xi32>
      %add3A_141 = arith.addi %iota3A, %add3A_140 : vector<16xi32>
      %add3A_142 = arith.constant 48 : i32
      %add3A_143 = vector.broadcast %add3A_142 : i32 to vector<16xi32>
      %add3A_144 = arith.addi %iota3A, %add3A_143 : vector<16xi32>
      %shift_right_arithmetic3A = arith.constant 3 : i32
      %shift_right_arithmetic3A_145 = vector.broadcast %shift_right_arithmetic3A : i32 to vector<16xi32>
      %shift_right_arithmetic3A_146 = arith.shrsi %add3A_135, %shift_right_arithmetic3A_145 : vector<16xi32>
      %shift_right_arithmetic3A_147 = arith.constant 3 : i32
      %shift_right_arithmetic3A_148 = vector.broadcast %shift_right_arithmetic3A_147 : i32 to vector<16xi32>
      %shift_right_arithmetic3A_149 = arith.shrsi %add3A_138, %shift_right_arithmetic3A_148 : vector<16xi32>
      %shift_right_arithmetic3A_150 = arith.constant 3 : i32
      %shift_right_arithmetic3A_151 = vector.broadcast %shift_right_arithmetic3A_150 : i32 to vector<16xi32>
      %shift_right_arithmetic3A_152 = arith.shrsi %add3A_141, %shift_right_arithmetic3A_151 : vector<16xi32>
      %shift_right_arithmetic3A_153 = arith.constant 3 : i32
      %shift_right_arithmetic3A_154 = vector.broadcast %shift_right_arithmetic3A_153 : i32 to vector<16xi32>
      %shift_right_arithmetic3A_155 = arith.shrsi %add3A_144, %shift_right_arithmetic3A_154 : vector<16xi32>
      %and3A = arith.constant 7 : i32
      %and3A_156 = vector.broadcast %and3A : i32 to vector<16xi32>
      %and3A_157 = arith.andi %add3A_135, %and3A_156 : vector<16xi32>
      %and3A_158 = arith.constant 7 : i32
      %and3A_159 = vector.broadcast %and3A_158 : i32 to vector<16xi32>
      %and3A_160 = arith.andi %add3A_138, %and3A_159 : vector<16xi32>
      %and3A_161 = arith.constant 7 : i32
      %and3A_162 = vector.broadcast %and3A_161 : i32 to vector<16xi32>
      %and3A_163 = arith.andi %add3A_141, %and3A_162 : vector<16xi32>
      %and3A_164 = arith.constant 7 : i32
      %and3A_165 = vector.broadcast %and3A_164 : i32 to vector<16xi32>
      %and3A_166 = arith.andi %add3A_144, %and3A_165 : vector<16xi32>
      %get3A = arith.index_cast %add3A_124 : i32 to index
      %get3A_167 = arith.constant 0 : index
      %get3A_168 = tpu.vector_load %arg6[%get3A, %get3A_167] {strides = array<i32>} : memref<200x64xf32, #tpu.memory_space<vmem>>, vector<16xf32>,
      %get3A_169 = arith.index_cast %add3A_124 : i32 to index
      %get3A_170 = arith.constant 16 : index
      %get3A_171 = tpu.vector_load %arg6[%get3A_169, %get3A_170] {strides = array<i32>} : memref<200x64xf32, #tpu.memory_space<vmem>>, vector<16xf32>,
      %get3A_172 = arith.index_cast %add3A_124 : i32 to index
      %get3A_173 = arith.constant 32 : index
      %get3A_174 = tpu.vector_load %arg6[%get3A_172, %get3A_173] {strides = array<i32>} : memref<200x64xf32, #tpu.memory_space<vmem>>, vector<16xf32>,
      %get3A_175 = arith.index_cast %add3A_124 : i32 to index
      %get3A_176 = arith.constant 48 : index
      %get3A_177 = tpu.vector_load %arg6[%get3A_175, %get3A_176] {strides = array<i32>} : memref<200x64xf32, #tpu.memory_space<vmem>>, vector<16xf32>,
      %parallel_loop3A = arith.constant 0 : i32
      %parallel_loop3A_178 = arith.constant 128 : i32
      %parallel_loop3A_179 = arith.constant 2 : i32
      scf.for %parallel_loop3A_492 = %parallel_loop3A to %parallel_loop3A_178 step %parallel_loop3A_179  : i32 {
        %parallel_loop3A_493 = arith.constant 0 : i32
        %parallel_loop3A_494 = arith.addi %parallel_loop3A_492, %parallel_loop3A_493 : i32
        %parallel_loop3A_495 = vector.broadcast %parallel_loop3A_494 : i32 to vector<16xi32>
        %parallel_loop3A_496 = arith.index_cast %parallel_loop3A_494 : i32 to index
        %parallel_loop3A_497 = arith.constant 0 : index
        %parallel_loop3A_498 = tpu.vector_load %arg11[%parallel_loop3A_496, %parallel_loop3A_497] {strides = array<i32>} : memref<128x128xf32, #tpu.memory_space<vmem>>, vector<16xf32>,
        %parallel_loop3A_499 = arith.addf %parallel_loop3A_498, %get3A_168 : vector<16xf32>
        tpu.vector_store_idx %arg15[%shift_right_arithmetic3A_146, %broadcast_in_dim3A_132, %and3A_157, %parallel_loop3A_495], %parallel_loop3A_499 : memref<8x1x8x129xf32, #tpu.memory_space<vmem>>[vector<16xi32>, vector<16xi32>, vector<16xi32>, vector<16xi32>], vector<16xf32>,
        %parallel_loop3A_500 = arith.index_cast %parallel_loop3A_494 : i32 to index
        %parallel_loop3A_501 = arith.constant 16 : index
        %parallel_loop3A_502 = tpu.vector_load %arg11[%parallel_loop3A_500, %parallel_loop3A_501] {strides = array<i32>} : memref<128x128xf32, #tpu.memory_space<vmem>>, vector<16xf32>,
        %parallel_loop3A_503 = arith.addf %parallel_loop3A_502, %get3A_171 : vector<16xf32>
        tpu.vector_store_idx %arg15[%shift_right_arithmetic3A_149, %broadcast_in_dim3A_132, %and3A_160, %parallel_loop3A_495], %parallel_loop3A_503 : memref<8x1x8x129xf32, #tpu.memory_space<vmem>>[vector<16xi32>, vector<16xi32>, vector<16xi32>, vector<16xi32>], vector<16xf32>,
        %parallel_loop3A_504 = arith.index_cast %parallel_loop3A_494 : i32 to index
        %parallel_loop3A_505 = arith.constant 32 : index
        %parallel_loop3A_506 = tpu.vector_load %arg11[%parallel_loop3A_504, %parallel_loop3A_505] {strides = array<i32>} : memref<128x128xf32, #tpu.memory_space<vmem>>, vector<16xf32>,
        %parallel_loop3A_507 = arith.addf %parallel_loop3A_506, %get3A_174 : vector<16xf32>
        tpu.vector_store_idx %arg15[%shift_right_arithmetic3A_152, %broadcast_in_dim3A_132, %and3A_163, %parallel_loop3A_495], %parallel_loop3A_507 : memref<8x1x8x129xf32, #tpu.memory_space<vmem>>[vector<16xi32>, vector<16xi32>, vector<16xi32>, vector<16xi32>], vector<16xf32>,
        %parallel_loop3A_508 = arith.index_cast %parallel_loop3A_494 : i32 to index
        %parallel_loop3A_509 = arith.constant 48 : index
        %parallel_loop3A_510 = tpu.vector_load %arg11[%parallel_loop3A_508, %parallel_loop3A_509] {strides = array<i32>} : memref<128x128xf32, #tpu.memory_space<vmem>>, vector<16xf32>,
        %parallel_loop3A_511 = arith.addf %parallel_loop3A_510, %get3A_177 : vector<16xf32>
        tpu.vector_store_idx %arg15[%shift_right_arithmetic3A_155, %broadcast_in_dim3A_132, %and3A_166, %parallel_loop3A_495], %parallel_loop3A_511 : memref<8x1x8x129xf32, #tpu.memory_space<vmem>>[vector<16xi32>, vector<16xi32>, vector<16xi32>, vector<16xi32>], vector<16xf32>,
        %parallel_loop3A_512 = arith.constant 1 : i32
        %parallel_loop3A_513 = arith.addi %parallel_loop3A_492, %parallel_loop3A_512 : i32
        %parallel_loop3A_514 = vector.broadcast %parallel_loop3A_513 : i32 to vector<16xi32>
        %parallel_loop3A_515 = arith.index_cast %parallel_loop3A_513 : i32 to index
        %parallel_loop3A_516 = arith.constant 0 : index
        %parallel_loop3A_517 = tpu.vector_load %arg11[%parallel_loop3A_515, %parallel_loop3A_516] {strides = array<i32>} : memref<128x128xf32, #tpu.memory_space<vmem>>, vector<16xf32>,
        %parallel_loop3A_518 = arith.addf %parallel_loop3A_517, %get3A_168 : vector<16xf32>
        tpu.vector_store_idx %arg15[%shift_right_arithmetic3A_146, %broadcast_in_dim3A_132, %and3A_157, %parallel_loop3A_514], %parallel_loop3A_518 : memref<8x1x8x129xf32, #tpu.memory_space<vmem>>[vector<16xi32>, vector<16xi32>, vector<16xi32>, vector<16xi32>], vector<16xf32>,
        %parallel_loop3A_519 = arith.index_cast %parallel_loop3A_513 : i32 to index
        %parallel_loop3A_520 = arith.constant 16 : index
        %parallel_loop3A_521 = tpu.vector_load %arg11[%parallel_loop3A_519, %parallel_loop3A_520] {strides = array<i32>} : memref<128x128xf32, #tpu.memory_space<vmem>>, vector<16xf32>,
        %parallel_loop3A_522 = arith.addf %parallel_loop3A_521, %get3A_171 : vector<16xf32>
        tpu.vector_store_idx %arg15[%shift_right_arithmetic3A_149, %broadcast_in_dim3A_132, %and3A_160, %parallel_loop3A_514], %parallel_loop3A_522 : memref<8x1x8x129xf32, #tpu.memory_space<vmem>>[vector<16xi32>, vector<16xi32>, vector<16xi32>, vector<16xi32>], vector<16xf32>,
        %parallel_loop3A_523 = arith.index_cast %parallel_loop3A_513 : i32 to index
        %parallel_loop3A_524 = arith.constant 32 : index
        %parallel_loop3A_525 = tpu.vector_load %arg11[%parallel_loop3A_523, %parallel_loop3A_524] {strides = array<i32>} : memref<128x128xf32, #tpu.memory_space<vmem>>, vector<16xf32>,
        %parallel_loop3A_526 = arith.addf %parallel_loop3A_525, %get3A_174 : vector<16xf32>
        tpu.vector_store_idx %arg15[%shift_right_arithmetic3A_152, %broadcast_in_dim3A_132, %and3A_163, %parallel_loop3A_514], %parallel_loop3A_526 : memref<8x1x8x129xf32, #tpu.memory_space<vmem>>[vector<16xi32>, vector<16xi32>, vector<16xi32>, vector<16xi32>], vector<16xf32>,
        %parallel_loop3A_527 = arith.index_cast %parallel_loop3A_513 : i32 to index
        %parallel_loop3A_528 = arith.constant 48 : index
        %parallel_loop3A_529 = tpu.vector_load %arg11[%parallel_loop3A_527, %parallel_loop3A_528] {strides = array<i32>} : memref<128x128xf32, #tpu.memory_space<vmem>>, vector<16xf32>,
        %parallel_loop3A_530 = arith.addf %parallel_loop3A_529, %get3A_177 : vector<16xf32>
        tpu.vector_store_idx %arg15[%shift_right_arithmetic3A_155, %broadcast_in_dim3A_132, %and3A_166, %parallel_loop3A_514], %parallel_loop3A_530 : memref<8x1x8x129xf32, #tpu.memory_space<vmem>>[vector<16xi32>, vector<16xi32>, vector<16xi32>, vector<16xi32>], vector<16xf32>,
      } {sc.loop_unroll_factor = 4 : i64, sc.parallel_access}
      %dma_start3A_180 = arith.constant 0 : i32
      %dma_start3A_181 = arith.constant 0 : i32
      %dma_start3A_182 = arith.constant 0 : i32
      %dma_start3A_183 = arith.constant 0 : i32
      %dma_start3A_184 = tpu.memref_slice %arg15[%dma_start3A_180, %dma_start3A_181, %dma_start3A_182, %dma_start3A_183] : memref<8x1x8x129xf32, #tpu.memory_space<vmem>> -> memref<8x1x8x128xf32, #tpu.memory_space<vmem>>
      %dma_start3A_185 = arith.constant 0 : i32
      %dma_start3A_186 = arith.constant 0 : i32
      %dma_start3A_187 = arith.constant 0 : i32
      %dma_start3A_188 = tpu.memref_slice %arg5[%add3A_124, %dma_start3A_185, %add3A, %dma_start3A_186, %dma_start3A_187] : memref<200x8x32x8x128xf32, #tpu.memory_space<hbm>> -> memref<1x8x1x8x128xf32, #tpu.memory_space<hbm>>
      %dma_start3A_189 = tpu.memref_squeeze %dma_start3A_188 : memref<1x8x1x8x128xf32, #tpu.memory_space<hbm>> -> memref<8x1x8x128xf32, #tpu.memory_space<hbm>>
      %dma_start3A_190 = arith.constant 0 : i32
      %dma_start3A_191 = arith.constant 0 : i32
      %dma_start3A_192 = arith.constant 0 : i32
      %dma_start3A_193 = tpu.memref_slice %arg5[%add3A_124, %dma_start3A_190, %add3A, %dma_start3A_191, %dma_start3A_192] : memref<200x8x32x8x128xf32, #tpu.memory_space<hbm>> -> memref<1x8x1x8x128xf32, #tpu.memory_space<hbm>>
      %dma_start3A_194 = tpu.memref_squeeze %dma_start3A_193 : memref<1x8x1x8x128xf32, #tpu.memory_space<hbm>> -> memref<8x1x8x128xf32, #tpu.memory_space<hbm>>
      %dma_start3A_195 = arith.constant 0 : i32
      %dma_start3A_196 = arith.constant 0 : i32
      %dma_start3A_197 = arith.constant 0 : i32
      %dma_start3A_198 = arith.constant 0 : i32
      %dma_start3A_199 = tpu.memref_slice %arg15[%dma_start3A_195, %dma_start3A_196, %dma_start3A_197, %dma_start3A_198] : memref<8x1x8x129xf32, #tpu.memory_space<vmem>> -> memref<8x1x8x128xf32, #tpu.memory_space<vmem>>
      tpu.enqueue_dma source(%dma_start3A_199 : memref<8x1x8x128xf32, #tpu.memory_space<vmem>>) target(%dma_start3A_194 : memref<8x1x8x128xf32, #tpu.memory_space<hbm>>) target_semaphore(%arg27 : memref<!tpu.dma_semaphore, #tpu.memory_space<semaphore_mem>>)
      %add3A_200 = arith.constant 2 : i32
      %add3A_201 = arith.addi %add3A_124, %add3A_200 : i32
      %lt3A_202 = arith.constant 200 : i32
      %lt3A_203 = arith.cmpi slt, %add3A_201, %lt3A_202 : i32
      %convert_element_type3A_204 = arith.extui %lt3A_203 : i1 to i32
      %cond3A_205 = arith.constant 0 : i32
      %cond3A_206 = arith.cmpi ne, %convert_element_type3A_204, %cond3A_205 : i32
      scf.if %cond3A_206 {
        %ge3A = arith.constant 2 : i32
        %ge3A_492 = arith.cmpi sge, %add3A_124, %ge3A : i32
        %convert_element_type3A_493 = arith.extui %ge3A_492 : i1 to i32
        %cond3A_494 = arith.constant 0 : i32
        %cond3A_495 = arith.cmpi ne, %convert_element_type3A_493, %cond3A_494 : i32
        scf.if %cond3A_495 {
          %sub3A = arith.constant 2 : i32
          %sub3A_505 = arith.subi %add3A_124, %sub3A : i32
          %dma_wait3A_506 = arith.constant 0 : i32
          %dma_wait3A_507 = arith.constant 0 : i32
          %dma_wait3A_508 = arith.constant 0 : i32
          %dma_wait3A_509 = arith.constant 0 : i32
          %dma_wait3A_510 = tpu.memref_slice %arg17[%dma_wait3A_506, %dma_wait3A_507, %dma_wait3A_508, %dma_wait3A_509] : memref<8x1x8x129xf32, #tpu.memory_space<vmem>> -> memref<8x1x8x128xf32, #tpu.memory_space<vmem>>
          %dma_wait3A_511 = arith.constant 0 : i32
          %dma_wait3A_512 = arith.constant 0 : i32
          %dma_wait3A_513 = arith.constant 0 : i32
          %dma_wait3A_514 = tpu.memref_slice %arg5[%sub3A_505, %dma_wait3A_511, %add3A, %dma_wait3A_512, %dma_wait3A_513] : memref<200x8x32x8x128xf32, #tpu.memory_space<hbm>> -> memref<1x8x1x8x128xf32, #tpu.memory_space<hbm>>
          %dma_wait3A_515 = tpu.memref_squeeze %dma_wait3A_514 : memref<1x8x1x8x128xf32, #tpu.memory_space<hbm>> -> memref<8x1x8x128xf32, #tpu.memory_space<hbm>>
          %dma_wait3A_516 = arith.constant 0 : i32
          %dma_wait3A_517 = arith.constant 0 : i32
          %dma_wait3A_518 = arith.constant 0 : i32
          %dma_wait3A_519 = tpu.memref_slice %arg5[%sub3A_505, %dma_wait3A_516, %add3A, %dma_wait3A_517, %dma_wait3A_518] : memref<200x8x32x8x128xf32, #tpu.memory_space<hbm>> -> memref<1x8x1x8x128xf32, #tpu.memory_space<hbm>>
          %dma_wait3A_520 = tpu.memref_squeeze %dma_wait3A_519 : memref<1x8x1x8x128xf32, #tpu.memory_space<hbm>> -> memref<8x1x8x128xf32, #tpu.memory_space<hbm>>
          %dma_wait3A_521 = arith.constant 0 : i32
          %dma_wait3A_522 = arith.constant 0 : i32
          %dma_wait3A_523 = arith.constant 0 : i32
          %dma_wait3A_524 = arith.constant 0 : i32
          %dma_wait3A_525 = tpu.memref_slice %arg17[%dma_wait3A_521, %dma_wait3A_522, %dma_wait3A_523, %dma_wait3A_524] : memref<8x1x8x129xf32, #tpu.memory_space<vmem>> -> memref<8x1x8x128xf32, #tpu.memory_space<vmem>>
          tpu.wait_dma2 semaphore(%arg29 : memref<!tpu.dma_semaphore, #tpu.memory_space<semaphore_mem>>) src(%dma_wait3A_525 : memref<8x1x8x128xf32, #tpu.memory_space<vmem>>) dst(%dma_wait3A_520 : memref<8x1x8x128xf32, #tpu.memory_space<hbm>>)
        } else {
        }
        %add3A_496 = arith.constant 2 : i32
        %add3A_497 = arith.addi %add3A_124, %add3A_496 : i32
        %dma_wait3A_498 = tpu.memref_slice %arg2[%add3A_497, %mul3A_2] : memref<200x4096xi32, #tpu.memory_space<hbm>> -> memref<1x128xi32, #tpu.memory_space<hbm>>
        %dma_wait3A_499 = tpu.memref_squeeze %dma_wait3A_498 : memref<1x128xi32, #tpu.memory_space<hbm>> -> memref<128xi32, #tpu.memory_space<hbm>>
        %dma_wait3A_500 = tpu.memref_slice %arg2[%add3A_497, %mul3A_2] : memref<200x4096xi32, #tpu.memory_space<hbm>> -> memref<1x128xi32, #tpu.memory_space<hbm>>
        %dma_wait3A_501 = tpu.memref_squeeze %dma_wait3A_500 : memref<1x128xi32, #tpu.memory_space<hbm>> -> memref<128xi32, #tpu.memory_space<hbm>>
        tpu.wait_dma2 semaphore(%arg21 : memref<!tpu.dma_semaphore, #tpu.memory_space<semaphore_mem>>) src(%dma_wait3A_501 : memref<128xi32, #tpu.memory_space<hbm>>) dst(%arg9 : memref<128xi32, #tpu.memory_space<vmem>>)
        %dma_start3A_502 = arith.constant 0 : i32
        %dma_start3A_503 = arith.constant 0 : i32
        %dma_start3A_504 = tpu.memref_slice %arg3[%dma_start3A_502, %dma_start3A_503] : memref<1000000x128xf32, #tpu.memory_space<hbm>> -> memref<1000000x128xf32, #tpu.memory_space<hbm>>
        tpu.enqueue_indirect_dma source(%dma_start3A_504 : memref<1000000x128xf32, #tpu.memory_space<hbm>>) target(%arg13 : memref<128x128xf32, #tpu.memory_space<vmem>>) offsets(%arg9 : memref<128xi32, #tpu.memory_space<vmem>>) semaphore(%arg25 : memref<!tpu.dma_semaphore, #tpu.memory_space<semaphore_mem>>)
      } else {
      }
      %mul3A_207 = arith.constant 4 : i32
      %mul3A_208 = arith.muli %scan3A_120, %mul3A_207 : i32
      %add3A_209 = arith.constant 1 : i32
      %add3A_210 = arith.addi %mul3A_208, %add3A_209 : i32
      %add3A_211 = arith.constant 3 : i32
      %add3A_212 = arith.addi %add3A_210, %add3A_211 : i32
      %lt3A_213 = arith.constant 200 : i32
      %lt3A_214 = arith.cmpi slt, %add3A_212, %lt3A_213 : i32
      %convert_element_type3A_215 = arith.extui %lt3A_214 : i1 to i32
      %cond3A_216 = arith.constant 0 : i32
      %cond3A_217 = arith.cmpi ne, %convert_element_type3A_215, %cond3A_216 : i32
      scf.if %cond3A_217 {
        %add3A_492 = arith.constant 3 : i32
        %add3A_493 = arith.addi %add3A_210, %add3A_492 : i32
        %dma_start3A_494 = tpu.memref_slice %arg2[%add3A_493, %mul3A_2] : memref<200x4096xi32, #tpu.memory_space<hbm>> -> memref<1x128xi32, #tpu.memory_space<hbm>>
        %dma_start3A_495 = tpu.memref_squeeze %dma_start3A_494 : memref<1x128xi32, #tpu.memory_space<hbm>> -> memref<128xi32, #tpu.memory_space<hbm>>
        %dma_start3A_496 = tpu.memref_slice %arg2[%add3A_493, %mul3A_2] : memref<200x4096xi32, #tpu.memory_space<hbm>> -> memref<1x128xi32, #tpu.memory_space<hbm>>
        %dma_start3A_497 = tpu.memref_squeeze %dma_start3A_496 : memref<1x128xi32, #tpu.memory_space<hbm>> -> memref<128xi32, #tpu.memory_space<hbm>>
        tpu.enqueue_dma source(%dma_start3A_497 : memref<128xi32, #tpu.memory_space<hbm>>) target(%arg7 : memref<128xi32, #tpu.memory_space<vmem>>) target_semaphore(%arg19 : memref<!tpu.dma_semaphore, #tpu.memory_space<semaphore_mem>>)
      } else {
      }
      %dma_wait3A_218 = arith.constant 0 : i32
      %dma_wait3A_219 = arith.constant 0 : i32
      %dma_wait3A_220 = tpu.memref_slice %arg3[%dma_wait3A_218, %dma_wait3A_219] : memref<1000000x128xf32, #tpu.memory_space<hbm>> -> memref<1000000x128xf32, #tpu.memory_space<hbm>>
      tpu.wait_indirect_dma semaphore(%arg24 : memref<!tpu.dma_semaphore, #tpu.memory_space<semaphore_mem>>) src(%dma_wait3A_220 : memref<1000000x128xf32, #tpu.memory_space<hbm>>) dst(%arg12 : memref<128x128xf32, #tpu.memory_space<vmem>>)
      %iota3A_221 = tpu.iota {dimensions = array<i32: 0>} : vector<16xi32>
      %broadcast_in_dim3A_222 = arith.constant 0 : i32
      %broadcast_in_dim3A_223 = vector.broadcast %broadcast_in_dim3A_222 : i32 to vector<16xi32>
      %add3A_224 = arith.constant 0 : i32
      %add3A_225 = vector.broadcast %add3A_224 : i32 to vector<16xi32>
      %add3A_226 = arith.addi %iota3A_221, %add3A_225 : vector<16xi32>
      %add3A_227 = arith.constant 16 : i32
      %add3A_228 = vector.broadcast %add3A_227 : i32 to vector<16xi32>
      %add3A_229 = arith.addi %iota3A_221, %add3A_228 : vector<16xi32>
      %add3A_230 = arith.constant 32 : i32
      %add3A_231 = vector.broadcast %add3A_230 : i32 to vector<16xi32>
      %add3A_232 = arith.addi %iota3A_221, %add3A_231 : vector<16xi32>
      %add3A_233 = arith.constant 48 : i32
      %add3A_234 = vector.broadcast %add3A_233 : i32 to vector<16xi32>
      %add3A_235 = arith.addi %iota3A_221, %add3A_234 : vector<16xi32>
      %shift_right_arithmetic3A_236 = arith.constant 3 : i32
      %shift_right_arithmetic3A_237 = vector.broadcast %shift_right_arithmetic3A_236 : i32 to vector<16xi32>
      %shift_right_arithmetic3A_238 = arith.shrsi %add3A_226, %shift_right_arithmetic3A_237 : vector<16xi32>
      %shift_right_arithmetic3A_239 = arith.constant 3 : i32
      %shift_right_arithmetic3A_240 = vector.broadcast %shift_right_arithmetic3A_239 : i32 to vector<16xi32>
      %shift_right_arithmetic3A_241 = arith.shrsi %add3A_229, %shift_right_arithmetic3A_240 : vector<16xi32>
      %shift_right_arithmetic3A_242 = arith.constant 3 : i32
      %shift_right_arithmetic3A_243 = vector.broadcast %shift_right_arithmetic3A_242 : i32 to vector<16xi32>
      %shift_right_arithmetic3A_244 = arith.shrsi %add3A_232, %shift_right_arithmetic3A_243 : vector<16xi32>
      %shift_right_arithmetic3A_245 = arith.constant 3 : i32
      %shift_right_arithmetic3A_246 = vector.broadcast %shift_right_arithmetic3A_245 : i32 to vector<16xi32>
      %shift_right_arithmetic3A_247 = arith.shrsi %add3A_235, %shift_right_arithmetic3A_246 : vector<16xi32>
      %and3A_248 = arith.constant 7 : i32
      %and3A_249 = vector.broadcast %and3A_248 : i32 to vector<16xi32>
      %and3A_250 = arith.andi %add3A_226, %and3A_249 : vector<16xi32>
      %and3A_251 = arith.constant 7 : i32
      %and3A_252 = vector.broadcast %and3A_251 : i32 to vector<16xi32>
      %and3A_253 = arith.andi %add3A_229, %and3A_252 : vector<16xi32>
      %and3A_254 = arith.constant 7 : i32
      %and3A_255 = vector.broadcast %and3A_254 : i32 to vector<16xi32>
      %and3A_256 = arith.andi %add3A_232, %and3A_255 : vector<16xi32>
      %and3A_257 = arith.constant 7 : i32
      %and3A_258 = vector.broadcast %and3A_257 : i32 to vector<16xi32>
      %and3A_259 = arith.andi %add3A_235, %and3A_258 : vector<16xi32>
      %get3A_260 = arith.index_cast %add3A_210 : i32 to index
      %get3A_261 = arith.constant 0 : index
      %get3A_262 = tpu.vector_load %arg6[%get3A_260, %get3A_261] {strides = array<i32>} : memref<200x64xf32, #tpu.memory_space<vmem>>, vector<16xf32>,
      %get3A_263 = arith.index_cast %add3A_210 : i32 to index
      %get3A_264 = arith.constant 16 : index
      %get3A_265 = tpu.vector_load %arg6[%get3A_263, %get3A_264] {strides = array<i32>} : memref<200x64xf32, #tpu.memory_space<vmem>>, vector<16xf32>,
      %get3A_266 = arith.index_cast %add3A_210 : i32 to index
      %get3A_267 = arith.constant 32 : index
      %get3A_268 = tpu.vector_load %arg6[%get3A_266, %get3A_267] {strides = array<i32>} : memref<200x64xf32, #tpu.memory_space<vmem>>, vector<16xf32>,
      %get3A_269 = arith.index_cast %add3A_210 : i32 to index
      %get3A_270 = arith.constant 48 : index
      %get3A_271 = tpu.vector_load %arg6[%get3A_269, %get3A_270] {strides = array<i32>} : memref<200x64xf32, #tpu.memory_space<vmem>>, vector<16xf32>,
      %parallel_loop3A_272 = arith.constant 0 : i32
      %parallel_loop3A_273 = arith.constant 128 : i32
      %parallel_loop3A_274 = arith.constant 2 : i32
      scf.for %parallel_loop3A_492 = %parallel_loop3A_272 to %parallel_loop3A_273 step %parallel_loop3A_274  : i32 {
        %parallel_loop3A_493 = arith.constant 0 : i32
        %parallel_loop3A_494 = arith.addi %parallel_loop3A_492, %parallel_loop3A_493 : i32
        %parallel_loop3A_495 = vector.broadcast %parallel_loop3A_494 : i32 to vector<16xi32>
        %parallel_loop3A_496 = arith.index_cast %parallel_loop3A_494 : i32 to index
        %parallel_loop3A_497 = arith.constant 0 : index
        %parallel_loop3A_498 = tpu.vector_load %arg12[%parallel_loop3A_496, %parallel_loop3A_497] {strides = array<i32>} : memref<128x128xf32, #tpu.memory_space<vmem>>, vector<16xf32>,
        %parallel_loop3A_499 = arith.addf %parallel_loop3A_498, %get3A_262 : vector<16xf32>
        tpu.vector_store_idx %arg16[%shift_right_arithmetic3A_238, %broadcast_in_dim3A_223, %and3A_250, %parallel_loop3A_495], %parallel_loop3A_499 : memref<8x1x8x129xf32, #tpu.memory_space<vmem>>[vector<16xi32>, vector<16xi32>, vector<16xi32>, vector<16xi32>], vector<16xf32>,
        %parallel_loop3A_500 = arith.index_cast %parallel_loop3A_494 : i32 to index
        %parallel_loop3A_501 = arith.constant 16 : index
        %parallel_loop3A_502 = tpu.vector_load %arg12[%parallel_loop3A_500, %parallel_loop3A_501] {strides = array<i32>} : memref<128x128xf32, #tpu.memory_space<vmem>>, vector<16xf32>,
        %parallel_loop3A_503 = arith.addf %parallel_loop3A_502, %get3A_265 : vector<16xf32>
        tpu.vector_store_idx %arg16[%shift_right_arithmetic3A_241, %broadcast_in_dim3A_223, %and3A_253, %parallel_loop3A_495], %parallel_loop3A_503 : memref<8x1x8x129xf32, #tpu.memory_space<vmem>>[vector<16xi32>, vector<16xi32>, vector<16xi32>, vector<16xi32>], vector<16xf32>,
        %parallel_loop3A_504 = arith.index_cast %parallel_loop3A_494 : i32 to index
        %parallel_loop3A_505 = arith.constant 32 : index
        %parallel_loop3A_506 = tpu.vector_load %arg12[%parallel_loop3A_504, %parallel_loop3A_505] {strides = array<i32>} : memref<128x128xf32, #tpu.memory_space<vmem>>, vector<16xf32>,
        %parallel_loop3A_507 = arith.addf %parallel_loop3A_506, %get3A_268 : vector<16xf32>
        tpu.vector_store_idx %arg16[%shift_right_arithmetic3A_244, %broadcast_in_dim3A_223, %and3A_256, %parallel_loop3A_495], %parallel_loop3A_507 : memref<8x1x8x129xf32, #tpu.memory_space<vmem>>[vector<16xi32>, vector<16xi32>, vector<16xi32>, vector<16xi32>], vector<16xf32>,
        %parallel_loop3A_508 = arith.index_cast %parallel_loop3A_494 : i32 to index
        %parallel_loop3A_509 = arith.constant 48 : index
        %parallel_loop3A_510 = tpu.vector_load %arg12[%parallel_loop3A_508, %parallel_loop3A_509] {strides = array<i32>} : memref<128x128xf32, #tpu.memory_space<vmem>>, vector<16xf32>,
        %parallel_loop3A_511 = arith.addf %parallel_loop3A_510, %get3A_271 : vector<16xf32>
        tpu.vector_store_idx %arg16[%shift_right_arithmetic3A_247, %broadcast_in_dim3A_223, %and3A_259, %parallel_loop3A_495], %parallel_loop3A_511 : memref<8x1x8x129xf32, #tpu.memory_space<vmem>>[vector<16xi32>, vector<16xi32>, vector<16xi32>, vector<16xi32>], vector<16xf32>,
        %parallel_loop3A_512 = arith.constant 1 : i32
        %parallel_loop3A_513 = arith.addi %parallel_loop3A_492, %parallel_loop3A_512 : i32
        %parallel_loop3A_514 = vector.broadcast %parallel_loop3A_513 : i32 to vector<16xi32>
        %parallel_loop3A_515 = arith.index_cast %parallel_loop3A_513 : i32 to index
        %parallel_loop3A_516 = arith.constant 0 : index
        %parallel_loop3A_517 = tpu.vector_load %arg12[%parallel_loop3A_515, %parallel_loop3A_516] {strides = array<i32>} : memref<128x128xf32, #tpu.memory_space<vmem>>, vector<16xf32>,
        %parallel_loop3A_518 = arith.addf %parallel_loop3A_517, %get3A_262 : vector<16xf32>
        tpu.vector_store_idx %arg16[%shift_right_arithmetic3A_238, %broadcast_in_dim3A_223, %and3A_250, %parallel_loop3A_514], %parallel_loop3A_518 : memref<8x1x8x129xf32, #tpu.memory_space<vmem>>[vector<16xi32>, vector<16xi32>, vector<16xi32>, vector<16xi32>], vector<16xf32>,
        %parallel_loop3A_519 = arith.index_cast %parallel_loop3A_513 : i32 to index
        %parallel_loop3A_520 = arith.constant 16 : index
        %parallel_loop3A_521 = tpu.vector_load %arg12[%parallel_loop3A_519, %parallel_loop3A_520] {strides = array<i32>} : memref<128x128xf32, #tpu.memory_space<vmem>>, vector<16xf32>,
        %parallel_loop3A_522 = arith.addf %parallel_loop3A_521, %get3A_265 : vector<16xf32>
        tpu.vector_store_idx %arg16[%shift_right_arithmetic3A_241, %broadcast_in_dim3A_223, %and3A_253, %parallel_loop3A_514], %parallel_loop3A_522 : memref<8x1x8x129xf32, #tpu.memory_space<vmem>>[vector<16xi32>, vector<16xi32>, vector<16xi32>, vector<16xi32>], vector<16xf32>,
        %parallel_loop3A_523 = arith.index_cast %parallel_loop3A_513 : i32 to index
        %parallel_loop3A_524 = arith.constant 32 : index
        %parallel_loop3A_525 = tpu.vector_load %arg12[%parallel_loop3A_523, %parallel_loop3A_524] {strides = array<i32>} : memref<128x128xf32, #tpu.memory_space<vmem>>, vector<16xf32>,
        %parallel_loop3A_526 = arith.addf %parallel_loop3A_525, %get3A_268 : vector<16xf32>
        tpu.vector_store_idx %arg16[%shift_right_arithmetic3A_244, %broadcast_in_dim3A_223, %and3A_256, %parallel_loop3A_514], %parallel_loop3A_526 : memref<8x1x8x129xf32, #tpu.memory_space<vmem>>[vector<16xi32>, vector<16xi32>, vector<16xi32>, vector<16xi32>], vector<16xf32>,
        %parallel_loop3A_527 = arith.index_cast %parallel_loop3A_513 : i32 to index
        %parallel_loop3A_528 = arith.constant 48 : index
        %parallel_loop3A_529 = tpu.vector_load %arg12[%parallel_loop3A_527, %parallel_loop3A_528] {strides = array<i32>} : memref<128x128xf32, #tpu.memory_space<vmem>>, vector<16xf32>,
        %parallel_loop3A_530 = arith.addf %parallel_loop3A_529, %get3A_271 : vector<16xf32>
        tpu.vector_store_idx %arg16[%shift_right_arithmetic3A_247, %broadcast_in_dim3A_223, %and3A_259, %parallel_loop3A_514], %parallel_loop3A_530 : memref<8x1x8x129xf32, #tpu.memory_space<vmem>>[vector<16xi32>, vector<16xi32>, vector<16xi32>, vector<16xi32>], vector<16xf32>,
      } {sc.loop_unroll_factor = 4 : i64, sc.parallel_access}
      %dma_start3A_275 = arith.constant 0 : i32
      %dma_start3A_276 = arith.constant 0 : i32
      %dma_start3A_277 = arith.constant 0 : i32
      %dma_start3A_278 = arith.constant 0 : i32
      %dma_start3A_279 = tpu.memref_slice %arg16[%dma_start3A_275, %dma_start3A_276, %dma_start3A_277, %dma_start3A_278] : memref<8x1x8x129xf32, #tpu.memory_space<vmem>> -> memref<8x1x8x128xf32, #tpu.memory_space<vmem>>
      %dma_start3A_280 = arith.constant 0 : i32
      %dma_start3A_281 = arith.constant 0 : i32
      %dma_start3A_282 = arith.constant 0 : i32
      %dma_start3A_283 = tpu.memref_slice %arg5[%add3A_210, %dma_start3A_280, %add3A, %dma_start3A_281, %dma_start3A_282] : memref<200x8x32x8x128xf32, #tpu.memory_space<hbm>> -> memref<1x8x1x8x128xf32, #tpu.memory_space<hbm>>
      %dma_start3A_284 = tpu.memref_squeeze %dma_start3A_283 : memref<1x8x1x8x128xf32, #tpu.memory_space<hbm>> -> memref<8x1x8x128xf32, #tpu.memory_space<hbm>>
      %dma_start3A_285 = arith.constant 0 : i32
      %dma_start3A_286 = arith.constant 0 : i32
      %dma_start3A_287 = arith.constant 0 : i32
      %dma_start3A_288 = tpu.memref_slice %arg5[%add3A_210, %dma_start3A_285, %add3A, %dma_start3A_286, %dma_start3A_287] : memref<200x8x32x8x128xf32, #tpu.memory_space<hbm>> -> memref<1x8x1x8x128xf32, #tpu.memory_space<hbm>>
      %dma_start3A_289 = tpu.memref_squeeze %dma_start3A_288 : memref<1x8x1x8x128xf32, #tpu.memory_space<hbm>> -> memref<8x1x8x128xf32, #tpu.memory_space<hbm>>
      %dma_start3A_290 = arith.constant 0 : i32
      %dma_start3A_291 = arith.constant 0 : i32
      %dma_start3A_292 = arith.constant 0 : i32
      %dma_start3A_293 = arith.constant 0 : i32
      %dma_start3A_294 = tpu.memref_slice %arg16[%dma_start3A_290, %dma_start3A_291, %dma_start3A_292, %dma_start3A_293] : memref<8x1x8x129xf32, #tpu.memory_space<vmem>> -> memref<8x1x8x128xf32, #tpu.memory_space<vmem>>
      tpu.enqueue_dma source(%dma_start3A_294 : memref<8x1x8x128xf32, #tpu.memory_space<vmem>>) target(%dma_start3A_289 : memref<8x1x8x128xf32, #tpu.memory_space<hbm>>) target_semaphore(%arg28 : memref<!tpu.dma_semaphore, #tpu.memory_space<semaphore_mem>>)
      %add3A_295 = arith.constant 2 : i32
      %add3A_296 = arith.addi %add3A_210, %add3A_295 : i32
      %lt3A_297 = arith.constant 200 : i32
      %lt3A_298 = arith.cmpi slt, %add3A_296, %lt3A_297 : i32
      %convert_element_type3A_299 = arith.extui %lt3A_298 : i1 to i32
      %cond3A_300 = arith.constant 0 : i32
      %cond3A_301 = arith.cmpi ne, %convert_element_type3A_299, %cond3A_300 : i32
      scf.if %cond3A_301 {
        %ge3A = arith.constant 2 : i32
        %ge3A_492 = arith.cmpi sge, %add3A_210, %ge3A : i32
        %convert_element_type3A_493 = arith.extui %ge3A_492 : i1 to i32
        %cond3A_494 = arith.constant 0 : i32
        %cond3A_495 = arith.cmpi ne, %convert_element_type3A_493, %cond3A_494 : i32
        scf.if %cond3A_495 {
          %sub3A = arith.constant 2 : i32
          %sub3A_505 = arith.subi %add3A_210, %sub3A : i32
          %dma_wait3A_506 = arith.constant 0 : i32
          %dma_wait3A_507 = arith.constant 0 : i32
          %dma_wait3A_508 = arith.constant 0 : i32
          %dma_wait3A_509 = arith.constant 0 : i32
          %dma_wait3A_510 = tpu.memref_slice %arg18[%dma_wait3A_506, %dma_wait3A_507, %dma_wait3A_508, %dma_wait3A_509] : memref<8x1x8x129xf32, #tpu.memory_space<vmem>> -> memref<8x1x8x128xf32, #tpu.memory_space<vmem>>
          %dma_wait3A_511 = arith.constant 0 : i32
          %dma_wait3A_512 = arith.constant 0 : i32
          %dma_wait3A_513 = arith.constant 0 : i32
          %dma_wait3A_514 = tpu.memref_slice %arg5[%sub3A_505, %dma_wait3A_511, %add3A, %dma_wait3A_512, %dma_wait3A_513] : memref<200x8x32x8x128xf32, #tpu.memory_space<hbm>> -> memref<1x8x1x8x128xf32, #tpu.memory_space<hbm>>
          %dma_wait3A_515 = tpu.memref_squeeze %dma_wait3A_514 : memref<1x8x1x8x128xf32, #tpu.memory_space<hbm>> -> memref<8x1x8x128xf32, #tpu.memory_space<hbm>>
          %dma_wait3A_516 = arith.constant 0 : i32
          %dma_wait3A_517 = arith.constant 0 : i32
          %dma_wait3A_518 = arith.constant 0 : i32
          %dma_wait3A_519 = tpu.memref_slice %arg5[%sub3A_505, %dma_wait3A_516, %add3A, %dma_wait3A_517, %dma_wait3A_518] : memref<200x8x32x8x128xf32, #tpu.memory_space<hbm>> -> memref<1x8x1x8x128xf32, #tpu.memory_space<hbm>>
          %dma_wait3A_520 = tpu.memref_squeeze %dma_wait3A_519 : memref<1x8x1x8x128xf32, #tpu.memory_space<hbm>> -> memref<8x1x8x128xf32, #tpu.memory_space<hbm>>
          %dma_wait3A_521 = arith.constant 0 : i32
          %dma_wait3A_522 = arith.constant 0 : i32
          %dma_wait3A_523 = arith.constant 0 : i32
          %dma_wait3A_524 = arith.constant 0 : i32
          %dma_wait3A_525 = tpu.memref_slice %arg18[%dma_wait3A_521, %dma_wait3A_522, %dma_wait3A_523, %dma_wait3A_524] : memref<8x1x8x129xf32, #tpu.memory_space<vmem>> -> memref<8x1x8x128xf32, #tpu.memory_space<vmem>>
          tpu.wait_dma2 semaphore(%arg30 : memref<!tpu.dma_semaphore, #tpu.memory_space<semaphore_mem>>) src(%dma_wait3A_525 : memref<8x1x8x128xf32, #tpu.memory_space<vmem>>) dst(%dma_wait3A_520 : memref<8x1x8x128xf32, #tpu.memory_space<hbm>>)
        } else {
        }
        %add3A_496 = arith.constant 2 : i32
        %add3A_497 = arith.addi %add3A_210, %add3A_496 : i32
        %dma_wait3A_498 = tpu.memref_slice %arg2[%add3A_497, %mul3A_2] : memref<200x4096xi32, #tpu.memory_space<hbm>> -> memref<1x128xi32, #tpu.memory_space<hbm>>
        %dma_wait3A_499 = tpu.memref_squeeze %dma_wait3A_498 : memref<1x128xi32, #tpu.memory_space<hbm>> -> memref<128xi32, #tpu.memory_space<hbm>>
        %dma_wait3A_500 = tpu.memref_slice %arg2[%add3A_497, %mul3A_2] : memref<200x4096xi32, #tpu.memory_space<hbm>> -> memref<1x128xi32, #tpu.memory_space<hbm>>
        %dma_wait3A_501 = tpu.memref_squeeze %dma_wait3A_500 : memref<1x128xi32, #tpu.memory_space<hbm>> -> memref<128xi32, #tpu.memory_space<hbm>>
        tpu.wait_dma2 semaphore(%arg22 : memref<!tpu.dma_semaphore, #tpu.memory_space<semaphore_mem>>) src(%dma_wait3A_501 : memref<128xi32, #tpu.memory_space<hbm>>) dst(%arg10 : memref<128xi32, #tpu.memory_space<vmem>>)
        %dma_start3A_502 = arith.constant 0 : i32
        %dma_start3A_503 = arith.constant 0 : i32
        %dma_start3A_504 = tpu.memref_slice %arg3[%dma_start3A_502, %dma_start3A_503] : memref<1000000x128xf32, #tpu.memory_space<hbm>> -> memref<1000000x128xf32, #tpu.memory_space<hbm>>
        tpu.enqueue_indirect_dma source(%dma_start3A_504 : memref<1000000x128xf32, #tpu.memory_space<hbm>>) target(%arg14 : memref<128x128xf32, #tpu.memory_space<vmem>>) offsets(%arg10 : memref<128xi32, #tpu.memory_space<vmem>>) semaphore(%arg26 : memref<!tpu.dma_semaphore, #tpu.memory_space<semaphore_mem>>)
      } else {
      }
      %mul3A_302 = arith.constant 4 : i32
      %mul3A_303 = arith.muli %scan3A_120, %mul3A_302 : i32
      %add3A_304 = arith.constant 2 : i32
      %add3A_305 = arith.addi %mul3A_303, %add3A_304 : i32
      %add3A_306 = arith.constant 3 : i32
      %add3A_307 = arith.addi %add3A_305, %add3A_306 : i32
      %lt3A_308 = arith.constant 200 : i32
      %lt3A_309 = arith.cmpi slt, %add3A_307, %lt3A_308 : i32
      %convert_element_type3A_310 = arith.extui %lt3A_309 : i1 to i32
      %cond3A_311 = arith.constant 0 : i32
      %cond3A_312 = arith.cmpi ne, %convert_element_type3A_310, %cond3A_311 : i32
      scf.if %cond3A_312 {
        %add3A_492 = arith.constant 3 : i32
        %add3A_493 = arith.addi %add3A_305, %add3A_492 : i32
        %dma_start3A_494 = tpu.memref_slice %arg2[%add3A_493, %mul3A_2] : memref<200x4096xi32, #tpu.memory_space<hbm>> -> memref<1x128xi32, #tpu.memory_space<hbm>>
        %dma_start3A_495 = tpu.memref_squeeze %dma_start3A_494 : memref<1x128xi32, #tpu.memory_space<hbm>> -> memref<128xi32, #tpu.memory_space<hbm>>
        %dma_start3A_496 = tpu.memref_slice %arg2[%add3A_493, %mul3A_2] : memref<200x4096xi32, #tpu.memory_space<hbm>> -> memref<1x128xi32, #tpu.memory_space<hbm>>
        %dma_start3A_497 = tpu.memref_squeeze %dma_start3A_496 : memref<1x128xi32, #tpu.memory_space<hbm>> -> memref<128xi32, #tpu.memory_space<hbm>>
        tpu.enqueue_dma source(%dma_start3A_497 : memref<128xi32, #tpu.memory_space<hbm>>) target(%arg8 : memref<128xi32, #tpu.memory_space<vmem>>) target_semaphore(%arg20 : memref<!tpu.dma_semaphore, #tpu.memory_space<semaphore_mem>>)
      } else {
      }
      %dma_wait3A_313 = arith.constant 0 : i32
      %dma_wait3A_314 = arith.constant 0 : i32
      %dma_wait3A_315 = tpu.memref_slice %arg3[%dma_wait3A_313, %dma_wait3A_314] : memref<1000000x128xf32, #tpu.memory_space<hbm>> -> memref<1000000x128xf32, #tpu.memory_space<hbm>>
      tpu.wait_indirect_dma semaphore(%arg25 : memref<!tpu.dma_semaphore, #tpu.memory_space<semaphore_mem>>) src(%dma_wait3A_315 : memref<1000000x128xf32, #tpu.memory_space<hbm>>) dst(%arg13 : memref<128x128xf32, #tpu.memory_space<vmem>>)
      %iota3A_316 = tpu.iota {dimensions = array<i32: 0>} : vector<16xi32>
      %broadcast_in_dim3A_317 = arith.constant 0 : i32
      %broadcast_in_dim3A_318 = vector.broadcast %broadcast_in_dim3A_317 : i32 to vector<16xi32>
      %add3A_319 = arith.constant 0 : i32
      %add3A_320 = vector.broadcast %add3A_319 : i32 to vector<16xi32>
      %add3A_321 = arith.addi %iota3A_316, %add3A_320 : vector<16xi32>
      %add3A_322 = arith.constant 16 : i32
      %add3A_323 = vector.broadcast %add3A_322 : i32 to vector<16xi32>
      %add3A_324 = arith.addi %iota3A_316, %add3A_323 : vector<16xi32>
      %add3A_325 = arith.constant 32 : i32
      %add3A_326 = vector.broadcast %add3A_325 : i32 to vector<16xi32>
      %add3A_327 = arith.addi %iota3A_316, %add3A_326 : vector<16xi32>
      %add3A_328 = arith.constant 48 : i32
      %add3A_329 = vector.broadcast %add3A_328 : i32 to vector<16xi32>
      %add3A_330 = arith.addi %iota3A_316, %add3A_329 : vector<16xi32>
      %shift_right_arithmetic3A_331 = arith.constant 3 : i32
      %shift_right_arithmetic3A_332 = vector.broadcast %shift_right_arithmetic3A_331 : i32 to vector<16xi32>
      %shift_right_arithmetic3A_333 = arith.shrsi %add3A_321, %shift_right_arithmetic3A_332 : vector<16xi32>
      %shift_right_arithmetic3A_334 = arith.constant 3 : i32
      %shift_right_arithmetic3A_335 = vector.broadcast %shift_right_arithmetic3A_334 : i32 to vector<16xi32>
      %shift_right_arithmetic3A_336 = arith.shrsi %add3A_324, %shift_right_arithmetic3A_335 : vector<16xi32>
      %shift_right_arithmetic3A_337 = arith.constant 3 : i32
      %shift_right_arithmetic3A_338 = vector.broadcast %shift_right_arithmetic3A_337 : i32 to vector<16xi32>
      %shift_right_arithmetic3A_339 = arith.shrsi %add3A_327, %shift_right_arithmetic3A_338 : vector<16xi32>
      %shift_right_arithmetic3A_340 = arith.constant 3 : i32
      %shift_right_arithmetic3A_341 = vector.broadcast %shift_right_arithmetic3A_340 : i32 to vector<16xi32>
      %shift_right_arithmetic3A_342 = arith.shrsi %add3A_330, %shift_right_arithmetic3A_341 : vector<16xi32>
      %and3A_343 = arith.constant 7 : i32
      %and3A_344 = vector.broadcast %and3A_343 : i32 to vector<16xi32>
      %and3A_345 = arith.andi %add3A_321, %and3A_344 : vector<16xi32>
      %and3A_346 = arith.constant 7 : i32
      %and3A_347 = vector.broadcast %and3A_346 : i32 to vector<16xi32>
      %and3A_348 = arith.andi %add3A_324, %and3A_347 : vector<16xi32>
      %and3A_349 = arith.constant 7 : i32
      %and3A_350 = vector.broadcast %and3A_349 : i32 to vector<16xi32>
      %and3A_351 = arith.andi %add3A_327, %and3A_350 : vector<16xi32>
      %and3A_352 = arith.constant 7 : i32
      %and3A_353 = vector.broadcast %and3A_352 : i32 to vector<16xi32>
      %and3A_354 = arith.andi %add3A_330, %and3A_353 : vector<16xi32>
      %get3A_355 = arith.index_cast %add3A_305 : i32 to index
      %get3A_356 = arith.constant 0 : index
      %get3A_357 = tpu.vector_load %arg6[%get3A_355, %get3A_356] {strides = array<i32>} : memref<200x64xf32, #tpu.memory_space<vmem>>, vector<16xf32>,
      %get3A_358 = arith.index_cast %add3A_305 : i32 to index
      %get3A_359 = arith.constant 16 : index
      %get3A_360 = tpu.vector_load %arg6[%get3A_358, %get3A_359] {strides = array<i32>} : memref<200x64xf32, #tpu.memory_space<vmem>>, vector<16xf32>,
      %get3A_361 = arith.index_cast %add3A_305 : i32 to index
      %get3A_362 = arith.constant 32 : index
      %get3A_363 = tpu.vector_load %arg6[%get3A_361, %get3A_362] {strides = array<i32>} : memref<200x64xf32, #tpu.memory_space<vmem>>, vector<16xf32>,
      %get3A_364 = arith.index_cast %add3A_305 : i32 to index
      %get3A_365 = arith.constant 48 : index
      %get3A_366 = tpu.vector_load %arg6[%get3A_364, %get3A_365] {strides = array<i32>} : memref<200x64xf32, #tpu.memory_space<vmem>>, vector<16xf32>,
      %parallel_loop3A_367 = arith.constant 0 : i32
      %parallel_loop3A_368 = arith.constant 128 : i32
      %parallel_loop3A_369 = arith.constant 2 : i32
      scf.for %parallel_loop3A_492 = %parallel_loop3A_367 to %parallel_loop3A_368 step %parallel_loop3A_369  : i32 {
        %parallel_loop3A_493 = arith.constant 0 : i32
        %parallel_loop3A_494 = arith.addi %parallel_loop3A_492, %parallel_loop3A_493 : i32
        %parallel_loop3A_495 = vector.broadcast %parallel_loop3A_494 : i32 to vector<16xi32>
        %parallel_loop3A_496 = arith.index_cast %parallel_loop3A_494 : i32 to index
        %parallel_loop3A_497 = arith.constant 0 : index
        %parallel_loop3A_498 = tpu.vector_load %arg13[%parallel_loop3A_496, %parallel_loop3A_497] {strides = array<i32>} : memref<128x128xf32, #tpu.memory_space<vmem>>, vector<16xf32>,
        %parallel_loop3A_499 = arith.addf %parallel_loop3A_498, %get3A_357 : vector<16xf32>
        tpu.vector_store_idx %arg17[%shift_right_arithmetic3A_333, %broadcast_in_dim3A_318, %and3A_345, %parallel_loop3A_495], %parallel_loop3A_499 : memref<8x1x8x129xf32, #tpu.memory_space<vmem>>[vector<16xi32>, vector<16xi32>, vector<16xi32>, vector<16xi32>], vector<16xf32>,
        %parallel_loop3A_500 = arith.index_cast %parallel_loop3A_494 : i32 to index
        %parallel_loop3A_501 = arith.constant 16 : index
        %parallel_loop3A_502 = tpu.vector_load %arg13[%parallel_loop3A_500, %parallel_loop3A_501] {strides = array<i32>} : memref<128x128xf32, #tpu.memory_space<vmem>>, vector<16xf32>,
        %parallel_loop3A_503 = arith.addf %parallel_loop3A_502, %get3A_360 : vector<16xf32>
        tpu.vector_store_idx %arg17[%shift_right_arithmetic3A_336, %broadcast_in_dim3A_318, %and3A_348, %parallel_loop3A_495], %parallel_loop3A_503 : memref<8x1x8x129xf32, #tpu.memory_space<vmem>>[vector<16xi32>, vector<16xi32>, vector<16xi32>, vector<16xi32>], vector<16xf32>,
        %parallel_loop3A_504 = arith.index_cast %parallel_loop3A_494 : i32 to index
        %parallel_loop3A_505 = arith.constant 32 : index
        %parallel_loop3A_506 = tpu.vector_load %arg13[%parallel_loop3A_504, %parallel_loop3A_505] {strides = array<i32>} : memref<128x128xf32, #tpu.memory_space<vmem>>, vector<16xf32>,
        %parallel_loop3A_507 = arith.addf %parallel_loop3A_506, %get3A_363 : vector<16xf32>
        tpu.vector_store_idx %arg17[%shift_right_arithmetic3A_339, %broadcast_in_dim3A_318, %and3A_351, %parallel_loop3A_495], %parallel_loop3A_507 : memref<8x1x8x129xf32, #tpu.memory_space<vmem>>[vector<16xi32>, vector<16xi32>, vector<16xi32>, vector<16xi32>], vector<16xf32>,
        %parallel_loop3A_508 = arith.index_cast %parallel_loop3A_494 : i32 to index
        %parallel_loop3A_509 = arith.constant 48 : index
        %parallel_loop3A_510 = tpu.vector_load %arg13[%parallel_loop3A_508, %parallel_loop3A_509] {strides = array<i32>} : memref<128x128xf32, #tpu.memory_space<vmem>>, vector<16xf32>,
        %parallel_loop3A_511 = arith.addf %parallel_loop3A_510, %get3A_366 : vector<16xf32>
        tpu.vector_store_idx %arg17[%shift_right_arithmetic3A_342, %broadcast_in_dim3A_318, %and3A_354, %parallel_loop3A_495], %parallel_loop3A_511 : memref<8x1x8x129xf32, #tpu.memory_space<vmem>>[vector<16xi32>, vector<16xi32>, vector<16xi32>, vector<16xi32>], vector<16xf32>,
        %parallel_loop3A_512 = arith.constant 1 : i32
        %parallel_loop3A_513 = arith.addi %parallel_loop3A_492, %parallel_loop3A_512 : i32
        %parallel_loop3A_514 = vector.broadcast %parallel_loop3A_513 : i32 to vector<16xi32>
        %parallel_loop3A_515 = arith.index_cast %parallel_loop3A_513 : i32 to index
        %parallel_loop3A_516 = arith.constant 0 : index
        %parallel_loop3A_517 = tpu.vector_load %arg13[%parallel_loop3A_515, %parallel_loop3A_516] {strides = array<i32>} : memref<128x128xf32, #tpu.memory_space<vmem>>, vector<16xf32>,
        %parallel_loop3A_518 = arith.addf %parallel_loop3A_517, %get3A_357 : vector<16xf32>
        tpu.vector_store_idx %arg17[%shift_right_arithmetic3A_333, %broadcast_in_dim3A_318, %and3A_345, %parallel_loop3A_514], %parallel_loop3A_518 : memref<8x1x8x129xf32, #tpu.memory_space<vmem>>[vector<16xi32>, vector<16xi32>, vector<16xi32>, vector<16xi32>], vector<16xf32>,
        %parallel_loop3A_519 = arith.index_cast %parallel_loop3A_513 : i32 to index
        %parallel_loop3A_520 = arith.constant 16 : index
        %parallel_loop3A_521 = tpu.vector_load %arg13[%parallel_loop3A_519, %parallel_loop3A_520] {strides = array<i32>} : memref<128x128xf32, #tpu.memory_space<vmem>>, vector<16xf32>,
        %parallel_loop3A_522 = arith.addf %parallel_loop3A_521, %get3A_360 : vector<16xf32>
        tpu.vector_store_idx %arg17[%shift_right_arithmetic3A_336, %broadcast_in_dim3A_318, %and3A_348, %parallel_loop3A_514], %parallel_loop3A_522 : memref<8x1x8x129xf32, #tpu.memory_space<vmem>>[vector<16xi32>, vector<16xi32>, vector<16xi32>, vector<16xi32>], vector<16xf32>,
        %parallel_loop3A_523 = arith.index_cast %parallel_loop3A_513 : i32 to index
        %parallel_loop3A_524 = arith.constant 32 : index
        %parallel_loop3A_525 = tpu.vector_load %arg13[%parallel_loop3A_523, %parallel_loop3A_524] {strides = array<i32>} : memref<128x128xf32, #tpu.memory_space<vmem>>, vector<16xf32>,
        %parallel_loop3A_526 = arith.addf %parallel_loop3A_525, %get3A_363 : vector<16xf32>
        tpu.vector_store_idx %arg17[%shift_right_arithmetic3A_339, %broadcast_in_dim3A_318, %and3A_351, %parallel_loop3A_514], %parallel_loop3A_526 : memref<8x1x8x129xf32, #tpu.memory_space<vmem>>[vector<16xi32>, vector<16xi32>, vector<16xi32>, vector<16xi32>], vector<16xf32>,
        %parallel_loop3A_527 = arith.index_cast %parallel_loop3A_513 : i32 to index
        %parallel_loop3A_528 = arith.constant 48 : index
        %parallel_loop3A_529 = tpu.vector_load %arg13[%parallel_loop3A_527, %parallel_loop3A_528] {strides = array<i32>} : memref<128x128xf32, #tpu.memory_space<vmem>>, vector<16xf32>,
        %parallel_loop3A_530 = arith.addf %parallel_loop3A_529, %get3A_366 : vector<16xf32>
        tpu.vector_store_idx %arg17[%shift_right_arithmetic3A_342, %broadcast_in_dim3A_318, %and3A_354, %parallel_loop3A_514], %parallel_loop3A_530 : memref<8x1x8x129xf32, #tpu.memory_space<vmem>>[vector<16xi32>, vector<16xi32>, vector<16xi32>, vector<16xi32>], vector<16xf32>,
      } {sc.loop_unroll_factor = 4 : i64, sc.parallel_access}
      %dma_start3A_370 = arith.constant 0 : i32
      %dma_start3A_371 = arith.constant 0 : i32
      %dma_start3A_372 = arith.constant 0 : i32
      %dma_start3A_373 = arith.constant 0 : i32
      %dma_start3A_374 = tpu.memref_slice %arg17[%dma_start3A_370, %dma_start3A_371, %dma_start3A_372, %dma_start3A_373] : memref<8x1x8x129xf32, #tpu.memory_space<vmem>> -> memref<8x1x8x128xf32, #tpu.memory_space<vmem>>
      %dma_start3A_375 = arith.constant 0 : i32
      %dma_start3A_376 = arith.constant 0 : i32
      %dma_start3A_377 = arith.constant 0 : i32
      %dma_start3A_378 = tpu.memref_slice %arg5[%add3A_305, %dma_start3A_375, %add3A, %dma_start3A_376, %dma_start3A_377] : memref<200x8x32x8x128xf32, #tpu.memory_space<hbm>> -> memref<1x8x1x8x128xf32, #tpu.memory_space<hbm>>
      %dma_start3A_379 = tpu.memref_squeeze %dma_start3A_378 : memref<1x8x1x8x128xf32, #tpu.memory_space<hbm>> -> memref<8x1x8x128xf32, #tpu.memory_space<hbm>>
      %dma_start3A_380 = arith.constant 0 : i32
      %dma_start3A_381 = arith.constant 0 : i32
      %dma_start3A_382 = arith.constant 0 : i32
      %dma_start3A_383 = tpu.memref_slice %arg5[%add3A_305, %dma_start3A_380, %add3A, %dma_start3A_381, %dma_start3A_382] : memref<200x8x32x8x128xf32, #tpu.memory_space<hbm>> -> memref<1x8x1x8x128xf32, #tpu.memory_space<hbm>>
      %dma_start3A_384 = tpu.memref_squeeze %dma_start3A_383 : memref<1x8x1x8x128xf32, #tpu.memory_space<hbm>> -> memref<8x1x8x128xf32, #tpu.memory_space<hbm>>
      %dma_start3A_385 = arith.constant 0 : i32
      %dma_start3A_386 = arith.constant 0 : i32
      %dma_start3A_387 = arith.constant 0 : i32
      %dma_start3A_388 = arith.constant 0 : i32
      %dma_start3A_389 = tpu.memref_slice %arg17[%dma_start3A_385, %dma_start3A_386, %dma_start3A_387, %dma_start3A_388] : memref<8x1x8x129xf32, #tpu.memory_space<vmem>> -> memref<8x1x8x128xf32, #tpu.memory_space<vmem>>
      tpu.enqueue_dma source(%dma_start3A_389 : memref<8x1x8x128xf32, #tpu.memory_space<vmem>>) target(%dma_start3A_384 : memref<8x1x8x128xf32, #tpu.memory_space<hbm>>) target_semaphore(%arg29 : memref<!tpu.dma_semaphore, #tpu.memory_space<semaphore_mem>>)
      %add3A_390 = arith.constant 2 : i32
      %add3A_391 = arith.addi %add3A_305, %add3A_390 : i32
      %lt3A_392 = arith.constant 200 : i32
      %lt3A_393 = arith.cmpi slt, %add3A_391, %lt3A_392 : i32
      %convert_element_type3A_394 = arith.extui %lt3A_393 : i1 to i32
      %cond3A_395 = arith.constant 0 : i32
      %cond3A_396 = arith.cmpi ne, %convert_element_type3A_394, %cond3A_395 : i32
      scf.if %cond3A_396 {
        %ge3A = arith.constant 2 : i32
        %ge3A_492 = arith.cmpi sge, %add3A_305, %ge3A : i32
        %convert_element_type3A_493 = arith.extui %ge3A_492 : i1 to i32
        %cond3A_494 = arith.constant 0 : i32
        %cond3A_495 = arith.cmpi ne, %convert_element_type3A_493, %cond3A_494 : i32
        scf.if %cond3A_495 {
          %sub3A = arith.constant 2 : i32
          %sub3A_505 = arith.subi %add3A_305, %sub3A : i32
          %dma_wait3A_506 = arith.constant 0 : i32
          %dma_wait3A_507 = arith.constant 0 : i32
          %dma_wait3A_508 = arith.constant 0 : i32
          %dma_wait3A_509 = arith.constant 0 : i32
          %dma_wait3A_510 = tpu.memref_slice %arg15[%dma_wait3A_506, %dma_wait3A_507, %dma_wait3A_508, %dma_wait3A_509] : memref<8x1x8x129xf32, #tpu.memory_space<vmem>> -> memref<8x1x8x128xf32, #tpu.memory_space<vmem>>
          %dma_wait3A_511 = arith.constant 0 : i32
          %dma_wait3A_512 = arith.constant 0 : i32
          %dma_wait3A_513 = arith.constant 0 : i32
          %dma_wait3A_514 = tpu.memref_slice %arg5[%sub3A_505, %dma_wait3A_511, %add3A, %dma_wait3A_512, %dma_wait3A_513] : memref<200x8x32x8x128xf32, #tpu.memory_space<hbm>> -> memref<1x8x1x8x128xf32, #tpu.memory_space<hbm>>
          %dma_wait3A_515 = tpu.memref_squeeze %dma_wait3A_514 : memref<1x8x1x8x128xf32, #tpu.memory_space<hbm>> -> memref<8x1x8x128xf32, #tpu.memory_space<hbm>>
          %dma_wait3A_516 = arith.constant 0 : i32
          %dma_wait3A_517 = arith.constant 0 : i32
          %dma_wait3A_518 = arith.constant 0 : i32
          %dma_wait3A_519 = tpu.memref_slice %arg5[%sub3A_505, %dma_wait3A_516, %add3A, %dma_wait3A_517, %dma_wait3A_518] : memref<200x8x32x8x128xf32, #tpu.memory_space<hbm>> -> memref<1x8x1x8x128xf32, #tpu.memory_space<hbm>>
          %dma_wait3A_520 = tpu.memref_squeeze %dma_wait3A_519 : memref<1x8x1x8x128xf32, #tpu.memory_space<hbm>> -> memref<8x1x8x128xf32, #tpu.memory_space<hbm>>
          %dma_wait3A_521 = arith.constant 0 : i32
          %dma_wait3A_522 = arith.constant 0 : i32
          %dma_wait3A_523 = arith.constant 0 : i32
          %dma_wait3A_524 = arith.constant 0 : i32
          %dma_wait3A_525 = tpu.memref_slice %arg15[%dma_wait3A_521, %dma_wait3A_522, %dma_wait3A_523, %dma_wait3A_524] : memref<8x1x8x129xf32, #tpu.memory_space<vmem>> -> memref<8x1x8x128xf32, #tpu.memory_space<vmem>>
          tpu.wait_dma2 semaphore(%arg27 : memref<!tpu.dma_semaphore, #tpu.memory_space<semaphore_mem>>) src(%dma_wait3A_525 : memref<8x1x8x128xf32, #tpu.memory_space<vmem>>) dst(%dma_wait3A_520 : memref<8x1x8x128xf32, #tpu.memory_space<hbm>>)
        } else {
        }
        %add3A_496 = arith.constant 2 : i32
        %add3A_497 = arith.addi %add3A_305, %add3A_496 : i32
        %dma_wait3A_498 = tpu.memref_slice %arg2[%add3A_497, %mul3A_2] : memref<200x4096xi32, #tpu.memory_space<hbm>> -> memref<1x128xi32, #tpu.memory_space<hbm>>
        %dma_wait3A_499 = tpu.memref_squeeze %dma_wait3A_498 : memref<1x128xi32, #tpu.memory_space<hbm>> -> memref<128xi32, #tpu.memory_space<hbm>>
        %dma_wait3A_500 = tpu.memref_slice %arg2[%add3A_497, %mul3A_2] : memref<200x4096xi32, #tpu.memory_space<hbm>> -> memref<1x128xi32, #tpu.memory_space<hbm>>
        %dma_wait3A_501 = tpu.memref_squeeze %dma_wait3A_500 : memref<1x128xi32, #tpu.memory_space<hbm>> -> memref<128xi32, #tpu.memory_space<hbm>>
        tpu.wait_dma2 semaphore(%arg19 : memref<!tpu.dma_semaphore, #tpu.memory_space<semaphore_mem>>) src(%dma_wait3A_501 : memref<128xi32, #tpu.memory_space<hbm>>) dst(%arg7 : memref<128xi32, #tpu.memory_space<vmem>>)
        %dma_start3A_502 = arith.constant 0 : i32
        %dma_start3A_503 = arith.constant 0 : i32
        %dma_start3A_504 = tpu.memref_slice %arg3[%dma_start3A_502, %dma_start3A_503] : memref<1000000x128xf32, #tpu.memory_space<hbm>> -> memref<1000000x128xf32, #tpu.memory_space<hbm>>
        tpu.enqueue_indirect_dma source(%dma_start3A_504 : memref<1000000x128xf32, #tpu.memory_space<hbm>>) target(%arg11 : memref<128x128xf32, #tpu.memory_space<vmem>>) offsets(%arg7 : memref<128xi32, #tpu.memory_space<vmem>>) semaphore(%arg23 : memref<!tpu.dma_semaphore, #tpu.memory_space<semaphore_mem>>)
      } else {
      }
      %mul3A_397 = arith.constant 4 : i32
      %mul3A_398 = arith.muli %scan3A_120, %mul3A_397 : i32
      %add3A_399 = arith.constant 3 : i32
      %add3A_400 = arith.addi %mul3A_398, %add3A_399 : i32
      %add3A_401 = arith.constant 3 : i32
      %add3A_402 = arith.addi %add3A_400, %add3A_401 : i32
      %lt3A_403 = arith.constant 200 : i32
      %lt3A_404 = arith.cmpi slt, %add3A_402, %lt3A_403 : i32
      %convert_element_type3A_405 = arith.extui %lt3A_404 : i1 to i32
      %cond3A_406 = arith.constant 0 : i32
      %cond3A_407 = arith.cmpi ne, %convert_element_type3A_405, %cond3A_406 : i32
      scf.if %cond3A_407 {
        %add3A_492 = arith.constant 3 : i32
        %add3A_493 = arith.addi %add3A_400, %add3A_492 : i32
        %dma_start3A_494 = tpu.memref_slice %arg2[%add3A_493, %mul3A_2] : memref<200x4096xi32, #tpu.memory_space<hbm>> -> memref<1x128xi32, #tpu.memory_space<hbm>>
        %dma_start3A_495 = tpu.memref_squeeze %dma_start3A_494 : memref<1x128xi32, #tpu.memory_space<hbm>> -> memref<128xi32, #tpu.memory_space<hbm>>
        %dma_start3A_496 = tpu.memref_slice %arg2[%add3A_493, %mul3A_2] : memref<200x4096xi32, #tpu.memory_space<hbm>> -> memref<1x128xi32, #tpu.memory_space<hbm>>
        %dma_start3A_497 = tpu.memref_squeeze %dma_start3A_496 : memref<1x128xi32, #tpu.memory_space<hbm>> -> memref<128xi32, #tpu.memory_space<hbm>>
        tpu.enqueue_dma source(%dma_start3A_497 : memref<128xi32, #tpu.memory_space<hbm>>) target(%arg9 : memref<128xi32, #tpu.memory_space<vmem>>) target_semaphore(%arg21 : memref<!tpu.dma_semaphore, #tpu.memory_space<semaphore_mem>>)
      } else {
      }
      %dma_wait3A_408 = arith.constant 0 : i32
      %dma_wait3A_409 = arith.constant 0 : i32
      %dma_wait3A_410 = tpu.memref_slice %arg3[%dma_wait3A_408, %dma_wait3A_409] : memref<1000000x128xf32, #tpu.memory_space<hbm>> -> memref<1000000x128xf32, #tpu.memory_space<hbm>>
      tpu.wait_indirect_dma semaphore(%arg26 : memref<!tpu.dma_semaphore, #tpu.memory_space<semaphore_mem>>) src(%dma_wait3A_410 : memref<1000000x128xf32, #tpu.memory_space<hbm>>) dst(%arg14 : memref<128x128xf32, #tpu.memory_space<vmem>>)
      %iota3A_411 = tpu.iota {dimensions = array<i32: 0>} : vector<16xi32>
      %broadcast_in_dim3A_412 = arith.constant 0 : i32
      %broadcast_in_dim3A_413 = vector.broadcast %broadcast_in_dim3A_412 : i32 to vector<16xi32>
      %add3A_414 = arith.constant 0 : i32
      %add3A_415 = vector.broadcast %add3A_414 : i32 to vector<16xi32>
      %add3A_416 = arith.addi %iota3A_411, %add3A_415 : vector<16xi32>
      %add3A_417 = arith.constant 16 : i32
      %add3A_418 = vector.broadcast %add3A_417 : i32 to vector<16xi32>
      %add3A_419 = arith.addi %iota3A_411, %add3A_418 : vector<16xi32>
      %add3A_420 = arith.constant 32 : i32
      %add3A_421 = vector.broadcast %add3A_420 : i32 to vector<16xi32>
      %add3A_422 = arith.addi %iota3A_411, %add3A_421 : vector<16xi32>
      %add3A_423 = arith.constant 48 : i32
      %add3A_424 = vector.broadcast %add3A_423 : i32 to vector<16xi32>
      %add3A_425 = arith.addi %iota3A_411, %add3A_424 : vector<16xi32>
      %shift_right_arithmetic3A_426 = arith.constant 3 : i32
      %shift_right_arithmetic3A_427 = vector.broadcast %shift_right_arithmetic3A_426 : i32 to vector<16xi32>
      %shift_right_arithmetic3A_428 = arith.shrsi %add3A_416, %shift_right_arithmetic3A_427 : vector<16xi32>
      %shift_right_arithmetic3A_429 = arith.constant 3 : i32
      %shift_right_arithmetic3A_430 = vector.broadcast %shift_right_arithmetic3A_429 : i32 to vector<16xi32>
      %shift_right_arithmetic3A_431 = arith.shrsi %add3A_419, %shift_right_arithmetic3A_430 : vector<16xi32>
      %shift_right_arithmetic3A_432 = arith.constant 3 : i32
      %shift_right_arithmetic3A_433 = vector.broadcast %shift_right_arithmetic3A_432 : i32 to vector<16xi32>
      %shift_right_arithmetic3A_434 = arith.shrsi %add3A_422, %shift_right_arithmetic3A_433 : vector<16xi32>
      %shift_right_arithmetic3A_435 = arith.constant 3 : i32
      %shift_right_arithmetic3A_436 = vector.broadcast %shift_right_arithmetic3A_435 : i32 to vector<16xi32>
      %shift_right_arithmetic3A_437 = arith.shrsi %add3A_425, %shift_right_arithmetic3A_436 : vector<16xi32>
      %and3A_438 = arith.constant 7 : i32
      %and3A_439 = vector.broadcast %and3A_438 : i32 to vector<16xi32>
      %and3A_440 = arith.andi %add3A_416, %and3A_439 : vector<16xi32>
      %and3A_441 = arith.constant 7 : i32
      %and3A_442 = vector.broadcast %and3A_441 : i32 to vector<16xi32>
      %and3A_443 = arith.andi %add3A_419, %and3A_442 : vector<16xi32>
      %and3A_444 = arith.constant 7 : i32
      %and3A_445 = vector.broadcast %and3A_444 : i32 to vector<16xi32>
      %and3A_446 = arith.andi %add3A_422, %and3A_445 : vector<16xi32>
      %and3A_447 = arith.constant 7 : i32
      %and3A_448 = vector.broadcast %and3A_447 : i32 to vector<16xi32>
      %and3A_449 = arith.andi %add3A_425, %and3A_448 : vector<16xi32>
      %get3A_450 = arith.index_cast %add3A_400 : i32 to index
      %get3A_451 = arith.constant 0 : index
      %get3A_452 = tpu.vector_load %arg6[%get3A_450, %get3A_451] {strides = array<i32>} : memref<200x64xf32, #tpu.memory_space<vmem>>, vector<16xf32>,
      %get3A_453 = arith.index_cast %add3A_400 : i32 to index
      %get3A_454 = arith.constant 16 : index
      %get3A_455 = tpu.vector_load %arg6[%get3A_453, %get3A_454] {strides = array<i32>} : memref<200x64xf32, #tpu.memory_space<vmem>>, vector<16xf32>,
      %get3A_456 = arith.index_cast %add3A_400 : i32 to index
      %get3A_457 = arith.constant 32 : index
      %get3A_458 = tpu.vector_load %arg6[%get3A_456, %get3A_457] {strides = array<i32>} : memref<200x64xf32, #tpu.memory_space<vmem>>, vector<16xf32>,
      %get3A_459 = arith.index_cast %add3A_400 : i32 to index
      %get3A_460 = arith.constant 48 : index
      %get3A_461 = tpu.vector_load %arg6[%get3A_459, %get3A_460] {strides = array<i32>} : memref<200x64xf32, #tpu.memory_space<vmem>>, vector<16xf32>,
      %parallel_loop3A_462 = arith.constant 0 : i32
      %parallel_loop3A_463 = arith.constant 128 : i32
      %parallel_loop3A_464 = arith.constant 2 : i32
      scf.for %parallel_loop3A_492 = %parallel_loop3A_462 to %parallel_loop3A_463 step %parallel_loop3A_464  : i32 {
        %parallel_loop3A_493 = arith.constant 0 : i32
        %parallel_loop3A_494 = arith.addi %parallel_loop3A_492, %parallel_loop3A_493 : i32
        %parallel_loop3A_495 = vector.broadcast %parallel_loop3A_494 : i32 to vector<16xi32>
        %parallel_loop3A_496 = arith.index_cast %parallel_loop3A_494 : i32 to index
        %parallel_loop3A_497 = arith.constant 0 : index
        %parallel_loop3A_498 = tpu.vector_load %arg14[%parallel_loop3A_496, %parallel_loop3A_497] {strides = array<i32>} : memref<128x128xf32, #tpu.memory_space<vmem>>, vector<16xf32>,
        %parallel_loop3A_499 = arith.addf %parallel_loop3A_498, %get3A_452 : vector<16xf32>
        tpu.vector_store_idx %arg18[%shift_right_arithmetic3A_428, %broadcast_in_dim3A_413, %and3A_440, %parallel_loop3A_495], %parallel_loop3A_499 : memref<8x1x8x129xf32, #tpu.memory_space<vmem>>[vector<16xi32>, vector<16xi32>, vector<16xi32>, vector<16xi32>], vector<16xf32>,
        %parallel_loop3A_500 = arith.index_cast %parallel_loop3A_494 : i32 to index
        %parallel_loop3A_501 = arith.constant 16 : index
        %parallel_loop3A_502 = tpu.vector_load %arg14[%parallel_loop3A_500, %parallel_loop3A_501] {strides = array<i32>} : memref<128x128xf32, #tpu.memory_space<vmem>>, vector<16xf32>,
        %parallel_loop3A_503 = arith.addf %parallel_loop3A_502, %get3A_455 : vector<16xf32>
        tpu.vector_store_idx %arg18[%shift_right_arithmetic3A_431, %broadcast_in_dim3A_413, %and3A_443, %parallel_loop3A_495], %parallel_loop3A_503 : memref<8x1x8x129xf32, #tpu.memory_space<vmem>>[vector<16xi32>, vector<16xi32>, vector<16xi32>, vector<16xi32>], vector<16xf32>,
        %parallel_loop3A_504 = arith.index_cast %parallel_loop3A_494 : i32 to index
        %parallel_loop3A_505 = arith.constant 32 : index
        %parallel_loop3A_506 = tpu.vector_load %arg14[%parallel_loop3A_504, %parallel_loop3A_505] {strides = array<i32>} : memref<128x128xf32, #tpu.memory_space<vmem>>, vector<16xf32>,
        %parallel_loop3A_507 = arith.addf %parallel_loop3A_506, %get3A_458 : vector<16xf32>
        tpu.vector_store_idx %arg18[%shift_right_arithmetic3A_434, %broadcast_in_dim3A_413, %and3A_446, %parallel_loop3A_495], %parallel_loop3A_507 : memref<8x1x8x129xf32, #tpu.memory_space<vmem>>[vector<16xi32>, vector<16xi32>, vector<16xi32>, vector<16xi32>], vector<16xf32>,
        %parallel_loop3A_508 = arith.index_cast %parallel_loop3A_494 : i32 to index
        %parallel_loop3A_509 = arith.constant 48 : index
        %parallel_loop3A_510 = tpu.vector_load %arg14[%parallel_loop3A_508, %parallel_loop3A_509] {strides = array<i32>} : memref<128x128xf32, #tpu.memory_space<vmem>>, vector<16xf32>,
        %parallel_loop3A_511 = arith.addf %parallel_loop3A_510, %get3A_461 : vector<16xf32>
        tpu.vector_store_idx %arg18[%shift_right_arithmetic3A_437, %broadcast_in_dim3A_413, %and3A_449, %parallel_loop3A_495], %parallel_loop3A_511 : memref<8x1x8x129xf32, #tpu.memory_space<vmem>>[vector<16xi32>, vector<16xi32>, vector<16xi32>, vector<16xi32>], vector<16xf32>,
        %parallel_loop3A_512 = arith.constant 1 : i32
        %parallel_loop3A_513 = arith.addi %parallel_loop3A_492, %parallel_loop3A_512 : i32
        %parallel_loop3A_514 = vector.broadcast %parallel_loop3A_513 : i32 to vector<16xi32>
        %parallel_loop3A_515 = arith.index_cast %parallel_loop3A_513 : i32 to index
        %parallel_loop3A_516 = arith.constant 0 : index
        %parallel_loop3A_517 = tpu.vector_load %arg14[%parallel_loop3A_515, %parallel_loop3A_516] {strides = array<i32>} : memref<128x128xf32, #tpu.memory_space<vmem>>, vector<16xf32>,
        %parallel_loop3A_518 = arith.addf %parallel_loop3A_517, %get3A_452 : vector<16xf32>
        tpu.vector_store_idx %arg18[%shift_right_arithmetic3A_428, %broadcast_in_dim3A_413, %and3A_440, %parallel_loop3A_514], %parallel_loop3A_518 : memref<8x1x8x129xf32, #tpu.memory_space<vmem>>[vector<16xi32>, vector<16xi32>, vector<16xi32>, vector<16xi32>], vector<16xf32>,
        %parallel_loop3A_519 = arith.index_cast %parallel_loop3A_513 : i32 to index
        %parallel_loop3A_520 = arith.constant 16 : index
        %parallel_loop3A_521 = tpu.vector_load %arg14[%parallel_loop3A_519, %parallel_loop3A_520] {strides = array<i32>} : memref<128x128xf32, #tpu.memory_space<vmem>>, vector<16xf32>,
        %parallel_loop3A_522 = arith.addf %parallel_loop3A_521, %get3A_455 : vector<16xf32>
        tpu.vector_store_idx %arg18[%shift_right_arithmetic3A_431, %broadcast_in_dim3A_413, %and3A_443, %parallel_loop3A_514], %parallel_loop3A_522 : memref<8x1x8x129xf32, #tpu.memory_space<vmem>>[vector<16xi32>, vector<16xi32>, vector<16xi32>, vector<16xi32>], vector<16xf32>,
        %parallel_loop3A_523 = arith.index_cast %parallel_loop3A_513 : i32 to index
        %parallel_loop3A_524 = arith.constant 32 : index
        %parallel_loop3A_525 = tpu.vector_load %arg14[%parallel_loop3A_523, %parallel_loop3A_524] {strides = array<i32>} : memref<128x128xf32, #tpu.memory_space<vmem>>, vector<16xf32>,
        %parallel_loop3A_526 = arith.addf %parallel_loop3A_525, %get3A_458 : vector<16xf32>
        tpu.vector_store_idx %arg18[%shift_right_arithmetic3A_434, %broadcast_in_dim3A_413, %and3A_446, %parallel_loop3A_514], %parallel_loop3A_526 : memref<8x1x8x129xf32, #tpu.memory_space<vmem>>[vector<16xi32>, vector<16xi32>, vector<16xi32>, vector<16xi32>], vector<16xf32>,
        %parallel_loop3A_527 = arith.index_cast %parallel_loop3A_513 : i32 to index
        %parallel_loop3A_528 = arith.constant 48 : index
        %parallel_loop3A_529 = tpu.vector_load %arg14[%parallel_loop3A_527, %parallel_loop3A_528] {strides = array<i32>} : memref<128x128xf32, #tpu.memory_space<vmem>>, vector<16xf32>,
        %parallel_loop3A_530 = arith.addf %parallel_loop3A_529, %get3A_461 : vector<16xf32>
        tpu.vector_store_idx %arg18[%shift_right_arithmetic3A_437, %broadcast_in_dim3A_413, %and3A_449, %parallel_loop3A_514], %parallel_loop3A_530 : memref<8x1x8x129xf32, #tpu.memory_space<vmem>>[vector<16xi32>, vector<16xi32>, vector<16xi32>, vector<16xi32>], vector<16xf32>,
      } {sc.loop_unroll_factor = 4 : i64, sc.parallel_access}
      %dma_start3A_465 = arith.constant 0 : i32
      %dma_start3A_466 = arith.constant 0 : i32
      %dma_start3A_467 = arith.constant 0 : i32
      %dma_start3A_468 = arith.constant 0 : i32
      %dma_start3A_469 = tpu.memref_slice %arg18[%dma_start3A_465, %dma_start3A_466, %dma_start3A_467, %dma_start3A_468] : memref<8x1x8x129xf32, #tpu.memory_space<vmem>> -> memref<8x1x8x128xf32, #tpu.memory_space<vmem>>
      %dma_start3A_470 = arith.constant 0 : i32
      %dma_start3A_471 = arith.constant 0 : i32
      %dma_start3A_472 = arith.constant 0 : i32
      %dma_start3A_473 = tpu.memref_slice %arg5[%add3A_400, %dma_start3A_470, %add3A, %dma_start3A_471, %dma_start3A_472] : memref<200x8x32x8x128xf32, #tpu.memory_space<hbm>> -> memref<1x8x1x8x128xf32, #tpu.memory_space<hbm>>
      %dma_start3A_474 = tpu.memref_squeeze %dma_start3A_473 : memref<1x8x1x8x128xf32, #tpu.memory_space<hbm>> -> memref<8x1x8x128xf32, #tpu.memory_space<hbm>>
      %dma_start3A_475 = arith.constant 0 : i32
      %dma_start3A_476 = arith.constant 0 : i32
      %dma_start3A_477 = arith.constant 0 : i32
      %dma_start3A_478 = tpu.memref_slice %arg5[%add3A_400, %dma_start3A_475, %add3A, %dma_start3A_476, %dma_start3A_477] : memref<200x8x32x8x128xf32, #tpu.memory_space<hbm>> -> memref<1x8x1x8x128xf32, #tpu.memory_space<hbm>>
      %dma_start3A_479 = tpu.memref_squeeze %dma_start3A_478 : memref<1x8x1x8x128xf32, #tpu.memory_space<hbm>> -> memref<8x1x8x128xf32, #tpu.memory_space<hbm>>
      %dma_start3A_480 = arith.constant 0 : i32
      %dma_start3A_481 = arith.constant 0 : i32
      %dma_start3A_482 = arith.constant 0 : i32
      %dma_start3A_483 = arith.constant 0 : i32
      %dma_start3A_484 = tpu.memref_slice %arg18[%dma_start3A_480, %dma_start3A_481, %dma_start3A_482, %dma_start3A_483] : memref<8x1x8x129xf32, #tpu.memory_space<vmem>> -> memref<8x1x8x128xf32, #tpu.memory_space<vmem>>
      tpu.enqueue_dma source(%dma_start3A_484 : memref<8x1x8x128xf32, #tpu.memory_space<vmem>>) target(%dma_start3A_479 : memref<8x1x8x128xf32, #tpu.memory_space<hbm>>) target_semaphore(%arg30 : memref<!tpu.dma_semaphore, #tpu.memory_space<semaphore_mem>>)
      %add3A_485 = arith.constant 2 : i32
      %add3A_486 = arith.addi %add3A_400, %add3A_485 : i32
      %lt3A_487 = arith.constant 200 : i32
      %lt3A_488 = arith.cmpi slt, %add3A_486, %lt3A_487 : i32
      %convert_element_type3A_489 = arith.extui %lt3A_488 : i1 to i32
      %cond3A_490 = arith.constant 0 : i32
      %cond3A_491 = arith.cmpi ne, %convert_element_type3A_489, %cond3A_490 : i32
      scf.if %cond3A_491 {
        %ge3A = arith.constant 2 : i32
        %ge3A_492 = arith.cmpi sge, %add3A_400, %ge3A : i32
        %convert_element_type3A_493 = arith.extui %ge3A_492 : i1 to i32
        %cond3A_494 = arith.constant 0 : i32
        %cond3A_495 = arith.cmpi ne, %convert_element_type3A_493, %cond3A_494 : i32
        scf.if %cond3A_495 {
          %sub3A = arith.constant 2 : i32
          %sub3A_505 = arith.subi %add3A_400, %sub3A : i32
          %dma_wait3A_506 = arith.constant 0 : i32
          %dma_wait3A_507 = arith.constant 0 : i32
          %dma_wait3A_508 = arith.constant 0 : i32
          %dma_wait3A_509 = arith.constant 0 : i32
          %dma_wait3A_510 = tpu.memref_slice %arg16[%dma_wait3A_506, %dma_wait3A_507, %dma_wait3A_508, %dma_wait3A_509] : memref<8x1x8x129xf32, #tpu.memory_space<vmem>> -> memref<8x1x8x128xf32, #tpu.memory_space<vmem>>
          %dma_wait3A_511 = arith.constant 0 : i32
          %dma_wait3A_512 = arith.constant 0 : i32
          %dma_wait3A_513 = arith.constant 0 : i32
          %dma_wait3A_514 = tpu.memref_slice %arg5[%sub3A_505, %dma_wait3A_511, %add3A, %dma_wait3A_512, %dma_wait3A_513] : memref<200x8x32x8x128xf32, #tpu.memory_space<hbm>> -> memref<1x8x1x8x128xf32, #tpu.memory_space<hbm>>
          %dma_wait3A_515 = tpu.memref_squeeze %dma_wait3A_514 : memref<1x8x1x8x128xf32, #tpu.memory_space<hbm>> -> memref<8x1x8x128xf32, #tpu.memory_space<hbm>>
          %dma_wait3A_516 = arith.constant 0 : i32
          %dma_wait3A_517 = arith.constant 0 : i32
          %dma_wait3A_518 = arith.constant 0 : i32
          %dma_wait3A_519 = tpu.memref_slice %arg5[%sub3A_505, %dma_wait3A_516, %add3A, %dma_wait3A_517, %dma_wait3A_518] : memref<200x8x32x8x128xf32, #tpu.memory_space<hbm>> -> memref<1x8x1x8x128xf32, #tpu.memory_space<hbm>>
          %dma_wait3A_520 = tpu.memref_squeeze %dma_wait3A_519 : memref<1x8x1x8x128xf32, #tpu.memory_space<hbm>> -> memref<8x1x8x128xf32, #tpu.memory_space<hbm>>
          %dma_wait3A_521 = arith.constant 0 : i32
          %dma_wait3A_522 = arith.constant 0 : i32
          %dma_wait3A_523 = arith.constant 0 : i32
          %dma_wait3A_524 = arith.constant 0 : i32
          %dma_wait3A_525 = tpu.memref_slice %arg16[%dma_wait3A_521, %dma_wait3A_522, %dma_wait3A_523, %dma_wait3A_524] : memref<8x1x8x129xf32, #tpu.memory_space<vmem>> -> memref<8x1x8x128xf32, #tpu.memory_space<vmem>>
          tpu.wait_dma2 semaphore(%arg28 : memref<!tpu.dma_semaphore, #tpu.memory_space<semaphore_mem>>) src(%dma_wait3A_525 : memref<8x1x8x128xf32, #tpu.memory_space<vmem>>) dst(%dma_wait3A_520 : memref<8x1x8x128xf32, #tpu.memory_space<hbm>>)
        } else {
        }
        %add3A_496 = arith.constant 2 : i32
        %add3A_497 = arith.addi %add3A_400, %add3A_496 : i32
        %dma_wait3A_498 = tpu.memref_slice %arg2[%add3A_497, %mul3A_2] : memref<200x4096xi32, #tpu.memory_space<hbm>> -> memref<1x128xi32, #tpu.memory_space<hbm>>
        %dma_wait3A_499 = tpu.memref_squeeze %dma_wait3A_498 : memref<1x128xi32, #tpu.memory_space<hbm>> -> memref<128xi32, #tpu.memory_space<hbm>>
        %dma_wait3A_500 = tpu.memref_slice %arg2[%add3A_497, %mul3A_2] : memref<200x4096xi32, #tpu.memory_space<hbm>> -> memref<1x128xi32, #tpu.memory_space<hbm>>
        %dma_wait3A_501 = tpu.memref_squeeze %dma_wait3A_500 : memref<1x128xi32, #tpu.memory_space<hbm>> -> memref<128xi32, #tpu.memory_space<hbm>>
        tpu.wait_dma2 semaphore(%arg20 : memref<!tpu.dma_semaphore, #tpu.memory_space<semaphore_mem>>) src(%dma_wait3A_501 : memref<128xi32, #tpu.memory_space<hbm>>) dst(%arg8 : memref<128xi32, #tpu.memory_space<vmem>>)
        %dma_start3A_502 = arith.constant 0 : i32
        %dma_start3A_503 = arith.constant 0 : i32
        %dma_start3A_504 = tpu.memref_slice %arg3[%dma_start3A_502, %dma_start3A_503] : memref<1000000x128xf32, #tpu.memory_space<hbm>> -> memref<1000000x128xf32, #tpu.memory_space<hbm>>
        tpu.enqueue_indirect_dma source(%dma_start3A_504 : memref<1000000x128xf32, #tpu.memory_space<hbm>>) target(%arg12 : memref<128x128xf32, #tpu.memory_space<vmem>>) offsets(%arg8 : memref<128xi32, #tpu.memory_space<vmem>>) semaphore(%arg24 : memref<!tpu.dma_semaphore, #tpu.memory_space<semaphore_mem>>)
      } else {
      }
    }
    %scan3A_35 = arith.constant 50 : i32
    %dma_wait3A_36 = arith.constant 196 : i32
    %dma_wait3A_37 = arith.constant 0 : i32
    %dma_wait3A_38 = arith.constant 0 : i32
    %dma_wait3A_39 = arith.constant 0 : i32
    %dma_wait3A_40 = arith.constant 0 : i32
    %dma_wait3A_41 = tpu.memref_slice %arg15[%dma_wait3A_37, %dma_wait3A_38, %dma_wait3A_39, %dma_wait3A_40] : memref<8x1x8x129xf32, #tpu.memory_space<vmem>> -> memref<8x1x8x128xf32, #tpu.memory_space<vmem>>
    %dma_wait3A_42 = arith.constant 0 : i32
    %dma_wait3A_43 = arith.constant 0 : i32
    %dma_wait3A_44 = arith.constant 0 : i32
    %dma_wait3A_45 = tpu.memref_slice %arg5[%dma_wait3A_36, %dma_wait3A_42, %add3A, %dma_wait3A_43, %dma_wait3A_44] : memref<200x8x32x8x128xf32, #tpu.memory_space<hbm>> -> memref<1x8x1x8x128xf32, #tpu.memory_space<hbm>>
    %dma_wait3A_46 = tpu.memref_squeeze %dma_wait3A_45 : memref<1x8x1x8x128xf32, #tpu.memory_space<hbm>> -> memref<8x1x8x128xf32, #tpu.memory_space<hbm>>
    %dma_wait3A_47 = arith.constant 0 : i32
    %dma_wait3A_48 = arith.constant 0 : i32
    %dma_wait3A_49 = arith.constant 0 : i32
    %dma_wait3A_50 = tpu.memref_slice %arg5[%dma_wait3A_36, %dma_wait3A_47, %add3A, %dma_wait3A_48, %dma_wait3A_49] : memref<200x8x32x8x128xf32, #tpu.memory_space<hbm>> -> memref<1x8x1x8x128xf32, #tpu.memory_space<hbm>>
    %dma_wait3A_51 = tpu.memref_squeeze %dma_wait3A_50 : memref<1x8x1x8x128xf32, #tpu.memory_space<hbm>> -> memref<8x1x8x128xf32, #tpu.memory_space<hbm>>
    %dma_wait3A_52 = arith.constant 0 : i32
    %dma_wait3A_53 = arith.constant 0 : i32
    %dma_wait3A_54 = arith.constant 0 : i32
    %dma_wait3A_55 = arith.constant 0 : i32
    %dma_wait3A_56 = tpu.memref_slice %arg15[%dma_wait3A_52, %dma_wait3A_53, %dma_wait3A_54, %dma_wait3A_55] : memref<8x1x8x129xf32, #tpu.memory_space<vmem>> -> memref<8x1x8x128xf32, #tpu.memory_space<vmem>>
    tpu.wait_dma2 semaphore(%arg27 : memref<!tpu.dma_semaphore, #tpu.memory_space<semaphore_mem>>) src(%dma_wait3A_56 : memref<8x1x8x128xf32, #tpu.memory_space<vmem>>) dst(%dma_wait3A_51 : memref<8x1x8x128xf32, #tpu.memory_space<hbm>>)
    %dma_wait3A_57 = arith.constant 197 : i32
    %dma_wait3A_58 = arith.constant 0 : i32
    %dma_wait3A_59 = arith.constant 0 : i32
    %dma_wait3A_60 = arith.constant 0 : i32
    %dma_wait3A_61 = arith.constant 0 : i32
    %dma_wait3A_62 = tpu.memref_slice %arg16[%dma_wait3A_58, %dma_wait3A_59, %dma_wait3A_60, %dma_wait3A_61] : memref<8x1x8x129xf32, #tpu.memory_space<vmem>> -> memref<8x1x8x128xf32, #tpu.memory_space<vmem>>
    %dma_wait3A_63 = arith.constant 0 : i32
    %dma_wait3A_64 = arith.constant 0 : i32
    %dma_wait3A_65 = arith.constant 0 : i32
    %dma_wait3A_66 = tpu.memref_slice %arg5[%dma_wait3A_57, %dma_wait3A_63, %add3A, %dma_wait3A_64, %dma_wait3A_65] : memref<200x8x32x8x128xf32, #tpu.memory_space<hbm>> -> memref<1x8x1x8x128xf32, #tpu.memory_space<hbm>>
    %dma_wait3A_67 = tpu.memref_squeeze %dma_wait3A_66 : memref<1x8x1x8x128xf32, #tpu.memory_space<hbm>> -> memref<8x1x8x128xf32, #tpu.memory_space<hbm>>
    %dma_wait3A_68 = arith.constant 0 : i32
    %dma_wait3A_69 = arith.constant 0 : i32
    %dma_wait3A_70 = arith.constant 0 : i32
    %dma_wait3A_71 = tpu.memref_slice %arg5[%dma_wait3A_57, %dma_wait3A_68, %add3A, %dma_wait3A_69, %dma_wait3A_70] : memref<200x8x32x8x128xf32, #tpu.memory_space<hbm>> -> memref<1x8x1x8x128xf32, #tpu.memory_space<hbm>>
    %dma_wait3A_72 = tpu.memref_squeeze %dma_wait3A_71 : memref<1x8x1x8x128xf32, #tpu.memory_space<hbm>> -> memref<8x1x8x128xf32, #tpu.memory_space<hbm>>
    %dma_wait3A_73 = arith.constant 0 : i32
    %dma_wait3A_74 = arith.constant 0 : i32
    %dma_wait3A_75 = arith.constant 0 : i32
    %dma_wait3A_76 = arith.constant 0 : i32
    %dma_wait3A_77 = tpu.memref_slice %arg16[%dma_wait3A_73, %dma_wait3A_74, %dma_wait3A_75, %dma_wait3A_76] : memref<8x1x8x129xf32, #tpu.memory_space<vmem>> -> memref<8x1x8x128xf32, #tpu.memory_space<vmem>>
    tpu.wait_dma2 semaphore(%arg28 : memref<!tpu.dma_semaphore, #tpu.memory_space<semaphore_mem>>) src(%dma_wait3A_77 : memref<8x1x8x128xf32, #tpu.memory_space<vmem>>) dst(%dma_wait3A_72 : memref<8x1x8x128xf32, #tpu.memory_space<hbm>>)
    %dma_wait3A_78 = arith.constant 198 : i32
    %dma_wait3A_79 = arith.constant 0 : i32
    %dma_wait3A_80 = arith.constant 0 : i32
    %dma_wait3A_81 = arith.constant 0 : i32
    %dma_wait3A_82 = arith.constant 0 : i32
    %dma_wait3A_83 = tpu.memref_slice %arg17[%dma_wait3A_79, %dma_wait3A_80, %dma_wait3A_81, %dma_wait3A_82] : memref<8x1x8x129xf32, #tpu.memory_space<vmem>> -> memref<8x1x8x128xf32, #tpu.memory_space<vmem>>
    %dma_wait3A_84 = arith.constant 0 : i32
    %dma_wait3A_85 = arith.constant 0 : i32
    %dma_wait3A_86 = arith.constant 0 : i32
    %dma_wait3A_87 = tpu.memref_slice %arg5[%dma_wait3A_78, %dma_wait3A_84, %add3A, %dma_wait3A_85, %dma_wait3A_86] : memref<200x8x32x8x128xf32, #tpu.memory_space<hbm>> -> memref<1x8x1x8x128xf32, #tpu.memory_space<hbm>>
    %dma_wait3A_88 = tpu.memref_squeeze %dma_wait3A_87 : memref<1x8x1x8x128xf32, #tpu.memory_space<hbm>> -> memref<8x1x8x128xf32, #tpu.memory_space<hbm>>
    %dma_wait3A_89 = arith.constant 0 : i32
    %dma_wait3A_90 = arith.constant 0 : i32
    %dma_wait3A_91 = arith.constant 0 : i32
    %dma_wait3A_92 = tpu.memref_slice %arg5[%dma_wait3A_78, %dma_wait3A_89, %add3A, %dma_wait3A_90, %dma_wait3A_91] : memref<200x8x32x8x128xf32, #tpu.memory_space<hbm>> -> memref<1x8x1x8x128xf32, #tpu.memory_space<hbm>>
    %dma_wait3A_93 = tpu.memref_squeeze %dma_wait3A_92 : memref<1x8x1x8x128xf32, #tpu.memory_space<hbm>> -> memref<8x1x8x128xf32, #tpu.memory_space<hbm>>
    %dma_wait3A_94 = arith.constant 0 : i32
    %dma_wait3A_95 = arith.constant 0 : i32
    %dma_wait3A_96 = arith.constant 0 : i32
    %dma_wait3A_97 = arith.constant 0 : i32
    %dma_wait3A_98 = tpu.memref_slice %arg17[%dma_wait3A_94, %dma_wait3A_95, %dma_wait3A_96, %dma_wait3A_97] : memref<8x1x8x129xf32, #tpu.memory_space<vmem>> -> memref<8x1x8x128xf32, #tpu.memory_space<vmem>>
    tpu.wait_dma2 semaphore(%arg29 : memref<!tpu.dma_semaphore, #tpu.memory_space<semaphore_mem>>) src(%dma_wait3A_98 : memref<8x1x8x128xf32, #tpu.memory_space<vmem>>) dst(%dma_wait3A_93 : memref<8x1x8x128xf32, #tpu.memory_space<hbm>>)
    %dma_wait3A_99 = arith.constant 199 : i32
    %dma_wait3A_100 = arith.constant 0 : i32
    %dma_wait3A_101 = arith.constant 0 : i32
    %dma_wait3A_102 = arith.constant 0 : i32
    %dma_wait3A_103 = arith.constant 0 : i32
    %dma_wait3A_104 = tpu.memref_slice %arg18[%dma_wait3A_100, %dma_wait3A_101, %dma_wait3A_102, %dma_wait3A_103] : memref<8x1x8x129xf32, #tpu.memory_space<vmem>> -> memref<8x1x8x128xf32, #tpu.memory_space<vmem>>
    %dma_wait3A_105 = arith.constant 0 : i32
    %dma_wait3A_106 = arith.constant 0 : i32
    %dma_wait3A_107 = arith.constant 0 : i32
    %dma_wait3A_108 = tpu.memref_slice %arg5[%dma_wait3A_99, %dma_wait3A_105, %add3A, %dma_wait3A_106, %dma_wait3A_107] : memref<200x8x32x8x128xf32, #tpu.memory_space<hbm>> -> memref<1x8x1x8x128xf32, #tpu.memory_space<hbm>>
    %dma_wait3A_109 = tpu.memref_squeeze %dma_wait3A_108 : memref<1x8x1x8x128xf32, #tpu.memory_space<hbm>> -> memref<8x1x8x128xf32, #tpu.memory_space<hbm>>
    %dma_wait3A_110 = arith.constant 0 : i32
    %dma_wait3A_111 = arith.constant 0 : i32
    %dma_wait3A_112 = arith.constant 0 : i32
    %dma_wait3A_113 = tpu.memref_slice %arg5[%dma_wait3A_99, %dma_wait3A_110, %add3A, %dma_wait3A_111, %dma_wait3A_112] : memref<200x8x32x8x128xf32, #tpu.memory_space<hbm>> -> memref<1x8x1x8x128xf32, #tpu.memory_space<hbm>>
    %dma_wait3A_114 = tpu.memref_squeeze %dma_wait3A_113 : memref<1x8x1x8x128xf32, #tpu.memory_space<hbm>> -> memref<8x1x8x128xf32, #tpu.memory_space<hbm>>
    %dma_wait3A_115 = arith.constant 0 : i32
    %dma_wait3A_116 = arith.constant 0 : i32
    %dma_wait3A_117 = arith.constant 0 : i32
    %dma_wait3A_118 = arith.constant 0 : i32
    %dma_wait3A_119 = tpu.memref_slice %arg18[%dma_wait3A_115, %dma_wait3A_116, %dma_wait3A_117, %dma_wait3A_118] : memref<8x1x8x129xf32, #tpu.memory_space<vmem>> -> memref<8x1x8x128xf32, #tpu.memory_space<vmem>>
    tpu.wait_dma2 semaphore(%arg30 : memref<!tpu.dma_semaphore, #tpu.memory_space<semaphore_mem>>) src(%dma_wait3A_119 : memref<8x1x8x128xf32, #tpu.memory_space<vmem>>) dst(%dma_wait3A_114 : memref<8x1x8x128xf32, #tpu.memory_space<hbm>>)
    return
  }
}

module attributes {stable_mosaic.version = 14 : i64} {
  func.func @_transpose_body(%arg0: i32, %arg1: memref<64x2048xf32, #tpu.memory_space<vmem>>, %arg2: memref<2048x128xf32, #tpu.memory_space<vmem>>) attributes {dimension_semantics = [#tpu.dimension_semantics<arbitrary>], iteration_bounds = array<i64: 489>, scalar_prefetch = 0 : i64, scratch_operands = 0 : i64, tpu.core_type = #tpu.core_type<tc>, window_params = [{transform_indices = @transform_0, window_bounds = array<i64: 64, 2048>}, {transform_indices = @transform_1, window_bounds = array<i64: 2048, 128>}]} {
    %get3A = arith.constant 0 : index
    %get3A_0 = arith.constant 0 : index
    %get3A_1 = vector.load %arg1[%get3A, %get3A_0] : memref<64x2048xf32, #tpu.memory_space<vmem>>, vector<64x2048xf32>
    %iota3A = tpu.iota {dimensions = array<i32: 0>} : vector<64x64xi32>
    %iota3A_2 = tpu.iota {dimensions = array<i32: 1>} : vector<64x64xi32>
    %add3A = arith.constant 0 : i32
    %add3A_3 = vector.broadcast %add3A : i32 to vector<64x64xi32>
    %add3A_4 = arith.addi %iota3A, %add3A_3 : vector<64x64xi32>
    %eq3A = arith.cmpi eq, %add3A_4, %iota3A_2 : vector<64x64xi32>
    %convert_element_type3A = arith.extui %eq3A : vector<64x64xi1> to vector<64x64xi32>
    %convert_element_type3A_5 = arith.sitofp %convert_element_type3A : vector<64x64xi32> to vector<64x64xf32>
    %dot_general3A = arith.constant dense<0.000000e+00> : vector<2048x64xf32>
    %dot_general3A_6 = tpu.matmul %get3A_1, %convert_element_type3A_5, %dot_general3A {dimension_numbers = #tpu.dot_dimension_numbers<[0], [0], [1], [1], [0, 1, 1, 1], [], []>, transpose_lhs_hint = false} : vector<64x2048xf32>, vector<64x64xf32>, vector<2048x64xf32> -> vector<2048x64xf32>
    %swap3A = arith.constant 0 : index
    %swap3A_7 = arith.constant 0 : index
    %swap3A_8 = vector.load %arg2[%swap3A, %swap3A_7] : memref<2048x128xf32, #tpu.memory_space<vmem>>, vector<2048x64xf32>
    tpu.vector_store %arg2[%swap3A, %swap3A_7], %dot_general3A_6 {strides = array<i32>} : memref<2048x128xf32, #tpu.memory_space<vmem>>, vector<2048x64xf32>,
    return
  }
  func.func @transform_0(%arg0: i32) -> (i32, i32) {
    %c0_i32 = arith.constant 0 : i32
    %c0_i32_0 = arith.constant 0 : i32
    return %c0_i32, %arg0 : i32, i32
  }
  func.func @transform_1(%arg0: i32) -> (i32, i32) {
    %c0_i32 = arith.constant 0 : i32
    %c0_i32_0 = arith.constant 0 : i32
    return %arg0, %c0_i32 : i32, i32
  }
}

</mosaic_0001>

<sc_bundles>
// kernel: kernel.4.cloned.1.call-start
scs
__scs_entry_jumppad:
0x0: {  	(pc) =	sbr.rel $0x88, $3  }
0x1: {  	(tag) =	ssettag $0x0;
	lr =	simm.s32 $0x1  }
0x2: {  	[smem:$0x3F9E] =	sst lr;
	_ =	strace $0xD0000000  }
0x3: {  	_ = 	snop  }
0x4: {  	_ = 	snop  }
0x5: {  	_ = 	snop  }
0x6: {  	_ = 	snop  }
0x7: {  	_ = 	snop  }
__scs_overlays_trampoline_lowered:
0x8: {  	[smem:$0x3FAD] =	sst s0  }
0x9: {  	[smem:$0x3FAE] =	sst s1  }
0xa: {  	[smem:$0x3FAF] =	sst s2  }
0xb: {  	[smem:$0x3FB0] =	sst s3  }
0xc: {  	[smem:$0x3FB1] =	sst s4  }
0xd: {  	[smem:$0x3FB2] =	sst s5  }
0xe: {  	[smem:$0x3FB3] =	sst s6  }
0xf: {  	[smem:$0x3FB4] =	sst s7  }
0x10: {  	[smem:$0x3FB5] =	sst s8  }
0x11: {  	[smem:$0x3FB6] =	sst s9;
	s0 =	simm.s32 @!p0 $0x0  }
0x12: {  	s1 =	sld [smem:$0x3F9C];
	s0 =	simm.s32 @p0 $0x1  }
0x13: {  	[smem:$0x3FB7] =	sst s0;
	s0 =	simm.s32 @!p1 $0x0  }
0x14: {  	s2 =	sld [smem:$0x3F9B];
	s0 =	simm.s32 @p1 $0x1  }
0x15: {  	[smem:$0x3FB8] =	sst s0;
	s0 =	simm.s32 @!p2 $0x0  }
0x16: {  	s3 =	sld [smem:$0x3FDB];
	s0 =	simm.s32 @p2 $0x1  }
0x17: {  	s4 =	simm.s32 $0x1BF5;
	[smem:$0x3FBA] =	sst s0  }
0x18: {  	s0 =	sld [smem:$0x3F9D];
	_ =	swait.ge [sflag:s4], $0x0  }
0x19: {  	s7 =	sld [smem:$0x3F9E]  }
0x1a: {  	s8 =	sadd.s32 $0xFFFFE003, lr  }
0x1b: {  	s9 =	sadd.s32 $0xFFFFFEF7, lr;
	s5 =	simm.s32 $0xFFFFFFFF;
	p2 =	slt.u32 s8, $0xFFFFF086  }
0x1c: {  	p1 =	slt.u32 s9, $0xF7A;
	s5 =	simm.s32 @!p2 $0x0  }
0x1d: {  	s5 =	simm.s32 @p1 $0x1;
	p0 =	seq.s32 s7, s2  }
0x1e: {  	s7 =	smul.u32 @!p0 $0xF7A, s2;
	p2 =	seq.s32 @!p0 s5, $0x0  }
0x1f: {  	s9 =	smul.u32 $0xF7A, s1;
	s8 =	simm.s32 @!p0 $0x1BF5;
	p2 =	por !p2, p0  }
0x20: {  	[sflag:s8] =	ssyncset.s32 @!p0 $0xFFFFF086;
	s6 =	sadd.s32 @!p0 s3, s7;
	s7 =	simm.s32 @!p0 $0x108  }
0x21: {  	s3 =	sadd.s32 s3, s9;
	s6 =	sadd.s32 @!p0 $0x88, s6;
	s7 =	simm.s32 @p2 $0x1082  }
0x22: {  	[simem:s7], [sflag:s8] =	dma.local @!p0 [hbm:s6], $0xF7A  }
0x23: {  	s9 =	sor.u32 $0xD0000000, s2;
	s6 =	simm.s32 $0x108;
	_ =	swait.ge @!p0 [sflag:s8], $0x0  }
0x24: {  	s3 =	sadd.s32 $0x88, s3;
	s6 =	simm.s32 @!p1 $0x1082;
	[sflag:s4] =	ssyncset.s32 $0xFFFFF086  }
0x25: {  	[simem:s6], [sflag:s4] =	dma.local [hbm:s3], $0xF7A  }
0x26: {  	[smem:$0x3F9E] =	sst s1;
	(tag) =	ssettag s2;
	_ =	strace s9  }
0x27: {  	s1 =	sld [smem:$0x3FAE]  }
0x28: {  	s2 =	sld [smem:$0x3FAF]  }
0x29: {  	s4 =	sld [smem:$0x3FB1]  }
0x2a: {  	p0 =	seq.s32 s5, $0x0;
	s5 =	sld [smem:$0x3FB2]  }
0x2b: {  	s6 =	sld [smem:$0x3FB3]  }
0x2c: {  	s7 =	sld [smem:$0x3FB4]  }
0x2d: {  	s3 =	simm.s32 $0x108;
	s8 =	sld [smem:$0x3FB5]  }
0x2e: {  	s3 =	simm.s32 @!p0 $0x1082;
	s9 =	sld [smem:$0x3FB6]  }
0x2f: {  	lr =	sadd.s32 s0, s3;
	s0 =	sld [smem:$0x3FAD]  }
0x30: {  	s3 =	sld [smem:$0x3FB0]  }
0x31: {  	[smem:$0x3FB9] =	sst s10  }
0x32: {  	s10 =	sld [smem:$0x3FB7];
	_ =	sdelay $0x3  }
0x33: {  	p0 =	seq.s32 s10, $0x1;
	s10 =	sld [smem:$0x3FB9];
	_ =	sdelay $0x3  }
0x34: {  	[smem:$0x3FB9] =	sst s10  }
0x35: {  	s10 =	sld [smem:$0x3FB8];
	_ =	sdelay $0x3  }
0x36: {  	p1 =	seq.s32 s10, $0x1;
	s10 =	sld [smem:$0x3FB9];
	_ =	sdelay $0x3  }
0x37: {  	[smem:$0x3FB9] =	sst s10  }
0x38: {  	s10 =	sld [smem:$0x3FBA]  }
0x39: {  	_ = 	snop;
	(pc) =	sbr.ind lr, $3  }
0x3a: {  	_ = 	snop  }
0x3b: {  	_ = 	snop  }
0x3c: {  	p2 =	seq.s32 s10, $0x1;
	s10 =	sld [smem:$0x3FB9]  }
0x3d: {  	_ =	shalt  }
0x3e: {  	_ =	shalt  }
0x3f: {  	_ =	shalt  }
0x40: {  	_ =	shalt  }
0x41: {  	_ =	shalt  }
0x42: {  	_ =	shalt  }
0x43: {  	_ =	shalt  }
0x44: {  	_ =	shalt  }
0x45: {  	_ =	shalt  }
0x46: {  	_ =	shalt  }
0x47: {  	_ =	shalt  }
0x48: {  	_ =	shalt  }
0x49: {  	_ =	shalt  }
0x4a: {  	_ =	shalt  }
0x4b: {  	_ =	shalt  }
0x4c: {  	_ =	shalt  }
0x4d: {  	_ =	shalt  }
0x4e: {  	_ =	shalt  }
0x4f: {  	_ =	shalt  }
0x50: {  	_ =	shalt  }
0x51: {  	_ =	shalt  }
0x52: {  	_ =	shalt  }
0x53: {  	_ =	shalt  }
0x54: {  	_ =	shalt  }
0x55: {  	_ =	shalt  }
0x56: {  	_ =	shalt  }
0x57: {  	_ =	shalt  }
0x58: {  	_ =	shalt  }
0x59: {  	_ =	shalt  }
0x5a: {  	_ =	shalt  }
0x5b: {  	_ =	shalt  }
0x5c: {  	_ =	shalt  }
0x5d: {  	_ =	shalt  }
0x5e: {  	_ =	shalt  }
0x5f: {  	_ =	shalt  }
0x60: {  	_ =	shalt  }
0x61: {  	_ =	shalt  }
0x62: {  	_ =	shalt  }
0x63: {  	_ =	shalt  }
0x64: {  	_ =	shalt  }
0x65: {  	_ =	shalt  }
0x66: {  	_ =	shalt  }
0x67: {  	_ =	shalt  }
0x68: {  	_ =	shalt  }
0x69: {  	_ =	shalt  }
0x6a: {  	_ =	shalt  }
0x6b: {  	_ =	shalt  }
0x6c: {  	_ =	shalt  }
0x6d: {  	_ =	shalt  }
0x6e: {  	_ =	shalt  }
0x6f: {  	_ =	shalt  }
0x70: {  	_ =	shalt  }
0x71: {  	_ =	shalt  }
0x72: {  	_ =	shalt  }
0x73: {  	_ =	shalt  }
0x74: {  	_ =	shalt  }
0x75: {  	_ =	shalt  }
0x76: {  	_ =	shalt  }
0x77: {  	_ =	shalt  }
0x78: {  	_ =	shalt  }
0x79: {  	_ =	shalt  }
0x7a: {  	_ =	shalt  }
0x7b: {  	_ =	shalt  }
0x7c: {  	_ =	shalt  }
0x7d: {  	_ =	shalt  }
0x7e: {  	_ =	shalt  }
0x7f: {  	_ =	shalt  }
0x80: {  	_ =	shalt  }
0x81: {  	_ =	shalt  }
0x82: {  	_ =	shalt  }
0x83: {  	_ =	shalt  }
0x84: {  	_ =	shalt  }
0x85: {  	_ =	shalt  }
0x86: {  	_ =	shalt  }
0x87: {  	_ =	shalt  }
.Lfunc_end0:
.L_simem_size_0:
called_computation_lowered:
.L_overlay_start_0:
0x88: {  	s2 =	sld [smem:$0x3FD9]  }
0x89: {  	s3 =	sld [smem:$0x3FFE];
	_ =	sdelay $0x1  }
0x8a: {  	s1 =	srdreg.scid  }
0x8b: {  	s0 =	sand.u32 $0x1, s1  }
0x8c: {  	s17 =	sshll.u32 s0, $0xA;
	s2 =	sadd.s32 s3, s2  }
0x8d: {  	s2 =	sadd.s32 s2, s17  }
0x8e: {  	[smem:$0x3FC5] =	sst s2  }
0x8f: {  	_ = 	snop  }
0x90: {  	s2 =	sld [smem:$0x3FD0];
	(tm) =	ssettm $0x1  }
0x91: {  	s18 =	sld [smem:$0x3FFB];
	_ =	sdelay $0x3  }
0x92: {  	_ =	strace s18  }
0x93: {  	s3 =	sld [smem:$0x3FFC];
	_ =	sdelay $0x3  }
0x94: {  	_ =	strace s3  }
0x95: {  	s3 =	sld [smem:$0x3FFD];
	_ =	sdelay $0x3  }
0x96: {  	_ =	strace s3  }
0x97: {  	_ =	strace $0x8FFFFFFF  }
0x98: {  	s19 =	sld [smem:$0x3FDB];
	_ =	sdelay $0x1  }
0x99: {  	s4 =	simm.s32 $_scs_section_size  }
0x9a: {  	s5 =	simm.s32 $_size__tile_overlayer_lowered;
	s6 =	simm.s32 $_tile_overlayer_lowered  }
0x9b: {  	s22 =	simm.s32 $0x1BFF;
	s21 =	sshll.u32 s6, $0x1;
	s3 =	sadd.s32 s4, s19  }
0x9c: {  	s7 =	simm.s32 $0x0;
	s20 =	sshll.u32 s5, $0x1;
	s5 =	sadd.s32 s21, s3  }
0x9d: {  	[timem:s7], [sflag:s22] =	dma.local [hbm:s5], s20  }
0x9e: {  	_ =	swait.ge [sflag:s22], s20  }
0x9f: {  	s4 =	ssub.s32 $0x0, s20;
	[sflag:s22] =	ssyncset.done $0x0  }
0xa0: {  	[sflag:s22] =	ssyncadd.s32 s4;
	_ =	sdelay $0x1  }
0xa1: {  	s23 =	simm.s32 $0x1B8B  }
0xa2: {  	_ =	swait.ge [sflag:s23], $0x1  }
0xa3: {  	[sflag:s23] =	ssyncset.done $0x0  }
0xa4: {  	s25 =	simm.s32 $0x1B8E;
	s24 =	sld [smem:$0x3FFE];
	[sflag:s23] =	ssyncadd.s32 $0xFFFFFFFF  }
0xa5: {  	s26 =	simm.s32 $execute0_lowered;
	[smem:$0x3FD2] =	sst s25  }
0xa6: {  	s5 =	sshll.u32 s26, $0x1;
	_ =	strace $0x80000046;
	[dreg:$0x1] =	wrdreg $0xFFFFFFFF  }
0xa7: {  	s28 =	simm.s32 $_size_execute0_lowered;
	s3 =	sadd.s32 s3, s5;
	[dreg:$0x0] =	wrdreg $0x0  }
0xa8: {  	s5 =	sshll.u32 s28, $0x1;
	[dreg:$0x2] =	wrdreg s3  }
0xa9: {  	[dreg:$0x3] =	wrdreg s5  }
0xaa: {  	[dreg:$0x4] =	wrdreg $0xC0  }
0xab: {  	_ =	task [dreg:s7], $0x5FFFF  }
0xac: {  	[dreg:$0x1] =	wrdreg $0xFFFFFFFF  }
0xad: {  	[dreg:$0x0] =	wrdreg $0x60  }
0xae: {  	[dreg:$0x2] =	wrdreg s24  }
0xaf: {  	[dreg:$0x3] =	wrdreg s2  }
0xb0: {  	[dreg:$0x4] =	wrdreg $0x9  }
0xb1: {  	_ =	task.clear_ibuf [dreg:s7], $0x5FFFF;
	_ =	strace $0x90000046  }
0xb2: {  	s29 =	simm.s32 $0x9;
	_ =	strace $0x80000048  }
0xb3: {  	_ =	swait.ge [sflag:s29], $0x1  }
0xb4: {  	[sflag:s29] =	ssyncadd.s32 $0xFFFFFFFF  }
0xb5: {  	_ =	strace $0x90000048  }
0xb6: {  	_ =	sfence  }
0xb7: {  	s30 =	sld [smem:$0x0];
	_ =	sdelay $0x2  }
0xb8: {  	s31 =	sshll.u32 s1, $0xD;
	s1 =	sshrl.u32 s1, $0x2  }
0xb9: {  	s3 =	sand.u32 $0x4000, s31;
	s1 =	sadd.s32 s1, s30  }
0xba: {  	s0 =	sor.u32 s3, s0;
	s1 =	sshll.u32 s1, $0x11  }
0xbb: {  	s0 =	sor.u32 s1, s0  }
0xbc: {  	s0 =	sadd.s32 $0x8F2B, s0  }
0xbd: {  	[sflag:s0] =	ssyncadd.remote.s32 $0x1  }
0xbe: {  	_ =	sfence.sel $0xFFFF  }
0xbf: {  	[dreg:$0x0] =	wrdreg $0xFFFFFFFF;
	(pc) =	sbr.abs _section_cstart, $3  }
0xc0: {  	[dreg:$0x1] =	wrdreg $0xFFFFFFFF  }
0xc1: {  	_ =	task.clear_ibuf [dreg:s7], $0x2FFFF;
	_ =	strace $0x9FFFFFFF  }
0xc2: {  	(tm) =	ssettm $0x7FFFFFFF  }
0xc3: {  	_ =	shalt  }
tec
execute0_lowered:
.L_overlay_start_1:
0x0: {  	(tag) =	ssettag $0x1  }
0x1: {  	v0 =	vlaneseq.u32  }
0x2: {  	s0 =	rddreg [dreg:$0x0];
	s3 =	simm.s32 $0x0;
	v22 =	vmul.u32 $0x88, v0  }
0x3: {  	[smem:$0x7FF] =	sst s3  }
0x4: {  	s2 =	rddreg [dreg:$0x1];
	_ =	strace $0x80000047;
	v2 =	vadd.s32 $0x1983, v22;
	[tilespmem:$0x1FFD0] =	vst v22  }
0x5: {  	vm0 =	vcmask $0x300;
	v0 =	vimm.s32 $0x0;
	v63 =	vadd.s32 $0x881, v22;
	[tilespmem:$0x1FE00] =	vst v2  }
0x6: {  	v1 =	vsel vm0, $0x3, v0;
	v0 =	vadd.s32 $0x1981, v22;
	[tilespmem:$0x1FE10] =	vst v63  }
0x7: {  	v32 =	vadd.s32 $0x1102, v22;
	[tilespmem:$0x1FE20] =	vst v0  }
0x8: {  	v57 =	vadd.s32 $0x1982, v22;
	[tilespmem:$0x1FE30] =	vst v32  }
0x9: {  	v53 =	vor.u32 $0x3, v22;
	[tilespmem:$0x1FE40] =	vst v57  }
0xa: {  	v27 =	vor.u32 $0x4, v22;
	[tilespmem:$0x1FE50] =	vst v53  }
0xb: {  	v26 =	vadd.s32 $0x884, v22;
	[tilespmem:$0x1FE60] =	vst v27  }
0xc: {  	v24 =	vadd.s32 $0x1104, v22;
	[tilespmem:$0x1FE70] =	vst v26  }
0xd: {  	v40 =	vadd.s32 $0x1984, v22;
	[tilespmem:$0x1FE80] =	vst v24  }
0xe: {  	v21 =	vadd.s32 $0x882, v22;
	[tilespmem:$0x1FE90] =	vst v40  }
0xf: {  	v19 =	vor.u32 $0x6, v22;
	[tilespmem:$0x1FEA0] =	vst v21  }
0x10: {  	v23 =	vadd.s32 $0x886, v22;
	[tilespmem:$0x1FEB0] =	vst v19  }
0x11: {  	v61 =	vadd.s32 $0x1106, v22;
	[tilespmem:$0x1FEC0] =	vst v23  }
0x12: {  	v42 =	vadd.s32 $0x1986, v22;
	[tilespmem:$0x1FED0] =	vst v61  }
0x13: {  	v55 =	vor.u32 $0x7, v22;
	[tilespmem:$0x1FEE0] =	vst v42  }
0x14: {  	v29 =	vadd.s32 $0x1107, v22;
	[tilespmem:$0x1FEF0] =	vst v55  }
0x15: {  	s1 =	srdreg.scid;
	s4 =	stileid.u32;
	s21 =	simm.s32 $0x80;
	v18 =	vadd.s32 $0x1987, v22;
	[tilespmem:$0x1FF10] =	vst v29  }
0x16: {  	s30 =	simm.s32 $0x3380;
	s28 =	simm.s32 $0x13400;
	s29 =	simm.s32 $0x3;
	v20 =	vor.u32 $0x2, v22;
	[tilespmem:$0x1FF20] =	vst v18  }
0x17: {  	s31 =	simm.s32 $0x6;
	s17 =	simm.s32 $0x7;
	s9 =	simm.s32 $0x8;
	v17 =	vadd.s32 $0x880, v22;
	[tilespmem:$0x1FF30] =	vst v20  }
0x18: {  	s10 =	simm.s32 $0x19A00;
	s1 =	sand.u32 $0x1, s1;
	s5 =	sshll.u32 s4, $0x1;
	v30 =	vadd.s32 $0x1100, v22;
	[tilespmem:$0x1FF40] =	vst v17  }
0x19: {  	s12 =	simm.s32 $0x0;
	s4 =	sadd.s32 $0xC00, s0;
	s6 =	sor.u32 s1, s5;
	v56 =	vadd.s32 $0x1985, v22;
	[tilespmem:$0x1FF50] =	vst v30  }
0x1a: {  	s5 =	sadd.s32 $0x19C00, s0;
	s1 =	ssub.s32 $0x2, s1;
	s0 =	sadd.s32 $0x400, s0;
	v28 =	vadd.s32 $0x1980, v22;
	[tilespmem:$0x1FF60] =	vst v56  }
0x1b: {  	s7 =	sshll.u32 s6, $0x4;
	[dreg:$0x3] =	wrdreg s0;
	s24 =	sshll.u32 s6, $0x7;
	v5 =	vor.u32 $0x1, v22;
	[tilespmem:$0x1FF70] =	vst v28  }
0x1c: {  	s23 =	sshrl.u32 s1, $0x1;
	v60 =	vadd.s32 $0x885, v22;
	s7 =	sadd.s32 s4, s7;
	[dreg:$0x5] =	wrdreg s24;
	[tilespmem:$0x1FF80] =	vst v5  }
0x1d: {  	s14 =	sshll.u32 s6, $0xA;
	v3 =	vadd.s32 $0x1101, v22;
	s25 =	sor.u32 $0x4000, s24;
	[tilespmem:$0x1FF90] =	vst v60;
	[dreg:$0x4] =	wrdreg s7  }
0x1e: {  	v4 =	vadd.s32 $0x1103, v22;
	s0 =	ssub.s32 s1, s23;
	s26 =	sor.u32 $0x5000, s24;
	[tilespmem:$0x1FFA0] =	vst v3;
	[dreg:$0x8] =	wrdreg s25  }
.Ltmp0:
0x1f: {  	v25 =	vadd.s32 $0x1105, v22;
	s1 =	sor.u32 $0x6000, s24;
	[tilespmem:$0x1FFB0] =	vst v4;
	[dreg:$0x9] =	wrdreg s26;
	(pc) =	sbr.rel .LBB2_1-.Ltmp0, $4  }
0x20: {  	v51 =	vadd.s32 $0x883, v22;
	s6 =	simm.s32 $0x17800;
	[tilespmem:$0x1FFC0] =	vst v25;
	s8 =	sadd.s32 $0x200, s7;
	[dreg:$0xa] =	wrdreg s1  }
0x21: {  	v16 =	vor.u32 $0x5, v22;
	[tilespmem:$0x1FFE0] =	vst v51;
	s7 =	sadd.s32 $0x400, s7;
	s0 =	smax.u32 s0, $0x1;
	[dreg:$0x6] =	wrdreg s8  }
0x22: {  	v2 =	vadd.s32 $0x887, v22;
	[tilespmem:$0x1FFF0] =	vst v16;
	s26 =	simm.s32 $0x5;
	s1 =	simm.s32 $0x4;
	[dreg:$0x7] =	wrdreg s7  }
0x23: {  	[tilespmem:$0x1FF00] =	vst v2;
	[dreg:$0xb] =	wrdreg s0;
	s0 =	simm.s32 $0x15600;
	s7 =	simm.s32 $0xA  }
.LBB2_20:
0x24: {  	s8 =	simm.s32 $0x9  }
0x25: {  	_ =	swait.ge [sflag:s8], $0x2000  }
0x26: {  	[sflag:s8] =	ssyncset.done $0x0  }
0x27: {  	[sflag:s8] =	ssyncadd.s32 $0xFFFFE000  }
0x28: {  	_ =	swait.ge [sflag:s7], $0x2000  }
0x29: {  	[sflag:s7] =	ssyncset.done $0x0  }
0x2a: {  	s24 =	simm.s32 $0xB;
	[sflag:s7] =	ssyncadd.s32 $0xFFFFE000  }
0x2b: {  	_ =	swait.ge [sflag:s24], $0x2000  }
0x2c: {  	[sflag:s24] =	ssyncset.done $0x0  }
0x2d: {  	s11 =	simm.s32 $0xC;
	[sflag:s24] =	ssyncadd.s32 $0xFFFFE000  }
0x2e: {  	_ =	swait.ge [sflag:s11], $0x2000  }
0x2f: {  	v63 =	vld [tilespmem:$0x1FE10]  }
0x30: {  	v32 =	vld [tilespmem:$0x1FE30]  }
0x31: {  	v57 =	vld [tilespmem:$0x1FE40]  }
0x32: {  	s12 =	rddreg [dreg:$0xc];
	v53 =	vld [tilespmem:$0x1FE50]  }
0x33: {  	s25 =	rddreg [dreg:$0xb];
	v27 =	vld [tilespmem:$0x1FE60];
	s12 =	sadd.s32 $0x1, s12  }
0x34: {  	v40 =	vld [tilespmem:$0x1FE90];
	p0 =	sne.s32 s12, s25  }
.Ltmp1:
0x35: {  	v28 =	vmov v19;
	v19 =	vld [tilespmem:$0x1FEB0];
	(pc) =	sbr.rel @!p0 .LBB2_21-.Ltmp1, $4  }
0x36: {  	v42 =	vld [tilespmem:$0x1FEE0]  }
0x37: {  	v55 =	vld [tilespmem:$0x1FEF0]  }
0x38: {  	[sflag:s11] =	ssyncset.done $0x0;
	v29 =	vld [tilespmem:$0x1FF10]  }
0x39: {  	v18 =	vld [tilespmem:$0x1FF20];
	[sflag:s11] =	ssyncadd.s32 $0xFFFFE000  }
.LBB2_1:
0x3a: {  	[dreg:$0xc] =	wrdreg s12  }
0x3b: {  	s8 =	rddreg [dreg:$0x3];
	s15 =	simm.s32 $0xD  }
0x3c: {  	[tilespmem:s3], [sflag:$0xD] =	stream.linear.gather [hbm4b:s8+s3], $0x3200, $0x38;
	[tilespmem:$0x1BC00] =	vst v63  }
0x3d: {  	_ =	swait.ge [sflag:s15], $0x3200  }
0x3e: {  	[sflag:s15] =	ssyncset.done $0x0  }
0x3f: {  	s11 =	simm.s32 $0x3200;
	s16 =	rddreg [dreg:$0x4];
	[sflag:s15] =	ssyncadd.s32 $0xFFFFCE00  }
0x40: {  	[tilespmem:s11], [sflag:$0x1] =	stream.linear.gather [hbm4b:s16+s3], $0x80, $0x38;
	[tilespmem:$0x1BC00] =	vst v63  }
0x41: {  	s19 =	simm.s32 $0x3280;
	s18 =	rddreg [dreg:$0x6]  }
0x42: {  	[tilespmem:s19], [sflag:$0x2] =	stream.linear.gather [hbm4b:s18+s3], $0x80, $0x38;
	[tilespmem:$0x1BC00] =	vst v63  }
0x43: {  	s13 =	simm.s32 $0x3300;
	s22 =	simm.s32 $0x1;
	s20 =	rddreg [dreg:$0x7]  }
0x44: {  	[tilespmem:s13], [sflag:$0x3] =	stream.linear.gather [hbm4b:s20+s3], $0x80, $0x38;
	[tilespmem:$0x1BC00] =	vst v63  }
0x45: {  	_ =	swait.ge [sflag:s22], $0x80  }
0x46: {  	[sflag:s22] =	ssyncset.done $0x0  }
0x47: {  	s23 =	simm.s32 $0x3400;
	s24 =	simm.s32 $0x2;
	[sflag:s22] =	ssyncadd.s32 $0xFFFFFF80  }
0x48: {  	[tilespmem:s23], [sflag:$0x5] =	stream.indirect.gather [hbm4b:s5+s21], $0x80, s11, s21, $0xb8;
	[tilespmem:$0x1BC00] =	vst v63  }
0x49: {  	_ =	swait.ge [sflag:s24], $0x80  }
0x4a: {  	[sflag:s24] =	ssyncset.done $0x0  }
0x4b: {  	s25 =	simm.s32 $0x7400;
	s16 =	simm.s32 $0x0;
	[sflag:s24] =	ssyncadd.s32 $0xFFFFFF80  }
0x4c: {  	[tilespmem:s25], [sflag:$0x6] =	stream.indirect.gather [hbm4b:s5+s21], $0x80, s19, s21, $0xb8;
	[tilespmem:$0x1BC00] =	vst v63  }
.LBB2_2:
0x4d: {  	s20 =	sshllo.u32 s16, $0x2  }
0x4e: {  	s8 =	rddreg [dreg:$0x5];
	s11 =	sshll.u32 s20, $0xC  }
0x4f: {  	s11 =	sor.u32 s8, s11  }
0x50: {  	s11 =	sshrl.u32 s11, $0x3  }
0x51: {  	s12 =	simm.s32 $0x0;
	s11 =	sadd.s32 s4, s11  }
0x52: {  	[tilespmem:s30], [sflag:$0x4] =	stream.linear.gather [hbm4b:s11+s12], $0x80, $0x38;
	[tilespmem:$0x1BC00] =	vst v63  }
0x53: {  	s23 =	simm.s32 $0x2;
	_ =	swait.ge [sflag:s26], $0x4000  }
0x54: {  	s13 =	sshll.u32 s16, $0x8;
	v0 =	vmov s23;
	[sflag:s26] =	ssyncset.done $0x0  }
0x55: {  	s15 =	simm.s32 $0x6;
	s24 =	sand.u32 $0x3FFFFF00, s13;
	v0 =	vshrl.u32 v0, $0x3;
	[sflag:s26] =	ssyncadd.s32 $0xFFFFC000  }
0x56: {  	s25 =	simm.s32 $0x4;
	s18 =	simm.s32 $0x3600;
	v2 =	vmov s15;
	v0 =	vshll.u32 v0, v1;
	v36 =	vld [tilespmem:s24+$0x0]  }
0x57: {  	v3 =	vmov s25;
	v2 =	vshrl.u32 v2, $0x3;
	v0 =	vbroadcast v0, $0x0;
	v4 =	vld [tilespmem:s18+$0xFFFFFF00]  }
0x58: {  	v3 =	vshrl.u32 v3, $0x3;
	v2 =	vshll.u32 v2, v1  }
0x59: {  	v58 =	vmovc v5;
	v3 =	vshll.u32 v3, v1;
	v2 =	vbroadcast v2, $0x0;
	v7 =	vadd.s32 v20, v0;
	v5 =	vld [tilespmem:s18+$0x100]  }
0x5a: {  	v3 =	vbroadcast v3, $0x0;
	v6 =	vld [tilespmem:s18+$0x0]  }
0x5b: {  	v8 =	vadd.s32 v19, v2  }
0x5c: {  	v9 =	vadd.s32 v27, v3;
	v35 =	vld [tilespmem:s24+$0x10];
	v4 =	vadd.f32 v4, v36  }
0x5d: {  	v10 =	vmov s12;
	v34 =	vld [tilespmem:s24+$0x20]  }
0x5e: {  	v33 =	vld [tilespmem:s24+$0x30];
	v5 =	vadd.f32 v5, v36;
	[tilespmem:v7+s28+$0x0] =	vst.idx.msk $0xffff, v4;
	v4 =	vshrl.u32 v10, $0x3  }
0x5f: {  	v11 =	vld [tilespmem:s18+$0xFFFFFE00];
	v6 =	vadd.f32 v6, v36;
	v4 =	vshll.u32 v4, v1  }
0x60: {  	[tilespmem:v8+s28+$0x0] =	vst.idx.msk $0xffff, v5;
	v4 =	vbroadcast v4, $0x0  }
0x61: {  	[tilespmem:v9+s28+$0x0] =	vst.idx.msk $0xffff, v6;
	v5 =	vld [tilespmem:s18+$0x110]  }
0x62: {  	v6 =	vld [tilespmem:s18+$0x10];
	v9 =	vadd.s32 v22, v4  }
0x63: {  	v8 =	vadd.s32 v23, v2  }
0x64: {  	v10 =	vadd.f32 v11, v36;
	v11 =	vadd.s32 v26, v3;
	v7 =	vld [tilespmem:s18+$0xFFFFFF10]  }
0x65: {  	v12 =	vadd.s32 v21, v0;
	v14 =	vadd.s32 v61, v2  }
0x66: {  	s19 =	simm.s32 $0xA;
	v15 =	vadd.s32 v24, v3;
	v38 =	vadd.s32 v32, v0;
	v5 =	vadd.f32 v5, v35  }
0x67: {  	v50 =	vmov s19;
	s30 =	simm.s32 $0xC;
	v43 =	vadd.s32 v57, v0;
	v6 =	vadd.f32 v6, v35;
	[tilespmem:v9+s28+$0x0] =	vst.idx.msk $0xffff, v10  }
0x68: {  	v2 =	vadd.s32 v42, v2;
	v13 =	vadd.s32 v17, v4;
	[tilespmem:v8+s28+$0x0] =	vst.idx.msk $0xffff, v5;
	v8 =	vmov s30;
	v41 =	vld [tilespmem:s18+$0xFFFFFE10]  }
0x69: {  	s13 =	simm.s32 $0x8;
	v7 =	vadd.f32 v7, v35;
	[tilespmem:v11+s28+$0x0] =	vst.idx.msk $0xffff, v6;
	v6 =	vshrl.u32 v50, $0x3;
	v8 =	vshrl.u32 v8, $0x3;
	v9 =	vld [tilespmem:s18+$0x120]  }
0x6a: {  	s22 =	simm.s32 $0xE;
	s15 =	simm.s32 $0x3A00;
	v10 =	vmov s13;
	v0 =	vshll.u32 v6, v1;
	v6 =	vld [tilespmem:s18+$0x20];
	v8 =	vshll.u32 v8, v1  }
0x6b: {  	v5 =	vld [tilespmem:s15+$0xFFFFFF00];
	v10 =	vshrl.u32 v10, $0x3;
	v44 =	vbroadcast v0, $0x0;
	v0 =	vmov s22  }
0x6c: {  	v31 =	vmovc v42;
	v11 =	vld [tilespmem:s15+$0x0];
	v42 =	vbroadcast v8, $0x0;
	v8 =	vshll.u32 v10, v1;
	v0 =	vshrl.u32 v0, $0x3  }
0x6d: {  	[tilespmem:v12+s28+$0x0] =	vst.idx.msk $0xffff, v7;
	v7 =	vbroadcast v8, $0x0;
	v0 =	vshll.u32 v0, v1;
	v41 =	vadd.f32 v41, v35  }
0x6e: {  	s23 =	simm.s32 $0x3;
	v8 =	vld [tilespmem:s15+$0x100];
	v12 =	vadd.s32 v20, v44;
	v48 =	vbroadcast v0, $0x0;
	v9 =	vadd.f32 v9, v34  }
0x6f: {  	v47 =	vmov s23;
	v45 =	vld [tilespmem:s18+$0xFFFFFF20];
	v52 =	vadd.s32 v27, v42;
	v0 =	vadd.f32 v6, v34;
	[tilespmem:v13+s28+$0x0] =	vst.idx.msk $0xffff, v41  }
0x70: {  	v5 =	vadd.f32 v5, v36;
	[tilespmem:v14+s28+$0x0] =	vst.idx.msk $0xffff, v9;
	v9 =	vshrl.u32 v47, $0x3;
	v13 =	vadd.s32 v19, v48;
	v14 =	vld [tilespmem:s18+$0xFFFFFE20]  }
0x71: {  	v6 =	vadd.f32 v11, v36;
	[tilespmem:v15+s28+$0x0] =	vst.idx.msk $0xffff, v0;
	v11 =	vld [tilespmem:s18+$0x130];
	v9 =	vshll.u32 v9, v1  }
0x72: {  	s8 =	simm.s32 $0x5;
	v3 =	vadd.s32 v40, v3;
	v37 =	vadd.s32 v30, v4;
	v62 =	vbroadcast v9, $0x0;
	v9 =	vld [tilespmem:s18+$0x30]  }
0x73: {  	s24 =	simm.s32 $0x7;
	v39 =	vadd.s32 v28, v4;
	v4 =	vmov s8;
	v8 =	vadd.f32 v8, v36;
	[tilespmem:v12+s28+$0x0] =	vst.idx.msk $0xffff, v5  }
0x74: {  	v4 =	vshrl.u32 v4, $0x3;
	v10 =	vld [tilespmem:s15+$0xFFFFFE00];
	v5 =	vadd.f32 v45, v34;
	v12 =	vmov s24;
	[tilespmem:v52+s28+$0x0] =	vst.idx.msk $0xffff, v6  }
0x75: {  	v4 =	vshll.u32 v4, v1;
	v6 =	vshrl.u32 v12, $0x3;
	v54 =	vld [tilespmem:s15+$0xFFFFFF10];
	[tilespmem:v13+s28+$0x0] =	vst.idx.msk $0xffff, v8;
	v8 =	vadd.f32 v14, v34  }
0x76: {  	[tilespmem:v38+s28+$0x0] =	vst.idx.msk $0xffff, v5;
	v6 =	vshll.u32 v6, v1;
	v5 =	vadd.f32 v11, v33;
	v11 =	vld [tilespmem:s15+$0x10]  }
0x77: {  	v47 =	vbroadcast v6, $0x0;
	v13 =	vbroadcast v4, $0x0;
	v6 =	vld [tilespmem:s15+$0x110];
	v4 =	vadd.f32 v9, v33;
	[tilespmem:v37+s28+$0x0] =	vst.idx.msk $0xffff, v8  }
0x78: {  	[tilespmem:v2+s28+$0x0] =	vst.idx.msk $0xffff, v5;
	v9 =	vld [tilespmem:s18+$0xFFFFFE30]  }
0x79: {  	v5 =	vld [tilespmem:s18+$0x180];
	[tilespmem:v3+s28+$0x0] =	vst.idx.msk $0xffff, v4;
	v4 =	vadd.s32 v25, v13  }
0x7a: {  	v46 =	vadd.s32 v22, v7;
	v3 =	vld [tilespmem:s18+$0xFFFFFF30];
	[tilespmem:$0x1FDF0] =	vst v4  }
0x7b: {  	v52 =	vadd.s32 v51, v62;
	v45 =	vadd.f32 v54, v35;
	v4 =	vadd.s32 v30, v7;
	v51 =	vld [tilespmem:s18+$0x80]  }
0x7c: {  	s25 =	simm.s32 $0x1;
	v50 =	vadd.s32 v16, v13;
	[tilespmem:$0x1FDD0] =	vst v4;
	v54 =	vadd.f32 v6, v35;
	v6 =	vadd.s32 v32, v44  }
0x7d: {  	v8 =	vadd.s32 v31, v48;
	[tilespmem:$0x1FDB0] =	vst v6;
	v6 =	vmov s25;
	v9 =	vadd.f32 v9, v33  }
0x7e: {  	v0 =	vadd.f32 v10, v36;
	v15 =	vadd.s32 v26, v42;
	[tilespmem:$0x1FDC0] =	vst v8;
	v6 =	vshrl.u32 v6, $0x3  }
0x7f: {  	v41 =	vadd.s32 v53, v62;
	v6 =	vshll.u32 v6, v1;
	[tilespmem:v39+s28+$0x0] =	vst.idx.msk $0xffff, v9  }
0x80: {  	v37 =	vadd.s32 v56, v13;
	v32 =	vadd.f32 v51, v36;
	v10 =	vbroadcast v6, $0x0;
	v39 =	vld [tilespmem:s18+$0xFFFFFE80]  }
0x81: {  	s8 =	simm.s32 $0x12;
	v13 =	vadd.s32 v60, v13;
	v11 =	vadd.f32 v11, v35;
	v4 =	vmovc v53;
	v53 =	vadd.s32 v23, v48  }
0x82: {  	v60 =	vmov s8;
	v3 =	vadd.f32 v3, v33;
	[tilespmem:v50+s28+$0x0] =	vst.idx.msk $0xffff, v32;
	v50 =	vadd.s32 v58, v10  }
0x83: {  	[tilespmem:v15+s28+$0x0] =	vst.idx.msk $0xffff, v11;
	v11 =	vshrl.u32 v60, $0x3  }
0x84: {  	v12 =	vadd.s32 v21, v44;
	v8 =	vmov v57;
	v11 =	vshll.u32 v11, v1;
	[tilespmem:v43+s28+$0x0] =	vst.idx.msk $0xffff, v3  }
0x85: {  	[tilespmem:v46+s28+$0x0] =	vst.idx.msk $0xffff, v0;
	v43 =	vadd.s32 v8, v44;
	v44 =	vbroadcast v11, $0x0;
	v51 =	vld [tilespmem:s18+$0xFFFFFF80];
	v11 =	vadd.f32 v39, v36  }
0x86: {  	v59 =	vmov v40;
	s30 =	simm.s32 $0x14;
	v49 =	vadd.s32 v24, v42;
	v14 =	vadd.s32 v17, v7;
	[tilespmem:v53+s28+$0x0] =	vst.idx.msk $0xffff, v54  }
0x87: {  	v9 =	vadd.s32 v59, v42;
	v42 =	vadd.s32 v28, v7;
	v7 =	vmov s30;
	v32 =	vld [tilespmem:s18+$0x90];
	[tilespmem:v50+s28+$0x0] =	vst.idx.msk $0xffff, v11  }
0x88: {  	s22 =	simm.s32 $0x3E00;
	v7 =	vshrl.u32 v7, $0x3;
	v0 =	vld [tilespmem:$0x1FFA0]  }
0x89: {  	v40 =	vadd.s32 v29, v47;
	v57 =	vld [tilespmem:s22+$0xFFFFFF00];
	v7 =	vshll.u32 v7, v1  }
0x8a: {  	s11 =	simm.s32 $0x10;
	v2 =	vadd.s32 v61, v48;
	v48 =	vbroadcast v7, $0x0;
	v7 =	vld [tilespmem:s15+$0x20];
	v51 =	vadd.f32 v51, v36  }
0x8b: {  	s19 =	simm.s32 $0x16;
	v38 =	vadd.s32 v18, v47;
	v55 =	vadd.s32 v55, v47;
	v3 =	vmov s11;
	v39 =	vld [tilespmem:s15+$0x120]  }
0x8c: {  	v5 =	vadd.f32 v5, v36;
	v60 =	vmov s19;
	v3 =	vshrl.u32 v3, $0x3;
	v54 =	vld [tilespmem:s15+$0xFFFFFE10];
	[tilespmem:v41+s28+$0x0] =	vst.idx.msk $0xffff, v51  }
0x8d: {  	v3 =	vshll.u32 v3, v1;
	v11 =	vadd.f32 v32, v35;
	v58 =	vadd.s32 v0, v10;
	v0 =	vld [tilespmem:$0x1FF00]  }
0x8e: {  	v15 =	vld [tilespmem:s22+$0x0];
	v46 =	vbroadcast v3, $0x0;
	v3 =	vadd.s32 v20, v44;
	[tilespmem:v12+s28+$0x0] =	vst.idx.msk $0xffff, v45;
	v12 =	vshrl.u32 v60, $0x3  }
0x8f: {  	v7 =	vadd.f32 v7, v34;
	v45 =	vld [tilespmem:s18+$0xFFFFFF90];
	[tilespmem:v13+s28+$0x0] =	vst.idx.msk $0xffff, v11;
	v12 =	vshll.u32 v12, v1  }
0x90: {  	v8 =	vadd.s32 v27, v48;
	v59 =	vld [tilespmem:s18+$0xFFFFFE90];
	[tilespmem:v55+s28+$0x0] =	vst.idx.msk $0xffff, v5;
	v60 =	vbroadcast v12, $0x0;
	v12 =	vadd.f32 v39, v34  }
0x91: {  	v5 =	vadd.f32 v57, v36;
	[tilespmem:v49+s28+$0x0] =	vst.idx.msk $0xffff, v7;
	v39 =	vadd.f32 v54, v35  }
0x92: {  	[tilespmem:v2+s28+$0x0] =	vst.idx.msk $0xffff, v12;
	v41 =	vadd.s32 v0, v47;
	v47 =	vadd.s32 v63, v10  }
0x93: {  	v15 =	vadd.f32 v15, v36;
	v49 =	vld [tilespmem:$0x1FFB0];
	[tilespmem:v14+s28+$0x0] =	vst.idx.msk $0xffff, v39  }
0x94: {  	v14 =	vadd.f32 v45, v35;
	[tilespmem:v3+s28+$0x0] =	vst.idx.msk $0xffff, v5  }
0x95: {  	v55 =	vadd.f32 v59, v35;
	[tilespmem:v8+s28+$0x0] =	vst.idx.msk $0xffff, v15  }
0x96: {  	[tilespmem:v52+s28+$0x0] =	vst.idx.msk $0xffff, v14  }
0x97: {  	[tilespmem:v47+s28+$0x0] =	vst.idx.msk $0xffff, v55  }
0x98: {  	v3 =	vld [tilespmem:$0x1FDB0]  }
0x99: {  	v54 =	vld [tilespmem:s15+$0xFFFFFF20]  }
0x9a: {  	s23 =	simm.s32 $0xB;
	v53 =	vld [tilespmem:s22+$0xFFFFFE00]  }
0x9b: {  	v11 =	vld [tilespmem:s22+$0x100];
	v13 =	vmov s23  }
0x9c: {  	v50 =	vld [tilespmem:s18+$0xA0];
	v13 =	vshrl.u32 v13, $0x3  }
0x9d: {  	v13 =	vshll.u32 v13, v1;
	v12 =	vld [tilespmem:s18+$0x190]  }
0x9e: {  	v39 =	vbroadcast v13, $0x0;
	v13 =	vld [tilespmem:s15+$0x130];
	v5 =	vadd.f32 v54, v34  }
0x9f: {  	v57 =	vadd.f32 v53, v36;
	v53 =	vadd.s32 v19, v60;
	v45 =	vld [tilespmem:s15+$0xFFFFFE20]  }
0xa0: {  	s24 =	simm.s32 $0xD;
	[tilespmem:v3+s28+$0x0] =	vst.idx.msk $0xffff, v5;
	v3 =	vld [tilespmem:s22+$0x10]  }
0xa1: {  	v7 =	vmov s24;
	v0 =	vld [tilespmem:s22+$0xFFFFFF10]  }
0xa2: {  	s25 =	simm.s32 $0xF;
	v28 =	vmovc v20;
	v7 =	vshrl.u32 v7, $0x3;
	v11 =	vadd.f32 v11, v36;
	v20 =	vadd.f32 v50, v34;
	v50 =	vld [tilespmem:s18+$0xFFFFFFA0]  }
0xa3: {  	v59 =	vmov s25;
	v7 =	vshll.u32 v7, v1;
	v47 =	vld [tilespmem:s15+$0x30]  }
0xa4: {  	v14 =	vshrl.u32 v59, $0x3;
	v59 =	vbroadcast v7, $0x0;
	v7 =	vadd.f32 v12, v35;
	v12 =	vld [tilespmem:s18+$0xFFFFFEA0];
	[tilespmem:v53+s28+$0x0] =	vst.idx.msk $0xffff, v11  }
0xa5: {  	[tilespmem:$0x1FDE0] =	vst v3;
	v3 =	vld [tilespmem:$0x1FDC0];
	_ =	sdelay $0x5  }
0xa6: {  	v5 =	vadd.f32 v13, v33  }
0xa7: {  	[tilespmem:v41+s28+$0x0] =	vst.idx.msk $0xffff, v7  }
0xa8: {  	[tilespmem:v3+s28+$0x0] =	vst.idx.msk $0xffff, v5  }
0xa9: {  	v5 =	vld [tilespmem:$0x1FDD0];
	_ =	sdelay $0x4  }
0xaa: {  	v8 =	vshll.u32 v14, v1  }
0xab: {  	v6 =	vadd.s32 v21, v44;
	v52 =	vbroadcast v8, $0x0;
	v8 =	vadd.f32 v45, v34;
	_ =	sdelay $0x1  }
0xac: {  	v11 =	vadd.f32 v47, v33;
	[tilespmem:v5+s28+$0x0] =	vst.idx.msk $0xffff, v8  }
0xad: {  	v0 =	vadd.f32 v0, v35;
	v5 =	vld [tilespmem:$0x1FE00]  }
0xae: {  	v8 =	vld [tilespmem:$0x1FFE0];
	[tilespmem:v9+s28+$0x0] =	vst.idx.msk $0xffff, v11  }
0xaf: {  	[tilespmem:v6+s28+$0x0] =	vst.idx.msk $0xffff, v0  }
0xb0: {  	v0 =	vld [tilespmem:$0x1FEC0];
	_ =	sdelay $0x3  }
0xb1: {  	v31 =	vmovc v61;
	v32 =	vmovc v22;
	v51 =	vadd.s32 v22, v46;
	v22 =	vmov v24;
	v63 =	vadd.s32 v49, v62  }
0xb2: {  	v54 =	vadd.s32 v61, v60;
	v61 =	vadd.s32 v24, v48;
	v24 =	vmovc v0;
	v11 =	vadd.s32 v0, v60;
	v0 =	vld [tilespmem:$0x1FE20];
	_ =	sdelay $0x1  }
0xb3: {  	v3 =	vadd.f32 v50, v34;
	_ =	sdelay $0x1  }
0xb4: {  	[tilespmem:v63+s28+$0x0] =	vst.idx.msk $0xffff, v3  }
0xb5: {  	v6 =	vadd.s32 v0, v10;
	v0 =	vld [tilespmem:$0x1FE30];
	_ =	sdelay $0x4  }
0xb6: {  	v41 =	vadd.s32 v25, v59;
	v25 =	vmov v0;
	v63 =	vadd.s32 v0, v44;
	v0 =	vld [tilespmem:$0x1FDE0];
	_ =	sdelay $0x4  }
0xb7: {  	v3 =	vadd.f32 v0, v35;
	v0 =	vld [tilespmem:$0x1FDF0]  }
0xb8: {  	v13 =	vld [tilespmem:s22+$0x110]  }
0xb9: {  	v15 =	vld [tilespmem:s18+$0x1A0]  }
0xba: {  	v49 =	vadd.s32 v4, v39;
	v4 =	vld [tilespmem:s15+$0x180]  }
0xbb: {  	v2 =	vadd.s32 v26, v48;
	v55 =	vadd.s32 v17, v46  }
0xbc: {  	v45 =	vadd.s32 v56, v59;
	v56 =	vadd.s32 v29, v52;
	v14 =	vadd.f32 v12, v34;
	v12 =	vld [tilespmem:s15+$0xFFFFFE30]  }
0xbd: {  	v23 =	vmovc v27;
	v53 =	vadd.s32 v30, v46;
	v47 =	vadd.s32 v18, v52;
	v7 =	vadd.s32 v16, v59;
	v9 =	vld [tilespmem:s15+$0xFFFFFF30]  }
0xbe: {  	s30 =	simm.s32 $0x9;
	v27 =	vmovc v17;
	v13 =	vadd.f32 v13, v35;
	v15 =	vadd.f32 v15, v34;
	v50 =	vadd.s32 v8, v39;
	v8 =	vld [tilespmem:s18+$0xFFFFFFB0]  }
0xbf: {  	s19 =	simm.s32 $0x18;
	s24 =	sshll.u32 s16, $0x2;
	v29 =	vmovc v16;
	v5 =	vadd.s32 v5, v62;
	v62 =	vadd.f32 v4, v36;
	v10 =	vld [tilespmem:s15+$0x80];
	[tilespmem:v0+s28+$0x0] =	vst.idx.msk $0xffff, v20;
	v0 =	vmov s30  }
.LBB2_3:
0xc0: {  	v4 =	vld [tilespmem:$0x1FEE0];
	_ =	sdelay $0x4  }
0xc1: {  	v4 =	vadd.s32 v4, v60;
	v60 =	vshrl.u32 v0, $0x3;
	v0 =	vld [tilespmem:$0x1FEF0];
	_ =	sdelay $0x3  }
0xc2: {  	v17 =	vld [tilespmem:$0x1FF80]  }
0xc3: {  	[tilespmem:v58+s28+$0x0] =	vst.idx.msk $0xffff, v14;
	v16 =	vadd.s32 v0, v52;
	v0 =	vld [tilespmem:$0x1FE90]  }
0xc4: {  	v14 =	vld [tilespmem:s18+$0xB0];
	[tilespmem:v40+s28+$0x0] =	vst.idx.msk $0xffff, v15  }
0xc5: {  	[tilespmem:v11+s28+$0x0] =	vst.idx.msk $0xffff, v13;
	v13 =	vld [tilespmem:$0x1FF90]  }
0xc6: {  	v15 =	vld [tilespmem:s18+$0x1B0];
	v11 =	vshll.u32 v60, v1  }
0xc7: {  	[tilespmem:v2+s28+$0x0] =	vst.idx.msk $0xffff, v3;
	v3 =	vbroadcast v11, $0x0;
	v11 =	vld [tilespmem:$0x1FF70]  }
0xc8: {  	v2 =	vadd.f32 v9, v33;
	v0 =	vadd.s32 v0, v48;
	v48 =	vld [tilespmem:s18+$0xFFFFFEB0];
	s18 =	smov.u32 s15;
	s15 =	smov.u32 s22;
	s22 =	sadd.s32 $0x400, s22  }
0xc9: {  	v40 =	vmov v56;
	v12 =	vadd.f32 v12, v33;
	v56 =	vld [tilespmem:s22+$0xFFFFFF00]  }
0xca: {  	[tilespmem:v43+s28+$0x0] =	vst.idx.msk $0xffff, v2;
	v2 =	vld [tilespmem:$0x1FE40]  }
0xcb: {  	s12 =	smov.u32 s19;
	v9 =	vadd.f32 v10, v36;
	v58 =	vadd.s32 v17, v3;
	v17 =	vld [tilespmem:$0x1FFA0];
	[tilespmem:v42+s28+$0x0] =	vst.idx.msk $0xffff, v12  }
0xcc: {  	s30 =	sadd.s32 $0x4, s12;
	v8 =	vadd.f32 v8, v33;
	v12 =	vld [tilespmem:s18+$0xFFFFFE80]  }
0xcd: {  	[tilespmem:v7+s28+$0x0] =	vst.idx.msk $0xffff, v9;
	v13 =	vadd.s32 v13, v59;
	v59 =	vmov s30;
	v42 =	vadd.s32 v11, v46;
	v46 =	vld [tilespmem:s18+$0xFFFFFF80]  }
0xce: {  	s25 =	sadd.s32 $0x2, s12;
	v9 =	vshrl.u32 v59, $0x3;
	v60 =	vld [tilespmem:s18+$0x90];
	v7 =	vadd.f32 v48, v33  }
0xcf: {  	[tilespmem:v5+s28+$0x0] =	vst.idx.msk $0xffff, v8;
	v5 =	vadd.f32 v15, v33;
	v8 =	vld [tilespmem:s22+$0x0];
	v43 =	vadd.s32 v2, v44;
	v2 =	vmov s25  }
0xd0: {  	v9 =	vshll.u32 v9, v1;
	v2 =	vshrl.u32 v2, $0x3;
	[tilespmem:v6+s28+$0x0] =	vst.idx.msk $0xffff, v7;
	v7 =	vld [tilespmem:s15+$0x20]  }
0xd1: {  	[tilespmem:v38+s28+$0x0] =	vst.idx.msk $0xffff, v5;
	v48 =	vbroadcast v9, $0x0;
	v9 =	vadd.f32 v14, v33;
	v2 =	vshll.u32 v2, v1;
	v5 =	vld [tilespmem:s22+$0xFFFFFE00]  }
0xd2: {  	v14 =	vadd.f32 v46, v36;
	[tilespmem:v51+s28+$0x0] =	vst.idx.msk $0xffff, v57;
	v44 =	vbroadcast v2, $0x0;
	v2 =	vadd.f32 v12, v36;
	v12 =	vld [tilespmem:s15+$0x120]  }
0xd3: {  	[tilespmem:v37+s28+$0x0] =	vst.idx.msk $0xffff, v9;
	v9 =	vld [tilespmem:s15+$0xFFFFFE10]  }
0xd4: {  	s8 =	sadd.s32 $0x6, s12;
	[tilespmem:v49+s28+$0x0] =	vst.idx.msk $0xffff, v14;
	v14 =	vld [tilespmem:$0x1FF00]  }
0xd5: {  	v11 =	vmov s12;
	v15 =	vmov s8;
	v38 =	vmov v47;
	v47 =	vld [tilespmem:s18+$0xFFFFFF90]  }
0xd6: {  	v6 =	vshrl.u32 v11, $0x3;
	[tilespmem:v58+s28+$0x0] =	vst.idx.msk $0xffff, v2;
	v2 =	vadd.f32 v60, v35;
	v58 =	vadd.s32 v17, v3;
	v17 =	vld [tilespmem:$0x1FE10]  }
0xd7: {  	v15 =	vshrl.u32 v15, $0x3;
	v11 =	vadd.s32 v23, v48;
	v37 =	vmovc v45;
	v6 =	vshll.u32 v6, v1;
	v45 =	vld [tilespmem:s18+$0xFFFFFE90]  }
0xd8: {  	s23 =	sadd.s32 $0x3, s11;
	v7 =	vadd.f32 v7, v34;
	[tilespmem:v13+s28+$0x0] =	vst.idx.msk $0xffff, v2;
	v2 =	vld [tilespmem:s22+$0x100];
	v13 =	vshll.u32 v15, v1  }
0xd9: {  	v46 =	vbroadcast v6, $0x0;
	v15 =	vmov s23;
	[tilespmem:v16+s28+$0x0] =	vst.idx.msk $0xffff, v62;
	v60 =	vbroadcast v13, $0x0;
	v13 =	vld [tilespmem:s18+$0xA0]  }
0xda: {  	v6 =	vadd.s32 v28, v44;
	v12 =	vadd.f32 v12, v34;
	v15 =	vshrl.u32 v15, $0x3;
	[tilespmem:v61+s28+$0x0] =	vst.idx.msk $0xffff, v7;
	v7 =	vld [tilespmem:s18+$0x190]  }
0xdb: {  	s13 =	sadd.s32 $0x5, s11;
	v14 =	vadd.s32 v14, v52;
	v9 =	vadd.f32 v9, v35;
	v52 =	vld [tilespmem:s15+$0xFFFFFF20];
	v15 =	vshll.u32 v15, v1  }
0xdc: {  	v10 =	vmov s13;
	v47 =	vadd.f32 v47, v35;
	v49 =	vadd.s32 v17, v3;
	[tilespmem:v54+s28+$0x0] =	vst.idx.msk $0xffff, v12;
	v12 =	vld [tilespmem:$0x1FFB0]  }
0xdd: {  	v16 =	vadd.f32 v56, v36;
	v57 =	vadd.f32 v5, v36;
	[tilespmem:v55+s28+$0x0] =	vst.idx.msk $0xffff, v9;
	v9 =	vbroadcast v15, $0x0;
	v15 =	vld [tilespmem:s15+$0x130]  }
0xde: {  	v10 =	vshrl.u32 v10, $0x3;
	v5 =	vadd.s32 v19, v60;
	[tilespmem:v50+s28+$0x0] =	vst.idx.msk $0xffff, v47;
	v18 =	vadd.f32 v13, v34;
	v13 =	vld [tilespmem:$0x1FE50]  }
0xdf: {  	v10 =	vshll.u32 v10, v1;
	v45 =	vadd.f32 v45, v35;
	v56 =	vld [tilespmem:s15+$0xFFFFFE20];
	[tilespmem:v6+s28+$0x0] =	vst.idx.msk $0xffff, v16  }
0xe0: {  	v59 =	vbroadcast v10, $0x0;
	v8 =	vadd.f32 v8, v36;
	v10 =	vld [tilespmem:s18+$0xFFFFFFA0]  }
0xe1: {  	s25 =	sadd.s32 $0x7, s11;
	v54 =	vadd.f32 v2, v36;
	v50 =	vld [tilespmem:s22+$0xFFFFFF10];
	[tilespmem:v49+s28+$0x0] =	vst.idx.msk $0xffff, v45  }
0xe2: {  	v62 =	vmov s25;
	v17 =	vadd.s32 v12, v39;
	v12 =	vld [tilespmem:s15+$0x30];
	[tilespmem:v11+s28+$0x0] =	vst.idx.msk $0xffff, v8  }
0xe3: {  	[tilespmem:v5+s28+$0x0] =	vst.idx.msk $0xffff, v54;
	v5 =	vld [tilespmem:$0x1FF60];
	v11 =	vadd.f32 v15, v33;
	v49 =	vadd.s32 v13, v9;
	v13 =	vshrl.u32 v62, $0x3  }
0xe4: {  	v8 =	vshll.u32 v13, v1;
	v13 =	vld [tilespmem:s22+$0x110]  }
0xe5: {  	[tilespmem:v4+s28+$0x0] =	vst.idx.msk $0xffff, v11;
	v4 =	vld [tilespmem:$0x1FF10]  }
0xe6: {  	v16 =	vadd.f32 v52, v34;
	v19 =	vld [tilespmem:s22+$0x10]  }
0xe7: {  	v62 =	vld [tilespmem:s18+$0xFFFFFEA0]  }
0xe8: {  	v7 =	vadd.f32 v7, v35;
	[tilespmem:v63+s28+$0x0] =	vst.idx.msk $0xffff, v16;
	v52 =	vbroadcast v8, $0x0;
	v16 =	vld [tilespmem:s15+$0x180]  }
0xe9: {  	v45 =	vadd.s32 v5, v59;
	v5 =	vld [tilespmem:$0x1FFC0]  }
0xea: {  	v8 =	vadd.f32 v56, v34;
	[tilespmem:v14+s28+$0x0] =	vst.idx.msk $0xffff, v7;
	v56 =	vadd.s32 v4, v52;
	v4 =	vld [tilespmem:$0x1FF20]  }
0xeb: {  	v6 =	vadd.s32 v21, v44;
	v15 =	vadd.f32 v12, v33;
	v21 =	vld [tilespmem:s18+$0x1A0]  }
0xec: {  	v51 =	vadd.s32 v32, v46;
	[tilespmem:v53+s28+$0x0] =	vst.idx.msk $0xffff, v8;
	v8 =	vld [tilespmem:$0x1FFE0]  }
0xed: {  	v61 =	vadd.s32 v22, v48;
	v55 =	vadd.s32 v27, v46;
	[tilespmem:v0+s28+$0x0] =	vst.idx.msk $0xffff, v15;
	v0 =	vld [tilespmem:$0x1FE20]  }
0xee: {  	v2 =	vadd.s32 v26, v48;
	v54 =	vadd.s32 v31, v60;
	v20 =	vadd.s32 v5, v59;
	v5 =	vld [tilespmem:$0x1FE00]  }
0xef: {  	p0 =	slt.u32 s19, $0x78;
	v12 =	vld [tilespmem:s15+$0xFFFFFE30];
	v47 =	vadd.s32 v4, v52;
	v4 =	vadd.f32 v10, v34;
	v10 =	vadd.f32 v50, v35  }
.Ltmp2:
0xf0: {  	v63 =	vadd.s32 v25, v44;
	v11 =	vadd.s32 v24, v60;
	v15 =	vadd.f32 v21, v34;
	v21 =	vld [tilespmem:$0x1FEA0];
	(pc) =	sbr.rel @p0 .LBB2_3-.Ltmp2, $4  }
0xf1: {  	v7 =	vadd.s32 v29, v59;
	v53 =	vadd.s32 v30, v46;
	[tilespmem:v6+s28+$0x0] =	vst.idx.msk $0xffff, v10;
	v10 =	vld [tilespmem:s15+$0x80]  }
0xf2: {  	v14 =	vadd.f32 v62, v34;
	v6 =	vadd.s32 v0, v3;
	v3 =	vadd.f32 v19, v35;
	v19 =	vld [tilespmem:$0x1FEB0]  }
0xf3: {  	s30 =	sadd.s32 $0x1, s11;
	v13 =	vadd.f32 v13, v35;
	v5 =	vadd.s32 v5, v39;
	v39 =	vmov v9;
	v9 =	vld [tilespmem:s15+$0xFFFFFF30];
	[tilespmem:v17+s28+$0x0] =	vst.idx.msk $0xffff, v4  }
0xf4: {  	s19 =	sadd.s32 $0x8, s19;
	s11 =	smov.u32 s12;
	v62 =	vadd.f32 v16, v36;
	v50 =	vadd.s32 v8, v39;
	v0 =	vmov s30;
	[tilespmem:v41+s28+$0x0] =	vst.idx.msk $0xffff, v18;
	v41 =	vmovc v20;
	v8 =	vld [tilespmem:s18+$0xFFFFFFB0]  }
0xf5: {  	_ =	sdelay $0x3  }
0xf6: {  	[tilespmem:v51+s28+$0x0] =	vst.idx.msk $0xffff, v57  }
0xf7: {  	v4 =	vld [tilespmem:s22+$0xFFFFFE10];
	_ =	sdelay $0x4  }
0xf8: {  	v4 =	vadd.f32 v4, v35  }
0xf9: {  	[tilespmem:v58+s28+$0x0] =	vst.idx.msk $0xffff, v14  }
0xfa: {  	v32 =	vld [tilespmem:s22+$0xFFFFFF20];
	[tilespmem:v55+s28+$0x0] =	vst.idx.msk $0xffff, v4  }
0xfb: {  	[tilespmem:v40+s28+$0x0] =	vst.idx.msk $0xffff, v15;
	v40 =	vld [tilespmem:s22+$0xFFFFFE20]  }
0xfc: {  	[tilespmem:v11+s28+$0x0] =	vst.idx.msk $0xffff, v13;
	v51 =	vadd.f32 v12, v33  }
0xfd: {  	[tilespmem:v2+s28+$0x0] =	vst.idx.msk $0xffff, v3;
	v3 =	vld [tilespmem:s22+$0x120];
	v2 =	vadd.f32 v9, v33  }
0xfe: {  	v57 =	vld [tilespmem:s22+$0x20];
	[tilespmem:v42+s28+$0x0] =	vst.idx.msk $0xffff, v51;
	v55 =	vadd.f32 v10, v36  }
0xff: {  	v30 =	vld [tilespmem:s15+$0xFFFFFE80];
	[tilespmem:v43+s28+$0x0] =	vst.idx.msk $0xffff, v2;
	v4 =	vadd.f32 v32, v34  }
0x100: {  	v2 =	vld [tilespmem:s18+$0xFFFFFEB0];
	[tilespmem:v7+s28+$0x0] =	vst.idx.msk $0xffff, v55;
	v58 =	vadd.f32 v40, v34  }
0x101: {  	v7 =	vld [tilespmem:s18+$0x1B0];
	[tilespmem:v63+s28+$0x0] =	vst.idx.msk $0xffff, v4  }
0x102: {  	v20 =	vmov v24;
	v3 =	vadd.f32 v3, v34;
	v24 =	vld [tilespmem:$0x1FEE0];
	[tilespmem:v53+s28+$0x0] =	vst.idx.msk $0xffff, v58  }
0x103: {  	v26 =	vld [tilespmem:$0x1FEF0]  }
0x104: {  	v10 =	vadd.f32 v57, v34;
	v40 =	vld [tilespmem:$0x1FE90];
	[tilespmem:v54+s28+$0x0] =	vst.idx.msk $0xffff, v3  }
0x105: {  	v57 =	vld [tilespmem:$0x1FE40]  }
0x106: {  	[tilespmem:v61+s28+$0x0] =	vst.idx.msk $0xffff, v10;
	v53 =	vld [tilespmem:s22+$0x130]  }
0x107: {  	v27 =	vld [tilespmem:$0x1FF70]  }
0x108: {  	v55 =	vld [tilespmem:s22+$0x30]  }
0x109: {  	v2 =	vadd.f32 v2, v33;
	v32 =	vld [tilespmem:s22+$0xFFFFFF30];
	v63 =	vadd.s32 v24, v60  }
0x10a: {  	v8 =	vadd.f32 v8, v33;
	v3 =	vld [tilespmem:s22+$0xFFFFFE30];
	v48 =	vadd.s32 v40, v48  }
0x10b: {  	v22 =	vld [tilespmem:$0x1FF80];
	[tilespmem:v6+s28+$0x0] =	vst.idx.msk $0xffff, v2;
	v2 =	vadd.f32 v7, v33;
	v16 =	vadd.s32 v57, v44  }
0x10c: {  	[tilespmem:v5+s28+$0x0] =	vst.idx.msk $0xffff, v8;
	v10 =	vadd.f32 v53, v33;
	v17 =	vadd.s32 v27, v46  }
0x10d: {  	[tilespmem:v38+s28+$0x0] =	vst.idx.msk $0xffff, v2;
	v8 =	vadd.f32 v55, v33  }
0x10e: {  	v31 =	vld [tilespmem:s15+$0xFFFFFF80];
	v4 =	vadd.f32 v30, v36;
	v30 =	vadd.f32 v32, v33;
	[tilespmem:v63+s28+$0x0] =	vst.idx.msk $0xffff, v10  }
0x10f: {  	s30 =	sadd.s32 $0x3, s11;
	v3 =	vadd.f32 v3, v33;
	[tilespmem:v48+s28+$0x0] =	vst.idx.msk $0xffff, v8  }
0x110: {  	v0 =	vshrl.u32 v0, $0x3;
	v54 =	vmov s30;
	[tilespmem:v16+s28+$0x0] =	vst.idx.msk $0xffff, v30  }
0x111: {  	s8 =	sadd.s32 $0x5, s11;
	v0 =	vshll.u32 v0, v1;
	v5 =	vshrl.u32 v54, $0x3;
	[tilespmem:v17+s28+$0x0] =	vst.idx.msk $0xffff, v3  }
0x112: {  	s12 =	sadd.s32 $0x1, s11;
	v0 =	vbroadcast v0, $0x0;
	v51 =	vmov s8;
	v5 =	vshll.u32 v5, v1;
	v60 =	vld [tilespmem:$0x1FE50]  }
0x113: {  	s13 =	sadd.s32 $0x7, s11;
	v58 =	vadd.f32 v31, v36;
	v31 =	vmov s12;
	v2 =	vbroadcast v5, $0x0  }
0x114: {  	v32 =	vld [tilespmem:s18+$0xB0];
	v38 =	vmov s13;
	v5 =	vshrl.u32 v31, $0x3;
	v18 =	vadd.s32 v22, v0  }
0x115: {  	v9 =	vadd.s32 v26, v52;
	v5 =	vshll.u32 v5, v1;
	v3 =	vshrl.u32 v38, $0x3;
	v42 =	vld [tilespmem:s22+$0xFFFFFF80]  }
0x116: {  	v43 =	vshrl.u32 v51, $0x3;
	v5 =	vbroadcast v5, $0x0;
	v3 =	vshll.u32 v3, v1;
	v44 =	vld [tilespmem:s22+$0xFFFFFE80]  }
0x117: {  	v10 =	vshll.u32 v43, v1;
	v48 =	vld [tilespmem:s22+$0x180];
	v3 =	vbroadcast v3, $0x0;
	v46 =	vadd.s32 v60, v2  }
0x118: {  	v51 =	vadd.s32 v22, v5;
	v6 =	vbroadcast v10, $0x0;
	[tilespmem:v49+s28+$0x0] =	vst.idx.msk $0xffff, v58;
	v49 =	vld [tilespmem:s22+$0x80]  }
0x119: {  	v7 =	vadd.f32 v32, v33;
	[tilespmem:v18+s28+$0x0] =	vst.idx.msk $0xffff, v4;
	v54 =	vadd.s32 v26, v3  }
0x11a: {  	v16 =	vadd.s32 v29, v6;
	[tilespmem:v9+s28+$0x0] =	vst.idx.msk $0xffff, v62;
	v12 =	vadd.f32 v42, v36  }
0x11b: {  	[tilespmem:v37+s28+$0x0] =	vst.idx.msk $0xffff, v7;
	v53 =	vld [tilespmem:s15+$0xFFFFFF90];
	v11 =	vadd.f32 v44, v36  }
0x11c: {  	v55 =	vld [tilespmem:s15+$0xFFFFFE90];
	v13 =	vadd.f32 v48, v36;
	[tilespmem:v46+s28+$0x0] =	vst.idx.msk $0xffff, v12  }
0x11d: {  	v10 =	vadd.f32 v49, v36;
	v17 =	vld [tilespmem:$0x1FE10];
	[tilespmem:v51+s28+$0x0] =	vst.idx.msk $0xffff, v11  }
0x11e: {  	v18 =	vld [tilespmem:$0x1FF00];
	[tilespmem:v54+s28+$0x0] =	vst.idx.msk $0xffff, v13  }
0x11f: {  	v58 =	vld [tilespmem:$0x1FF90];
	[tilespmem:v16+s28+$0x0] =	vst.idx.msk $0xffff, v10  }
0x120: {  	v26 =	vld [tilespmem:$0x1FFE0]  }
0x121: {  	v61 =	vld [tilespmem:s15+$0x190]  }
0x122: {  	v62 =	vld [tilespmem:s15+$0x90];
	v63 =	vadd.s32 v17, v0  }
0x123: {  	v31 =	vld [tilespmem:s22+$0xFFFFFF90];
	v30 =	vadd.s32 v18, v52  }
0x124: {  	v4 =	vadd.f32 v53, v35;
	v32 =	vadd.s32 v58, v59  }
0x125: {  	v9 =	vadd.f32 v55, v35;
	v37 =	vadd.s32 v26, v2  }
0x126: {  	v38 =	vadd.f32 v61, v35;
	[tilespmem:v50+s28+$0x0] =	vst.idx.msk $0xffff, v4  }
0x127: {  	v8 =	vadd.f32 v62, v35;
	[tilespmem:v63+s28+$0x0] =	vst.idx.msk $0xffff, v9  }
0x128: {  	v36 =	vld [tilespmem:s22+$0xFFFFFE90];
	v14 =	vadd.f32 v31, v35;
	[tilespmem:v30+s28+$0x0] =	vst.idx.msk $0xffff, v38  }
0x129: {  	v16 =	vld [tilespmem:s22+$0x190];
	[tilespmem:v32+s28+$0x0] =	vst.idx.msk $0xffff, v8  }
0x12a: {  	v28 =	vmov v29;
	v29 =	vld [tilespmem:$0x1FFB0];
	[tilespmem:v37+s28+$0x0] =	vst.idx.msk $0xffff, v14  }
0x12b: {  	v44 =	vadd.s32 v18, v3;
	v18 =	vld [tilespmem:$0x1FFA0]  }
0x12c: {  	v42 =	vld [tilespmem:s22+$0x90];
	v17 =	vadd.s32 v17, v5  }
0x12d: {  	v43 =	vld [tilespmem:s15+$0xFFFFFFA0]  }
0x12e: {  	v48 =	vadd.s32 v58, v6;
	v46 =	vld [tilespmem:s15+$0xFFFFFEA0]  }
0x12f: {  	v15 =	vadd.f32 v36, v35;
	v50 =	vld [tilespmem:s15+$0x1A0];
	v49 =	vadd.s32 v29, v39  }
0x130: {  	v16 =	vadd.f32 v16, v35;
	v52 =	vld [tilespmem:s15+$0xA0];
	v51 =	vadd.s32 v18, v0  }
0x131: {  	v7 =	vadd.f32 v42, v35;
	[tilespmem:v17+s28+$0x0] =	vst.idx.msk $0xffff, v15;
	v53 =	vld [tilespmem:s22+$0xFFFFFFA0]  }
0x132: {  	v9 =	vadd.f32 v43, v34;
	[tilespmem:v44+s28+$0x0] =	vst.idx.msk $0xffff, v16  }
0x133: {  	[tilespmem:v48+s28+$0x0] =	vst.idx.msk $0xffff, v7;
	v4 =	vadd.f32 v46, v34;
	v55 =	vadd.s32 v29, v2  }
0x134: {  	v54 =	vld [tilespmem:s22+$0xFFFFFEA0];
	v32 =	vadd.f32 v50, v34;
	[tilespmem:v49+s28+$0x0] =	vst.idx.msk $0xffff, v9  }
0x135: {  	v59 =	vld [tilespmem:s22+$0x1A0];
	v14 =	vadd.f32 v52, v34;
	[tilespmem:v51+s28+$0x0] =	vst.idx.msk $0xffff, v4  }
0x136: {  	v15 =	vadd.f32 v53, v34;
	v62 =	vld [tilespmem:$0x1FF10];
	[tilespmem:v56+s28+$0x0] =	vst.idx.msk $0xffff, v32  }
0x137: {  	v44 =	vld [tilespmem:$0x1FFC0];
	[tilespmem:v41+s28+$0x0] =	vst.idx.msk $0xffff, v14  }
0x138: {  	v31 =	vld [tilespmem:$0x1FE00];
	[tilespmem:v55+s28+$0x0] =	vst.idx.msk $0xffff, v15  }
0x139: {  	v15 =	vld [tilespmem:$0x1FE20]  }
0x13a: {  	v36 =	vld [tilespmem:s22+$0xA0];
	v35 =	vadd.s32 v18, v5  }
0x13b: {  	v38 =	vld [tilespmem:s15+$0xFFFFFFB0];
	v37 =	vadd.s32 v62, v3  }
0x13c: {  	v16 =	vld [tilespmem:s15+$0xFFFFFEB0];
	v43 =	vadd.s32 v44, v6  }
0x13d: {  	v12 =	vadd.f32 v54, v34;
	v17 =	vld [tilespmem:s15+$0x1B0];
	v46 =	vadd.s32 v31, v39  }
0x13e: {  	v11 =	vadd.f32 v59, v34;
	v0 =	vadd.s32 v15, v0  }
0x13f: {  	v49 =	vadd.f32 v36, v34;
	[tilespmem:v35+s28+$0x0] =	vst.idx.msk $0xffff, v12  }
0x140: {  	v51 =	vadd.f32 v38, v33;
	[tilespmem:v37+s28+$0x0] =	vst.idx.msk $0xffff, v11  }
0x141: {  	v53 =	vadd.f32 v16, v33;
	[tilespmem:v43+s28+$0x0] =	vst.idx.msk $0xffff, v49  }
0x142: {  	v48 =	vld [tilespmem:s15+$0xB0];
	v55 =	vadd.f32 v17, v33;
	[tilespmem:v46+s28+$0x0] =	vst.idx.msk $0xffff, v51  }
0x143: {  	v50 =	vld [tilespmem:s22+$0xFFFFFFB0];
	[tilespmem:v0+s28+$0x0] =	vst.idx.msk $0xffff, v53  }
0x144: {  	v63 =	vld [tilespmem:$0x1FF20];
	[tilespmem:v47+s28+$0x0] =	vst.idx.msk $0xffff, v55  }
0x145: {  	v43 =	vld [tilespmem:$0x1FF60]  }
0x146: {  	v52 =	vld [tilespmem:s22+$0xFFFFFEB0]  }
0x147: {  	v2 =	vadd.s32 v31, v2;
	v54 =	vld [tilespmem:s22+$0x1B0]  }
0x148: {  	v5 =	vadd.s32 v15, v5;
	v56 =	vld [tilespmem:s22+$0xB0]  }
0x149: {  	v0 =	vadd.s32 v63, v3;
	v3 =	vadd.f32 v48, v33  }
0x14a: {  	v61 =	vadd.f32 v50, v33;
	v59 =	vadd.s32 v43, v6  }
0x14b: {  	[tilespmem:v45+s28+$0x0] =	vst.idx.msk $0xffff, v3;
	v3 =	vadd.f32 v52, v33  }
0x14c: {  	s19 =	sshll.u32 s16, $0x14;
	[tilespmem:v2+s28+$0x0] =	vst.idx.msk $0xffff, v61;
	v2 =	vadd.f32 v54, v33  }
0x14d: {  	s8 =	sor.u32 s14, s19;
	[tilespmem:v5+s28+$0x0] =	vst.idx.msk $0xffff, v3;
	v3 =	vadd.f32 v56, v33  }
0x14e: {  	s8 =	sshrl.u32 s8, $0x3;
	[tilespmem:v0+s28+$0x0] =	vst.idx.msk $0xffff, v2  }
0x14f: {  	s8 =	sadd.s32 s2, s8;
	s22 =	simm.s32 $0x13400;
	[tilespmem:v59+s28+$0x0] =	vst.idx.msk $0xffff, v3  }
0x150: {  	[hbm4b:s8+s3] =	stream.linear.scatter [tilespmem:s22], [sflag:$0x9], $0x80, $0x38;
	[tilespmem:$0x1BC00] =	vst v63  }
0x151: {  	s23 =	simm.s32 $0x13488;
	s12 =	sadd.s32 $0x10, s8  }
0x152: {  	[hbm4b:s12+s3] =	stream.linear.scatter [tilespmem:s23], [sflag:$0x9], $0x80, $0x38;
	[tilespmem:$0x1BC00] =	vst v63  }
0x153: {  	s25 =	simm.s32 $0x13510;
	s11 =	simm.s32 $0x440;
	s30 =	sadd.s32 $0x20, s8  }
0x154: {  	[hbm4b:s30+s3] =	stream.linear.scatter [tilespmem:s25], [sflag:$0x9], $0x80, $0x38;
	[tilespmem:$0x1BC00] =	vst v63  }
0x155: {  	s19 =	sadd.s32 $0x40, s8;
	s13 =	simm.s32 $0x13598;
	s15 =	sadd.s32 $0x30, s8  }
0x156: {  	[hbm4b:s15+s3] =	stream.linear.scatter [tilespmem:s13], [sflag:$0x9], $0x80, $0x38;
	[tilespmem:$0x1BC00] =	vst v63  }
0x157: {  	s18 =	simm.s32 $0x13620;
	s22 =	simm.s32 $0x136A8;
	s23 =	sadd.s32 $0x50, s8  }
0x158: {  	[hbm4b:s19+s3] =	stream.linear.scatter [tilespmem:s18], [sflag:$0x9], $0x80, $0x38;
	[tilespmem:$0x1BC00] =	vst v63  }
0x159: {  	s12 =	sadd.s32 $0x1000, s8;
	s25 =	simm.s32 $0x13730;
	s30 =	sadd.s32 $0x60, s8  }
0x15a: {  	[hbm4b:s23+s3] =	stream.linear.scatter [tilespmem:s22], [sflag:$0x9], $0x80, $0x38;
	[tilespmem:$0x1BC00] =	vst v63  }
0x15b: {  	s13 =	simm.s32 $0x2200;
	s15 =	simm.s32 $0x137B8;
	s18 =	sadd.s32 $0x70, s8  }
0x15c: {  	v45 =	vmov v26;
	v52 =	vmov v28;
	[hbm4b:s30+s3] =	stream.linear.scatter [tilespmem:s25], [sflag:$0x9], $0x80, $0x38;
	[tilespmem:$0x1BC00] =	vst v63  }
.LBB2_5:
0x15d: {  	[hbm4b:s18+s3] =	stream.linear.scatter [tilespmem:s15], [sflag:$0x9], $0x80, $0x38;
	[tilespmem:$0x1BC00] =	vst v63  }
0x15e: {  	s8 =	smov.u32 s11;
	s11 =	smov.u32 s13  }
0x15f: {  	s19 =	sadd.s32 $0x1100, s13;
	s11 =	sshra.s32 s11, $0x2;
	s15 =	sadd.s32 $0x13400, s8  }
0x160: {  	[hbm4b:s12+s3] =	stream.linear.scatter [tilespmem:s15], [sflag:$0x9], $0x80, $0x38;
	[tilespmem:$0x1BC00] =	vst v63  }
0x161: {  	p0 =	sne.s32 s13, $0x7700;
	s13 =	sadd.s32 $0x13488, s8;
	s15 =	sadd.s32 $0x10, s12  }
0x162: {  	[hbm4b:s15+s3] =	stream.linear.scatter [tilespmem:s13], [sflag:$0x9], $0x80, $0x38;
	[tilespmem:$0x1BC00] =	vst v63  }
0x163: {  	s13 =	sadd.s32 $0x13510, s8;
	s15 =	sadd.s32 $0x20, s12  }
0x164: {  	[hbm4b:s15+s3] =	stream.linear.scatter [tilespmem:s13], [sflag:$0x9], $0x80, $0x38;
	[tilespmem:$0x1BC00] =	vst v63  }
0x165: {  	s13 =	sadd.s32 $0x13598, s8;
	s15 =	sadd.s32 $0x30, s12  }
0x166: {  	[hbm4b:s15+s3] =	stream.linear.scatter [tilespmem:s13], [sflag:$0x9], $0x80, $0x38;
	[tilespmem:$0x1BC00] =	vst v63  }
0x167: {  	s13 =	sadd.s32 $0x13620, s8;
	s15 =	sadd.s32 $0x40, s12  }
0x168: {  	[hbm4b:s15+s3] =	stream.linear.scatter [tilespmem:s13], [sflag:$0x9], $0x80, $0x38;
	[tilespmem:$0x1BC00] =	vst v63  }
.Ltmp3:
0x169: {  	s13 =	sadd.s32 $0x136A8, s8;
	s15 =	sadd.s32 $0x50, s12;
	(pc) =	sbr.rel @p0 .LBB2_5-.Ltmp3, $4  }
0x16a: {  	[hbm4b:s15+s3] =	stream.linear.scatter [tilespmem:s13], [sflag:$0x9], $0x80, $0x38;
	[tilespmem:$0x1BC00] =	vst v63  }
0x16b: {  	s18 =	sadd.s32 $0x70, s12;
	s13 =	sadd.s32 $0x13730, s8;
	s15 =	sadd.s32 $0x60, s12  }
0x16c: {  	[hbm4b:s15+s3] =	stream.linear.scatter [tilespmem:s13], [sflag:$0x9], $0x80, $0x38;
	[tilespmem:$0x1BC00] =	vst v63  }
0x16d: {  	s12 =	sadd.s32 $0x1000, s12;
	s15 =	sadd.s32 $0x137B8, s8;
	s13 =	smov.u32 s19  }
0x16e: {  	[hbm4b:s18+s3] =	stream.linear.scatter [tilespmem:s15], [sflag:$0x9], $0x80, $0x38;
	[tilespmem:$0x1BC00] =	vst v63  }
0x16f: {  	s8 =	sadd.s32 $0x13400, s11  }
0x170: {  	[hbm4b:s12+s3] =	stream.linear.scatter [tilespmem:s8], [sflag:$0x9], $0x80, $0x38;
	[tilespmem:$0x1BC00] =	vst v63  }
0x171: {  	s25 =	sadd.s32 $0x13488, s11;
	s13 =	sadd.s32 $0x10, s12  }
0x172: {  	[hbm4b:s13+s3] =	stream.linear.scatter [tilespmem:s25], [sflag:$0x9], $0x80, $0x38;
	[tilespmem:$0x1BC00] =	vst v63  }
0x173: {  	s15 =	sadd.s32 $0x13510, s11;
	s18 =	sadd.s32 $0x20, s12  }
0x174: {  	[hbm4b:s18+s3] =	stream.linear.scatter [tilespmem:s15], [sflag:$0x9], $0x80, $0x38;
	[tilespmem:$0x1BC00] =	vst v63  }
0x175: {  	s19 =	sadd.s32 $0x13598, s11;
	s22 =	sadd.s32 $0x30, s12  }
0x176: {  	[hbm4b:s22+s3] =	stream.linear.scatter [tilespmem:s19], [sflag:$0x9], $0x80, $0x38;
	[tilespmem:$0x1BC00] =	vst v63  }
0x177: {  	s23 =	sadd.s32 $0x13620, s11;
	s25 =	sadd.s32 $0x40, s12  }
0x178: {  	[hbm4b:s25+s3] =	stream.linear.scatter [tilespmem:s23], [sflag:$0x9], $0x80, $0x38;
	[tilespmem:$0x1BC00] =	vst v63  }
0x179: {  	s15 =	sadd.s32 $0x136A8, s11;
	s18 =	sadd.s32 $0x50, s12  }
0x17a: {  	[hbm4b:s18+s3] =	stream.linear.scatter [tilespmem:s15], [sflag:$0x9], $0x80, $0x38;
	[tilespmem:$0x1BC00] =	vst v63  }
0x17b: {  	p1 =	seq.s32 s16, $0x0;
	s19 =	sadd.s32 $0x13730, s11;
	s22 =	sadd.s32 $0x60, s12  }
0x17c: {  	[hbm4b:s22+s3] =	stream.linear.scatter [tilespmem:s19], [sflag:$0x9], $0x80, $0x38;
	[tilespmem:$0x1BC00] =	vst v63  }
0x17d: {  	s8 =	simm.s32 @!p1 $0xB;
	s23 =	sadd.s32 $0x137B8, s11;
	s25 =	sadd.s32 $0x70, s12  }
0x17e: {  	[hbm4b:s25+s3] =	stream.linear.scatter [tilespmem:s23], [sflag:$0x9], $0x80, $0x38;
	[tilespmem:$0x1BC00] =	vst v63  }
0x17f: {  	_ =	swait.ge @!p1 [sflag:s8], $0x2000  }
0x180: {  	[sflag:s8] =	ssyncset.done @!p1 $0x0  }
0x181: {  	[sflag:s8] =	ssyncadd.s32 @!p1 $0xFFFFE000  }
0x182: {  	p0 =	seq.s32 s16, $0x31;
	s11 =	simm.s32 $0x3300;
	_ =	swait.ge [sflag:s29], $0x80  }
0x183: {  	s15 =	sshll.u32 @!p0 s16, $0xE;
	[sflag:s29] =	ssyncset.done $0x0;
	s8 =	rddreg [dreg:$0x8]  }
0x184: {  	s12 =	simm.s32 $0xB400;
	[sflag:s29] =	ssyncadd.s32 $0xFFFFFF80;
	s8 =	sadd.s32 @!p0 s8, s15  }
0x185: {  	[tilespmem:s12], [sflag:$0x7] =	stream.indirect.gather [hbm4b:s5+s21], $0x80, s11, s21, $0xb8;
	[tilespmem:$0x1BC00] =	vst v63  }
0x186: {  	s8 =	sshrl.u32 @!p0 s8, $0x3  }
0x187: {  	s11 =	simm.s32 @!p0 $0x0;
	s12 =	simm.s32 @!p0 $0x3200;
	s8 =	sadd.s32 @!p0 s4, s8  }
0x188: {  	[tilespmem:s12], [sflag:$0x1] =	stream.linear.gather @!p0 [hbm4b:s8+s11], $0x80, $0x38;
	[tilespmem:$0x1BC00] =	vst v63  }
0x189: {  	s30 =	sor.u32 $0x1, s24;
	s19 =	simm.s32 $0x6;
	_ =	swait.ge [sflag:s31], $0x4000  }
0x18a: {  	s13 =	simm.s32 $0x2;
	s18 =	sshll.u32 s30, $0x6;
	v2 =	vmov s19;
	[sflag:s31] =	ssyncset.done $0x0;
	v26 =	vld [tilespmem:$0x1FF30]  }
0x18b: {  	v0 =	vmov s13;
	s22 =	sand.u32 $0x3FFFFFC0, s18;
	s23 =	simm.s32 $0x4;
	v2 =	vshrl.u32 v2, $0x3;
	v31 =	vld [tilespmem:$0x1FE60];
	[sflag:s31] =	ssyncadd.s32 $0xFFFFC000  }
0x18c: {  	v0 =	vshrl.u32 v0, $0x3;
	s18 =	simm.s32 $0x7600;
	v3 =	vmov s23;
	v2 =	vshll.u32 v2, v1;
	v36 =	vld [tilespmem:s22+$0x0]  }
0x18d: {  	v0 =	vshll.u32 v0, v1;
	v3 =	vshrl.u32 v3, $0x3;
	v2 =	vbroadcast v2, $0x0;
	v5 =	vld [tilespmem:s18+$0x100]  }
0x18e: {  	v0 =	vbroadcast v0, $0x0;
	v3 =	vshll.u32 v3, v1;
	v4 =	vld [tilespmem:s18+$0xFFFFFF00]  }
0x18f: {  	v3 =	vbroadcast v3, $0x0;
	v8 =	vadd.s32 v19, v2;
	v6 =	vld [tilespmem:s18+$0x0]  }
0x190: {  	v7 =	vadd.s32 v26, v0  }
0x191: {  	v9 =	vadd.s32 v31, v3  }
0x192: {  	v35 =	vld [tilespmem:s22+$0x10];
	v5 =	vadd.f32 v5, v36  }
0x193: {  	v34 =	vld [tilespmem:s22+$0x20];
	v4 =	vadd.f32 v4, v36  }
0x194: {  	v33 =	vld [tilespmem:s22+$0x30];
	v6 =	vadd.f32 v6, v36;
	[tilespmem:v8+s0+$0x0] =	vst.idx.msk $0xffff, v5  }
0x195: {  	v11 =	vld [tilespmem:s18+$0xFFFFFE00];
	[tilespmem:v7+s0+$0x0] =	vst.idx.msk $0xffff, v4  }
0x196: {  	s25 =	simm.s32 $0x0;
	[tilespmem:v9+s0+$0x0] =	vst.idx.msk $0xffff, v6;
	v5 =	vld [tilespmem:s18+$0x110]  }
0x197: {  	v10 =	vmov s25;
	v22 =	vld [tilespmem:$0x1FFD0]  }
0x198: {  	v4 =	vshrl.u32 v10, $0x3;
	v55 =	vld [tilespmem:$0x1FE70]  }
0x199: {  	v7 =	vld [tilespmem:s18+$0xFFFFFF10];
	v4 =	vshll.u32 v4, v1  }
0x19a: {  	v6 =	vld [tilespmem:s18+$0x10];
	v4 =	vbroadcast v4, $0x0  }
0x19b: {  	v8 =	vadd.s32 v20, v2;
	v61 =	vld [tilespmem:$0x1FF40]  }
0x19c: {  	v32 =	vld [tilespmem:$0x1FED0];
	v9 =	vadd.s32 v22, v4  }
0x19d: {  	v10 =	vadd.f32 v11, v36;
	v49 =	vld [tilespmem:$0x1FE30];
	v11 =	vadd.s32 v55, v3  }
0x19e: {  	v12 =	vadd.s32 v21, v0;
	s19 =	simm.s32 $0xA;
	s25 =	simm.s32 $0x3;
	v53 =	vld [tilespmem:$0x1FE80];
	v5 =	vadd.f32 v5, v35  }
0x19f: {  	v23 =	vmovc v19;
	v50 =	vmov s19;
	v51 =	vmov s25;
	v19 =	vadd.s32 v57, v0;
	s11 =	simm.s32 $0xC;
	s22 =	simm.s32 $0x7A00;
	v47 =	vld [tilespmem:$0x1FF50]  }
0x1a0: {  	v30 =	vmovc v20;
	v18 =	vadd.s32 v27, v4;
	v6 =	vadd.f32 v6, v35;
	[tilespmem:v8+s0+$0x0] =	vst.idx.msk $0xffff, v5;
	v5 =	vld [tilespmem:s22+$0xFFFFFF00];
	v8 =	vmov s11  }
0x1a1: {  	v13 =	vadd.s32 v61, v4;
	v14 =	vadd.s32 v32, v2;
	v8 =	vshrl.u32 v8, $0x3;
	[tilespmem:v9+s0+$0x0] =	vst.idx.msk $0xffff, v10;
	v9 =	vld [tilespmem:s18+$0x120]  }
0x1a2: {  	s13 =	simm.s32 $0x8;
	v17 =	vadd.s32 v49, v0;
	v8 =	vshll.u32 v8, v1;
	[tilespmem:v11+s0+$0x0] =	vst.idx.msk $0xffff, v6;
	v6 =	vshrl.u32 v50, $0x3;
	v20 =	vld [tilespmem:s18+$0xFFFFFE10]  }
0x1a3: {  	v8 =	vbroadcast v8, $0x0;
	v10 =	vmov s13;
	v0 =	vshll.u32 v6, v1;
	v6 =	vld [tilespmem:s18+$0x20]  }
0x1a4: {  	s23 =	simm.s32 $0xE;
	v7 =	vadd.f32 v7, v35;
	v15 =	vadd.s32 v53, v3;
	v11 =	vld [tilespmem:s22+$0x0];
	v10 =	vshrl.u32 v10, $0x3  }
0x1a5: {  	v37 =	vadd.s32 v31, v8;
	v39 =	vbroadcast v0, $0x0;
	v0 =	vmov s23  }
0x1a6: {  	[tilespmem:v12+s0+$0x0] =	vst.idx.msk $0xffff, v7;
	v10 =	vshll.u32 v10, v1;
	v0 =	vshrl.u32 v0, $0x3;
	v9 =	vadd.f32 v9, v34  }
0x1a7: {  	v38 =	vld [tilespmem:s18+$0xFFFFFF20];
	v12 =	vadd.s32 v26, v39;
	v0 =	vshll.u32 v0, v1;
	v20 =	vadd.f32 v20, v35  }
0x1a8: {  	v7 =	vbroadcast v10, $0x0;
	v10 =	vld [tilespmem:s22+$0x100];
	v42 =	vbroadcast v0, $0x0;
	v0 =	vadd.f32 v6, v34;
	[tilespmem:v14+s0+$0x0] =	vst.idx.msk $0xffff, v9  }
0x1a9: {  	v5 =	vadd.f32 v5, v36;
	v6 =	vadd.f32 v11, v36;
	v9 =	vshrl.u32 v51, $0x3;
	[tilespmem:v13+s0+$0x0] =	vst.idx.msk $0xffff, v20;
	v11 =	vld [tilespmem:s18+$0x130]  }
0x1aa: {  	v9 =	vshll.u32 v9, v1;
	v13 =	vadd.s32 v23, v42;
	[tilespmem:v15+s0+$0x0] =	vst.idx.msk $0xffff, v0;
	v14 =	vld [tilespmem:s18+$0xFFFFFE20]  }
0x1ab: {  	v16 =	vadd.s32 v47, v4;
	v2 =	vadd.s32 v24, v2;
	s11 =	simm.s32 $0x7;
	v28 =	vbroadcast v9, $0x0;
	v9 =	vld [tilespmem:s18+$0x30]  }
0x1ac: {  	s12 =	simm.s32 $0x5;
	v3 =	vadd.s32 v40, v3;
	[tilespmem:v12+s0+$0x0] =	vst.idx.msk $0xffff, v5;
	v5 =	vadd.f32 v38, v34;
	v12 =	vmov s11  }
0x1ad: {  	v4 =	vmov s12;
	v10 =	vadd.f32 v10, v36;
	[tilespmem:v37+s0+$0x0] =	vst.idx.msk $0xffff, v6;
	v6 =	vshrl.u32 v12, $0x3;
	v12 =	vld [tilespmem:s22+$0xFFFFFF10]  }
0x1ae: {  	v29 =	vmov v21;
	v21 =	vld [tilespmem:s22+$0xFFFFFE00];
	v4 =	vshrl.u32 v4, $0x3;
	[tilespmem:v17+s0+$0x0] =	vst.idx.msk $0xffff, v5;
	v5 =	vadd.f32 v11, v33  }
0x1af: {  	v4 =	vshll.u32 v4, v1;
	v11 =	vld [tilespmem:s22+$0x10];
	[tilespmem:v13+s0+$0x0] =	vst.idx.msk $0xffff, v10;
	v10 =	vadd.f32 v14, v34  }
0x1b0: {  	v13 =	vbroadcast v4, $0x0;
	v17 =	vld [tilespmem:s22+$0x110];
	v4 =	vadd.f32 v9, v33;
	[tilespmem:v2+s0+$0x0] =	vst.idx.msk $0xffff, v5  }
0x1b1: {  	v5 =	vld [tilespmem:s18+$0x180];
	[tilespmem:v16+s0+$0x0] =	vst.idx.msk $0xffff, v10  }
0x1b2: {  	v10 =	vadd.f32 v12, v35;
	[tilespmem:v3+s0+$0x0] =	vst.idx.msk $0xffff, v4;
	v3 =	vld [tilespmem:s18+$0xFFFFFF30];
	v12 =	vadd.s32 v44, v13  }
0x1b3: {  	v9 =	vld [tilespmem:s18+$0xFFFFFE30];
	[tilespmem:$0x1FDA0] =	vst v12  }
0x1b4: {  	v44 =	vld [tilespmem:s18+$0x80];
	_ =	sdelay $0x1  }
0x1b5: {  	v37 =	vadd.s32 v43, v13;
	v4 =	vmov v43;
	v43 =	vadd.s32 v52, v13  }
0x1b6: {  	v12 =	vadd.s32 v47, v7;
	v3 =	vadd.f32 v3, v33  }
0x1b7: {  	v50 =	vadd.s32 v49, v39;
	v41 =	vadd.s32 v22, v7;
	[tilespmem:$0x1FD90] =	vst v12;
	v9 =	vadd.f32 v9, v33  }
0x1b8: {  	v56 =	vadd.s32 v24, v42;
	v12 =	vld [tilespmem:$0x1FEF0];
	v44 =	vadd.f32 v44, v36;
	[tilespmem:v19+s0+$0x0] =	vst.idx.msk $0xffff, v3  }
0x1b9: {  	v15 =	vadd.f32 v21, v36;
	v20 =	vadd.s32 v55, v8;
	[tilespmem:v18+s0+$0x0] =	vst.idx.msk $0xffff, v9  }
0x1ba: {  	s12 =	simm.s32 $0x1;
	v0 =	vadd.s32 v29, v39;
	v6 =	vshll.u32 v6, v1;
	[tilespmem:v43+s0+$0x0] =	vst.idx.msk $0xffff, v44  }
0x1bb: {  	v47 =	vadd.s32 v30, v42;
	v30 =	vmovc v52;
	v49 =	vadd.f32 v5, v36;
	v5 =	vmov s12;
	v52 =	vld [tilespmem:$0x1FF80]  }
0x1bc: {  	s19 =	simm.s32 $0x7E00;
	v6 =	vbroadcast v6, $0x0;
	v14 =	vadd.s32 v61, v7;
	v5 =	vshrl.u32 v5, $0x3  }
0x1bd: {  	s13 =	simm.s32 $0x14;
	v2 =	vadd.s32 v32, v42;
	v42 =	vadd.s32 v27, v7;
	v54 =	vld [tilespmem:s19+$0xFFFFFF00];
	v5 =	vshll.u32 v5, v1  }
0x1be: {  	v7 =	vmov s13;
	v9 =	vadd.s32 v58, v13;
	v5 =	vbroadcast v5, $0x0;
	v13 =	vld [tilespmem:s18+$0xFFFFFE80]  }
0x1bf: {  	v59 =	vmovc v40;
	s23 =	simm.s32 $0x12;
	v11 =	vadd.f32 v11, v35;
	v17 =	vadd.f32 v17, v35;
	v25 =	vadd.s32 v12, v6;
	v18 =	vld [tilespmem:s18+$0xFFFFFF80]  }
0x1c0: {  	v12 =	vadd.s32 v59, v8;
	v58 =	vmov s23;
	v51 =	vld [tilespmem:s18+$0x90];
	v59 =	vadd.s32 v52, v5  }
0x1c1: {  	v21 =	vadd.s32 v60, v28;
	v7 =	vshrl.u32 v7, $0x3;
	[tilespmem:v20+s0+$0x0] =	vst.idx.msk $0xffff, v11;
	v11 =	vshrl.u32 v58, $0x3;
	v20 =	vld [tilespmem:s19+$0x0]  }
0x1c2: {  	v7 =	vshll.u32 v7, v1;
	[tilespmem:v47+s0+$0x0] =	vst.idx.msk $0xffff, v17;
	v17 =	vld [tilespmem:s19+$0xFFFFFE00];
	v11 =	vshll.u32 v11, v1  }
0x1c3: {  	v46 =	vbroadcast v7, $0x0;
	v7 =	vld [tilespmem:s22+$0x20];
	v44 =	vbroadcast v11, $0x0;
	v11 =	vadd.f32 v13, v36  }
0x1c4: {  	v48 =	vadd.s32 v45, v28;
	[tilespmem:v41+s0+$0x0] =	vst.idx.msk $0xffff, v15;
	v15 =	vld [tilespmem:s22+$0x120];
	v18 =	vadd.f32 v18, v36  }
0x1c5: {  	s11 =	simm.s32 $0x10;
	v16 =	vadd.s32 v53, v8;
	v43 =	vadd.s32 v57, v39;
	v39 =	vld [tilespmem:s22+$0xFFFFFE10];
	[tilespmem:v59+s0+$0x0] =	vst.idx.msk $0xffff, v11  }
0x1c6: {  	s25 =	simm.s32 $0x16;
	v40 =	vadd.s32 v62, v6;
	v3 =	vmov s11;
	v11 =	vadd.f32 v51, v35;
	v59 =	vld [tilespmem:$0x1FFA0];
	[tilespmem:v21+s0+$0x0] =	vst.idx.msk $0xffff, v18  }
0x1c7: {  	v38 =	vadd.s32 v63, v6;
	v19 =	vmov s25;
	v3 =	vshrl.u32 v3, $0x3;
	v18 =	vld [tilespmem:$0x1FF00];
	[tilespmem:v0+s0+$0x0] =	vst.idx.msk $0xffff, v10  }
0x1c8: {  	v3 =	vshll.u32 v3, v1;
	v7 =	vadd.f32 v7, v34;
	v41 =	vld [tilespmem:s18+$0xFFFFFE90];
	v10 =	vshrl.u32 v19, $0x3;
	[tilespmem:v9+s0+$0x0] =	vst.idx.msk $0xffff, v11  }
0x1c9: {  	v8 =	vmovc v45;
	v47 =	vbroadcast v3, $0x0;
	v13 =	vadd.s32 v31, v46;
	v10 =	vshll.u32 v10, v1;
	v45 =	vld [tilespmem:$0x1FE10]  }
0x1ca: {  	v3 =	vadd.s32 v26, v44;
	[tilespmem:v16+s0+$0x0] =	vst.idx.msk $0xffff, v7;
	v16 =	vld [tilespmem:s22+$0xFFFFFF20];
	v57 =	vbroadcast v10, $0x0;
	v10 =	vadd.f32 v15, v34  }
0x1cb: {  	s12 =	simm.s32 $0xB;
	v20 =	vadd.f32 v20, v36;
	v58 =	vadd.f32 v17, v36;
	v9 =	vld [tilespmem:s19+$0x100];
	[tilespmem:v25+s0+$0x0] =	vst.idx.msk $0xffff, v49  }
0x1cc: {  	v39 =	vadd.f32 v39, v35;
	v21 =	vadd.f32 v54, v36;
	v11 =	vmov s12;
	[tilespmem:v2+s0+$0x0] =	vst.idx.msk $0xffff, v10;
	v10 =	vld [tilespmem:s18+$0x190]  }
0x1cd: {  	v11 =	vshrl.u32 v11, $0x3;
	v17 =	vadd.s32 v23, v57;
	v6 =	vadd.s32 v18, v6;
	v18 =	vld [tilespmem:s18+$0xFFFFFF90]  }
0x1ce: {  	v11 =	vshll.u32 v11, v1;
	v0 =	vld [tilespmem:$0x1FFB0];
	[tilespmem:v14+s0+$0x0] =	vst.idx.msk $0xffff, v39;
	v52 =	vadd.s32 v45, v5  }
0x1cf: {  	v39 =	vbroadcast v11, $0x0;
	v11 =	vld [tilespmem:s22+$0x130];
	[tilespmem:v3+s0+$0x0] =	vst.idx.msk $0xffff, v21;
	v16 =	vadd.f32 v16, v34  }
0x1d0: {  	s13 =	simm.s32 $0xD;
	v9 =	vadd.f32 v9, v36;
	[tilespmem:v13+s0+$0x0] =	vst.idx.msk $0xffff, v20  }
0x1d1: {  	v7 =	vmov s13;
	v41 =	vadd.f32 v41, v35;
	[tilespmem:v50+s0+$0x0] =	vst.idx.msk $0xffff, v16  }
0x1d2: {  	v7 =	vshrl.u32 v7, $0x3;
	v10 =	vadd.f32 v10, v35;
	[tilespmem:v17+s0+$0x0] =	vst.idx.msk $0xffff, v9  }
0x1d3: {  	v7 =	vshll.u32 v7, v1;
	v14 =	vadd.f32 v18, v35;
	[tilespmem:v52+s0+$0x0] =	vst.idx.msk $0xffff, v41  }
0x1d4: {  	v49 =	vadd.s32 v60, v39;
	v60 =	vbroadcast v7, $0x0;
	v7 =	vadd.f32 v11, v33;
	[tilespmem:v6+s0+$0x0] =	vst.idx.msk $0xffff, v10  }
0x1d5: {  	[tilespmem:v48+s0+$0x0] =	vst.idx.msk $0xffff, v14  }
0x1d6: {  	[tilespmem:v56+s0+$0x0] =	vst.idx.msk $0xffff, v7  }
0x1d7: {  	v31 =	vmov v62;
	v62 =	vadd.s32 v0, v28;
	v0 =	vld [tilespmem:$0x1FD90]  }
0x1d8: {  	v18 =	vld [tilespmem:s22+$0xFFFFFE20]  }
0x1d9: {  	v45 =	vld [tilespmem:s22+$0x30]  }
0x1da: {  	s23 =	simm.s32 $0xF;
	v21 =	vld [tilespmem:s18+$0xFFFFFFA0]  }
0x1db: {  	v27 =	vmov v55;
	v2 =	vadd.s32 v55, v46;
	v55 =	vmov s23  }
0x1dc: {  	v14 =	vshrl.u32 v55, $0x3  }
0x1dd: {  	v13 =	vshll.u32 v14, v1;
	v9 =	vadd.f32 v18, v34  }
0x1de: {  	v41 =	vld [tilespmem:s19+$0xFFFFFF10];
	v52 =	vbroadcast v13, $0x0;
	v13 =	vadd.f32 v45, v33  }
0x1df: {  	v18 =	vadd.f32 v21, v34;
	v21 =	vld [tilespmem:$0x1FFC0];
	[tilespmem:v0+s0+$0x0] =	vst.idx.msk $0xffff, v9  }
0x1e0: {  	v3 =	vadd.s32 v29, v44;
	v6 =	vld [tilespmem:$0x1FE00];
	[tilespmem:v12+s0+$0x0] =	vst.idx.msk $0xffff, v13  }
0x1e1: {  	v0 =	vld [tilespmem:$0x1FF50];
	_ =	sdelay $0x1  }
0x1e2: {  	v19 =	vadd.f32 v41, v35  }
0x1e3: {  	v24 =	vmovc v26;
	v26 =	vmov v23;
	v25 =	vmov v29;
	v54 =	vadd.s32 v32, v57  }
0x1e4: {  	v23 =	vmovc v32;
	v32 =	vmov v53;
	v29 =	vmov v61;
	v55 =	vadd.s32 v61, v47;
	[tilespmem:v3+s0+$0x0] =	vst.idx.msk $0xffff, v19  }
0x1e5: {  	v61 =	vadd.s32 v53, v46;
	v6 =	vadd.s32 v6, v28;
	v28 =	vmovc v0;
	v53 =	vadd.s32 v0, v47;
	v0 =	vld [tilespmem:$0x1FEC0];
	_ =	sdelay $0x4  }
0x1e6: {  	v56 =	vadd.s32 v31, v52;
	v31 =	vmov v0;
	v10 =	vadd.s32 v0, v57;
	v0 =	vld [tilespmem:$0x1FE20];
	_ =	sdelay $0x3  }
0x1e7: {  	[tilespmem:v62+s0+$0x0] =	vst.idx.msk $0xffff, v18  }
0x1e8: {  	v59 =	vadd.s32 v59, v5;
	v5 =	vadd.s32 v0, v5;
	v0 =	vld [tilespmem:$0x1FE30];
	_ =	sdelay $0x1  }
0x1e9: {  	v15 =	vld [tilespmem:s18+$0xA0]  }
0x1ea: {  	v16 =	vld [tilespmem:s19+$0x10]  }
0x1eb: {  	v17 =	vld [tilespmem:s19+$0x110]  }
0x1ec: {  	v7 =	vadd.s32 v30, v60;
	v48 =	vadd.s32 v63, v52;
	v30 =	vmovc v0;
	v63 =	vadd.s32 v0, v44;
	v0 =	vld [tilespmem:$0x1FDA0]  }
0x1ed: {  	v11 =	vld [tilespmem:s18+$0xFFFFFEA0]  }
0x1ee: {  	v20 =	vld [tilespmem:s22+$0x180]  }
0x1ef: {  	v45 =	vadd.s32 v4, v60;
	v4 =	vld [tilespmem:s18+$0x1A0];
	_ =	sdelay $0x1  }
0x1f0: {  	v50 =	vadd.s32 v8, v39;
	v8 =	vld [tilespmem:s22+$0xFFFFFF30]  }
0x1f1: {  	v51 =	vadd.s32 v22, v47;
	v15 =	vadd.f32 v15, v34;
	v14 =	vadd.f32 v11, v34;
	v11 =	vld [tilespmem:s22+$0xFFFFFE30]  }
0x1f2: {  	s25 =	simm.s32 $0x9;
	v13 =	vadd.f32 v17, v35;
	v41 =	vadd.s32 v21, v60;
	v9 =	vld [tilespmem:s22+$0x80];
	v3 =	vadd.f32 v16, v35  }
0x1f3: {  	s24 =	sor.u32 $0x2, s24;
	s12 =	simm.s32 $0x18;
	v62 =	vadd.f32 v20, v36;
	v12 =	vld [tilespmem:s18+$0xFFFFFFB0];
	[tilespmem:v0+s0+$0x0] =	vst.idx.msk $0xffff, v15;
	v0 =	vmov s25;
	v15 =	vadd.f32 v4, v34  }
.LBB2_7:
0x1f4: {  	v4 =	vld [tilespmem:$0x1FEE0]  }
0x1f5: {  	v16 =	vshrl.u32 v0, $0x3;
	v0 =	vld [tilespmem:$0x1FEF0]  }
0x1f6: {  	v19 =	vld [tilespmem:$0x1FF80]  }
0x1f7: {  	[tilespmem:v59+s0+$0x0] =	vst.idx.msk $0xffff, v14;
	v14 =	vld [tilespmem:s18+$0xB0]  }
0x1f8: {  	[tilespmem:v40+s0+$0x0] =	vst.idx.msk $0xffff, v15;
	v18 =	vld [tilespmem:s18+$0xFFFFFEB0]  }
0x1f9: {  	[tilespmem:v10+s0+$0x0] =	vst.idx.msk $0xffff, v13;
	v13 =	vld [tilespmem:$0x1FF90]  }
0x1fa: {  	v10 =	vshll.u32 v16, v1;
	v15 =	vld [tilespmem:s18+$0x1B0]  }
0x1fb: {  	[tilespmem:v2+s0+$0x0] =	vst.idx.msk $0xffff, v3;
	s18 =	smov.u32 s22;
	s22 =	smov.u32 s19;
	s19 =	sadd.s32 $0x400, s19;
	v3 =	vbroadcast v10, $0x0;
	v10 =	vld [tilespmem:$0x1FF70]  }
0x1fc: {  	v2 =	vadd.f32 v8, v33;
	v16 =	vld [tilespmem:s19+$0xFFFFFF00]  }
0x1fd: {  	s13 =	smov.u32 s12;
	v11 =	vadd.f32 v11, v33;
	v17 =	vadd.s32 v0, v52;
	v0 =	vld [tilespmem:$0x1FE90]  }
0x1fe: {  	s25 =	sadd.s32 $0x4, s13;
	v8 =	vadd.f32 v9, v36;
	[tilespmem:v43+s0+$0x0] =	vst.idx.msk $0xffff, v2;
	v2 =	vld [tilespmem:$0x1FE40]  }
0x1ff: {  	v20 =	vmov s25;
	[tilespmem:v42+s0+$0x0] =	vst.idx.msk $0xffff, v11;
	v21 =	vld [tilespmem:s18+$0xFFFFFF80]  }
0x200: {  	[tilespmem:v7+s0+$0x0] =	vst.idx.msk $0xffff, v8;
	v8 =	vshrl.u32 v20, $0x3;
	v20 =	vld [tilespmem:$0x1FE10];
	v7 =	vadd.f32 v18, v33  }
0x201: {  	s8 =	sadd.s32 $0x5, s11;
	v42 =	vadd.s32 v10, v47;
	v10 =	vadd.f32 v12, v33;
	v12 =	vld [tilespmem:s18+$0xFFFFFE80]  }
0x202: {  	v9 =	vmov s8;
	s8 =	sadd.s32 $0x2, s13;
	v19 =	vadd.s32 v19, v3;
	v13 =	vadd.s32 v13, v60;
	v60 =	vld [tilespmem:s18+$0x90];
	[tilespmem:v5+s0+$0x0] =	vst.idx.msk $0xffff, v7  }
0x203: {  	v7 =	vld [tilespmem:s22+$0x20];
	v43 =	vadd.s32 v2, v44;
	v2 =	vmov s8;
	[tilespmem:v6+s0+$0x0] =	vst.idx.msk $0xffff, v10;
	v6 =	vadd.f32 v15, v33  }
0x204: {  	v8 =	vshll.u32 v8, v1;
	v0 =	vadd.s32 v0, v46;
	v10 =	vld [tilespmem:s19+$0x0];
	v2 =	vshrl.u32 v2, $0x3  }
0x205: {  	v46 =	vbroadcast v8, $0x0;
	v8 =	vadd.f32 v14, v33;
	v2 =	vshll.u32 v2, v1;
	[tilespmem:v38+s0+$0x0] =	vst.idx.msk $0xffff, v6;
	v6 =	vld [tilespmem:s19+$0xFFFFFE00]  }
0x206: {  	[tilespmem:v51+s0+$0x0] =	vst.idx.msk $0xffff, v58;
	v44 =	vbroadcast v2, $0x0;
	v2 =	vadd.f32 v12, v36;
	v12 =	vld [tilespmem:s22+$0x120]  }
0x207: {  	s23 =	sadd.s32 $0x6, s13;
	v4 =	vadd.s32 v4, v57;
	v11 =	vmov s13;
	v14 =	vadd.f32 v21, v36;
	[tilespmem:v37+s0+$0x0] =	vst.idx.msk $0xffff, v8;
	v8 =	vld [tilespmem:s22+$0xFFFFFE10]  }
0x208: {  	v5 =	vshrl.u32 v11, $0x3;
	v11 =	vld [tilespmem:$0x1FE60];
	v15 =	vmov s23;
	[tilespmem:v19+s0+$0x0] =	vst.idx.msk $0xffff, v2;
	v2 =	vadd.f32 v60, v35  }
0x209: {  	v15 =	vshrl.u32 v15, $0x3;
	v20 =	vadd.s32 v20, v3;
	v37 =	vmov v45;
	[tilespmem:v49+s0+$0x0] =	vst.idx.msk $0xffff, v14;
	v45 =	vld [tilespmem:s18+$0xFFFFFE90]  }
0x20a: {  	s25 =	sadd.s32 $0x3, s11;
	v7 =	vadd.f32 v7, v34;
	[tilespmem:v13+s0+$0x0] =	vst.idx.msk $0xffff, v2;
	v2 =	vld [tilespmem:s19+$0x100];
	v13 =	vshll.u32 v15, v1  }
0x20b: {  	v15 =	vmov s25;
	[tilespmem:v17+s0+$0x0] =	vst.idx.msk $0xffff, v62;
	v57 =	vbroadcast v13, $0x0;
	v12 =	vadd.f32 v12, v34;
	v13 =	vld [tilespmem:s18+$0xA0]  }
0x20c: {  	v60 =	vld [tilespmem:s18+$0xFFFFFF90];
	v8 =	vadd.f32 v8, v35;
	v15 =	vshrl.u32 v15, $0x3;
	[tilespmem:v61+s0+$0x0] =	vst.idx.msk $0xffff, v7  }
0x20d: {  	v58 =	vadd.f32 v6, v36;
	v7 =	vld [tilespmem:s18+$0x190];
	v15 =	vshll.u32 v15, v1;
	[tilespmem:v54+s0+$0x0] =	vst.idx.msk $0xffff, v12  }
0x20e: {  	v6 =	vadd.s32 v26, v57;
	[tilespmem:v55+s0+$0x0] =	vst.idx.msk $0xffff, v8;
	v8 =	vbroadcast v15, $0x0;
	v18 =	vadd.f32 v45, v35;
	v15 =	vld [tilespmem:s22+$0x130]  }
0x20f: {  	v38 =	vmov v48;
	v48 =	vld [tilespmem:s22+$0xFFFFFE20]  }
0x210: {  	v11 =	vadd.s32 v11, v46;
	[tilespmem:v20+s0+$0x0] =	vst.idx.msk $0xffff, v18;
	v18 =	vadd.f32 v13, v34;
	v13 =	vld [tilespmem:$0x1FE50]  }
0x211: {  	v45 =	vadd.f32 v2, v36  }
0x212: {  	v9 =	vshrl.u32 v9, $0x3;
	v5 =	vshll.u32 v5, v1;
	v14 =	vld [tilespmem:$0x1FF00]  }
0x213: {  	s23 =	sadd.s32 $0x7, s11;
	v47 =	vbroadcast v5, $0x0;
	v5 =	vadd.s32 v24, v44;
	v10 =	vadd.f32 v10, v36;
	[tilespmem:v6+s0+$0x0] =	vst.idx.msk $0xffff, v45;
	v6 =	vld [tilespmem:$0x1FF60]  }
0x214: {  	v9 =	vshll.u32 v9, v1;
	v17 =	vld [tilespmem:s22+$0xFFFFFF20];
	v62 =	vmov s23;
	v19 =	vadd.f32 v60, v35  }
0x215: {  	v21 =	vld [tilespmem:s22+$0x30];
	[tilespmem:v11+s0+$0x0] =	vst.idx.msk $0xffff, v10;
	v11 =	vadd.f32 v15, v33;
	v49 =	vadd.s32 v13, v8;
	v13 =	vshrl.u32 v62, $0x3  }
0x216: {  	v16 =	vadd.f32 v16, v36;
	v60 =	vbroadcast v9, $0x0;
	[tilespmem:v50+s0+$0x0] =	vst.idx.msk $0xffff, v19;
	v10 =	vshll.u32 v13, v1;
	v13 =	vld [tilespmem:s19+$0x110]  }
0x217: {  	[tilespmem:v4+s0+$0x0] =	vst.idx.msk $0xffff, v11;
	v4 =	vld [tilespmem:$0x1FF10]  }
0x218: {  	v14 =	vadd.s32 v14, v52;
	[tilespmem:v5+s0+$0x0] =	vst.idx.msk $0xffff, v16;
	v45 =	vadd.s32 v6, v60;
	v6 =	vld [tilespmem:$0x1FFF0]  }
0x219: {  	v16 =	vadd.f32 v17, v34;
	v9 =	vld [tilespmem:s18+$0xFFFFFFA0]  }
0x21a: {  	v17 =	vld [tilespmem:s19+$0xFFFFFF10];
	v52 =	vbroadcast v10, $0x0  }
0x21b: {  	v7 =	vadd.f32 v7, v35;
	[tilespmem:v63+s0+$0x0] =	vst.idx.msk $0xffff, v16;
	v16 =	vld [tilespmem:s22+$0x180]  }
0x21c: {  	v40 =	vmov v56;
	v56 =	vadd.s32 v4, v52;
	v4 =	vld [tilespmem:$0x1FF20]  }
0x21d: {  	[tilespmem:v14+s0+$0x0] =	vst.idx.msk $0xffff, v7;
	v7 =	vadd.s32 v6, v60;
	v6 =	vld [tilespmem:$0x1FFC0];
	_ =	sdelay $0x2  }
0x21e: {  	v59 =	vld [tilespmem:$0x1FFA0]  }
0x21f: {  	v12 =	vld [tilespmem:$0x1FFB0];
	v10 =	vadd.f32 v48, v34;
	v48 =	vadd.s32 v4, v52  }
0x220: {  	v4 =	vadd.f32 v9, v34;
	v9 =	vadd.f32 v17, v35;
	v17 =	vadd.s32 v6, v60;
	v6 =	vld [tilespmem:$0x1FE00];
	_ =	sdelay $0x1  }
0x221: {  	v19 =	vld [tilespmem:s19+$0x10]  }
0x222: {  	v59 =	vadd.s32 v59, v3;
	v20 =	vld [tilespmem:s18+$0xFFFFFEA0]  }
0x223: {  	v51 =	vadd.s32 v22, v47;
	v5 =	vadd.s32 v25, v44;
	v15 =	vadd.f32 v21, v33;
	v21 =	vld [tilespmem:s18+$0x1A0]  }
0x224: {  	v61 =	vadd.s32 v32, v46;
	v12 =	vadd.s32 v12, v39;
	v6 =	vadd.s32 v6, v39;
	v39 =	vmovc v8;
	v8 =	vld [tilespmem:$0x1FFE0]  }
0x225: {  	p2 =	slt.u32 s12, $0x78;
	v55 =	vadd.s32 v29, v47;
	v54 =	vadd.s32 v23, v57;
	[tilespmem:v0+s0+$0x0] =	vst.idx.msk $0xffff, v15;
	v0 =	vld [tilespmem:$0x1FE20]  }
.Ltmp4:
0x226: {  	v2 =	vadd.s32 v27, v46;
	v63 =	vadd.s32 v30, v44;
	[tilespmem:v53+s0+$0x0] =	vst.idx.msk $0xffff, v10;
	(pc) =	sbr.rel @p2 .LBB2_7-.Ltmp4, $4  }
0x227: {  	v14 =	vadd.f32 v20, v34;
	v53 =	vadd.s32 v28, v47;
	v10 =	vadd.s32 v31, v57;
	v11 =	vld [tilespmem:s22+$0xFFFFFE30]  }
0x228: {  	v13 =	vadd.f32 v13, v35;
	v62 =	vadd.f32 v16, v36;
	[tilespmem:v5+s0+$0x0] =	vst.idx.msk $0xffff, v9;
	v9 =	vld [tilespmem:s22+$0x80]  }
0x229: {  	s25 =	sadd.s32 $0x1, s11;
	v15 =	vadd.f32 v21, v34;
	v50 =	vadd.s32 v8, v39;
	v8 =	vld [tilespmem:s22+$0xFFFFFF30];
	[tilespmem:v12+s0+$0x0] =	vst.idx.msk $0xffff, v4  }
0x22a: {  	s12 =	sadd.s32 $0x8, s12;
	s11 =	smov.u32 s13;
	v5 =	vadd.s32 v0, v3;
	v3 =	vadd.f32 v19, v35;
	v0 =	vmov s25;
	[tilespmem:v41+s0+$0x0] =	vst.idx.msk $0xffff, v18;
	v41 =	vmovc v17;
	v12 =	vld [tilespmem:s18+$0xFFFFFFB0]  }
0x22b: {  	_ =	sdelay $0x3  }
0x22c: {  	[tilespmem:v51+s0+$0x0] =	vst.idx.msk $0xffff, v58  }
0x22d: {  	v4 =	vld [tilespmem:s19+$0xFFFFFE10];
	_ =	sdelay $0x4  }
0x22e: {  	[tilespmem:v59+s0+$0x0] =	vst.idx.msk $0xffff, v14;
	v4 =	vadd.f32 v4, v35  }
0x22f: {  	[tilespmem:v40+s0+$0x0] =	vst.idx.msk $0xffff, v15  }
0x230: {  	[tilespmem:v55+s0+$0x0] =	vst.idx.msk $0xffff, v4;
	v55 =	vld [tilespmem:s19+$0xFFFFFF20]  }
0x231: {  	[tilespmem:v10+s0+$0x0] =	vst.idx.msk $0xffff, v13;
	v58 =	vadd.f32 v11, v33;
	v59 =	vld [tilespmem:s19+$0xFFFFFE20]  }
0x232: {  	[tilespmem:v2+s0+$0x0] =	vst.idx.msk $0xffff, v3;
	v13 =	vadd.f32 v9, v36  }
0x233: {  	v3 =	vld [tilespmem:s19+$0x120];
	v2 =	vadd.f32 v8, v33;
	[tilespmem:v42+s0+$0x0] =	vst.idx.msk $0xffff, v58  }
0x234: {  	v15 =	vadd.f32 v12, v33;
	[tilespmem:v7+s0+$0x0] =	vst.idx.msk $0xffff, v13  }
0x235: {  	v14 =	vld [tilespmem:s19+$0x20];
	[tilespmem:v43+s0+$0x0] =	vst.idx.msk $0xffff, v2;
	v4 =	vadd.f32 v55, v34  }
0x236: {  	v7 =	vld [tilespmem:s18+$0x1B0];
	[tilespmem:v6+s0+$0x0] =	vst.idx.msk $0xffff, v15;
	v32 =	vadd.f32 v59, v34  }
0x237: {  	v2 =	vld [tilespmem:s18+$0xFFFFFEB0];
	[tilespmem:v63+s0+$0x0] =	vst.idx.msk $0xffff, v4  }
0x238: {  	v3 =	vadd.f32 v3, v34;
	[tilespmem:v53+s0+$0x0] =	vst.idx.msk $0xffff, v32;
	v43 =	vld [tilespmem:s19+$0xFFFFFF30]  }
0x239: {  	v19 =	vld [tilespmem:$0x1FEE0]  }
0x23a: {  	v9 =	vadd.f32 v14, v34;
	[tilespmem:v54+s0+$0x0] =	vst.idx.msk $0xffff, v3;
	v3 =	vld [tilespmem:s19+$0xFFFFFE30]  }
0x23b: {  	v31 =	vld [tilespmem:$0x1FE40]  }
0x23c: {  	[tilespmem:v61+s0+$0x0] =	vst.idx.msk $0xffff, v9;
	v61 =	vld [tilespmem:s19+$0x130]  }
0x23d: {  	v2 =	vadd.f32 v2, v33;
	v25 =	vld [tilespmem:$0x1FF70]  }
0x23e: {  	v24 =	vld [tilespmem:$0x1FE90]  }
0x23f: {  	v21 =	vld [tilespmem:$0x1FEF0];
	[tilespmem:v5+s0+$0x0] =	vst.idx.msk $0xffff, v2  }
0x240: {  	v58 =	vld [tilespmem:$0x1FF80];
	v53 =	vadd.s32 v19, v57  }
0x241: {  	v0 =	vshrl.u32 v0, $0x3;
	v18 =	vld [tilespmem:s19+$0x30];
	v55 =	vadd.s32 v31, v44  }
0x242: {  	v0 =	vshll.u32 v0, v1;
	v40 =	vld [tilespmem:s22+$0xFFFFFF80];
	v63 =	vadd.f32 v7, v33;
	v17 =	vadd.s32 v25, v47  }
0x243: {  	v0 =	vbroadcast v0, $0x0;
	v6 =	vld [tilespmem:s22+$0xFFFFFE80];
	v9 =	vadd.f32 v61, v33;
	v16 =	vadd.s32 v24, v46  }
0x244: {  	[tilespmem:v38+s0+$0x0] =	vst.idx.msk $0xffff, v63;
	v8 =	vadd.f32 v43, v33  }
0x245: {  	v3 =	vadd.f32 v3, v33;
	v2 =	vadd.s32 v58, v0;
	[tilespmem:v53+s0+$0x0] =	vst.idx.msk $0xffff, v9  }
0x246: {  	v15 =	vadd.s32 v21, v52;
	v43 =	vadd.f32 v18, v33;
	[tilespmem:v55+s0+$0x0] =	vst.idx.msk $0xffff, v8  }
0x247: {  	v4 =	vadd.f32 v40, v36;
	[tilespmem:v17+s0+$0x0] =	vst.idx.msk $0xffff, v3  }
0x248: {  	s25 =	sadd.s32 $0x3, s11;
	v6 =	vadd.f32 v6, v36;
	[tilespmem:v16+s0+$0x0] =	vst.idx.msk $0xffff, v43  }
0x249: {  	s8 =	sadd.s32 $0x5, s11;
	s12 =	sadd.s32 $0x1, s11;
	v42 =	vmov s25;
	v53 =	vld [tilespmem:$0x1FE50];
	[tilespmem:v49+s0+$0x0] =	vst.idx.msk $0xffff, v4  }
0x24a: {  	s13 =	sadd.s32 $0x7, s11;
	v10 =	vmov s8;
	v51 =	vmov s12;
	v32 =	vshrl.u32 v42, $0x3;
	v38 =	vld [tilespmem:s18+$0xB0];
	[tilespmem:v2+s0+$0x0] =	vst.idx.msk $0xffff, v6  }
0x24b: {  	v40 =	vmov s13;
	v42 =	vshrl.u32 v51, $0x3;
	v7 =	vshll.u32 v32, v1;
	v44 =	vld [tilespmem:s19+$0xFFFFFF80];
	[tilespmem:v15+s0+$0x0] =	vst.idx.msk $0xffff, v62  }
0x24c: {  	v11 =	vshll.u32 v42, v1;
	v5 =	vbroadcast v7, $0x0;
	v3 =	vshrl.u32 v40, $0x3;
	v59 =	vld [tilespmem:$0x1FFF0]  }
0x24d: {  	v46 =	vshrl.u32 v10, $0x3;
	v10 =	vbroadcast v11, $0x0;
	v3 =	vshll.u32 v3, v1;
	v47 =	vld [tilespmem:s19+$0xFFFFFE80]  }
0x24e: {  	v9 =	vshll.u32 v46, v1;
	v13 =	vld [tilespmem:s19+$0x180];
	v3 =	vbroadcast v3, $0x0;
	v54 =	vadd.s32 v53, v5  }
0x24f: {  	v61 =	vadd.s32 v58, v10;
	v4 =	vbroadcast v9, $0x0;
	v55 =	vld [tilespmem:s19+$0x80]  }
0x250: {  	v7 =	vadd.f32 v38, v33;
	v63 =	vadd.s32 v21, v3  }
0x251: {  	v12 =	vadd.f32 v44, v36;
	v16 =	vadd.s32 v59, v4  }
0x252: {  	v2 =	vld [tilespmem:s22+$0xFFFFFF90];
	[tilespmem:v37+s0+$0x0] =	vst.idx.msk $0xffff, v7;
	v11 =	vadd.f32 v47, v36  }
0x253: {  	v32 =	vld [tilespmem:s22+$0xFFFFFE90];
	v13 =	vadd.f32 v13, v36;
	[tilespmem:v54+s0+$0x0] =	vst.idx.msk $0xffff, v12  }
0x254: {  	v9 =	vadd.f32 v55, v36;
	v17 =	vld [tilespmem:$0x1FE10];
	[tilespmem:v61+s0+$0x0] =	vst.idx.msk $0xffff, v11  }
0x255: {  	v57 =	vld [tilespmem:$0x1FF00];
	[tilespmem:v63+s0+$0x0] =	vst.idx.msk $0xffff, v13  }
0x256: {  	v21 =	vld [tilespmem:$0x1FF90];
	[tilespmem:v16+s0+$0x0] =	vst.idx.msk $0xffff, v9  }
0x257: {  	v51 =	vld [tilespmem:$0x1FFE0]  }
0x258: {  	v37 =	vld [tilespmem:s22+$0x190]  }
0x259: {  	v38 =	vld [tilespmem:s22+$0x90];
	v40 =	vadd.s32 v17, v0  }
0x25a: {  	v43 =	vld [tilespmem:s19+$0xFFFFFF90];
	v42 =	vadd.s32 v57, v52  }
0x25b: {  	v2 =	vadd.f32 v2, v35;
	v44 =	vadd.s32 v21, v60  }
0x25c: {  	v15 =	vadd.f32 v32, v35;
	v47 =	vadd.s32 v51, v5  }
0x25d: {  	[tilespmem:v50+s0+$0x0] =	vst.idx.msk $0xffff, v2;
	v2 =	vadd.f32 v37, v35  }
0x25e: {  	v8 =	vadd.f32 v38, v35;
	[tilespmem:v40+s0+$0x0] =	vst.idx.msk $0xffff, v15  }
0x25f: {  	v46 =	vld [tilespmem:s19+$0xFFFFFE90];
	v14 =	vadd.f32 v43, v35;
	[tilespmem:v42+s0+$0x0] =	vst.idx.msk $0xffff, v2  }
0x260: {  	v16 =	vld [tilespmem:s19+$0x190];
	[tilespmem:v44+s0+$0x0] =	vst.idx.msk $0xffff, v8  }
0x261: {  	v26 =	vld [tilespmem:$0x1FFB0];
	[tilespmem:v47+s0+$0x0] =	vst.idx.msk $0xffff, v14  }
0x262: {  	v54 =	vadd.s32 v21, v4;
	v21 =	vld [tilespmem:$0x1FFA0]  }
0x263: {  	v49 =	vld [tilespmem:s19+$0x90];
	v17 =	vadd.s32 v17, v10  }
0x264: {  	v50 =	vld [tilespmem:s22+$0xFFFFFFA0];
	v52 =	vadd.s32 v57, v3  }
0x265: {  	v2 =	vld [tilespmem:s22+$0xFFFFFEA0]  }
0x266: {  	v13 =	vadd.f32 v46, v35;
	v60 =	vld [tilespmem:s22+$0x1A0];
	v55 =	vadd.s32 v26, v39  }
0x267: {  	v16 =	vadd.f32 v16, v35;
	v62 =	vld [tilespmem:s22+$0xA0];
	v61 =	vadd.s32 v21, v0  }
0x268: {  	v7 =	vadd.f32 v49, v35;
	[tilespmem:v17+s0+$0x0] =	vst.idx.msk $0xffff, v13;
	v63 =	vld [tilespmem:s19+$0xFFFFFFA0]  }
0x269: {  	v12 =	vadd.f32 v50, v34;
	[tilespmem:v52+s0+$0x0] =	vst.idx.msk $0xffff, v16  }
0x26a: {  	[tilespmem:v54+s0+$0x0] =	vst.idx.msk $0xffff, v7;
	v2 =	vadd.f32 v2, v34;
	v36 =	vadd.s32 v26, v5  }
0x26b: {  	v35 =	vld [tilespmem:s19+$0xFFFFFEA0];
	v38 =	vadd.f32 v60, v34;
	[tilespmem:v55+s0+$0x0] =	vst.idx.msk $0xffff, v12  }
0x26c: {  	v37 =	vld [tilespmem:s19+$0x1A0];
	v14 =	vadd.f32 v62, v34;
	[tilespmem:v61+s0+$0x0] =	vst.idx.msk $0xffff, v2  }
0x26d: {  	v13 =	vadd.f32 v63, v34;
	v2 =	vld [tilespmem:$0x1FF10];
	[tilespmem:v56+s0+$0x0] =	vst.idx.msk $0xffff, v38  }
0x26e: {  	v30 =	vld [tilespmem:$0x1FFC0];
	[tilespmem:v41+s0+$0x0] =	vst.idx.msk $0xffff, v14  }
0x26f: {  	v29 =	vld [tilespmem:$0x1FE00];
	[tilespmem:v36+s0+$0x0] =	vst.idx.msk $0xffff, v13  }
0x270: {  	v13 =	vld [tilespmem:$0x1FE20]  }
0x271: {  	v42 =	vld [tilespmem:s19+$0xA0];
	v40 =	vadd.s32 v21, v10  }
0x272: {  	v43 =	vld [tilespmem:s22+$0xFFFFFFB0];
	v2 =	vadd.s32 v2, v3  }
0x273: {  	v16 =	vld [tilespmem:s22+$0xFFFFFEB0];
	v44 =	vadd.s32 v30, v4  }
0x274: {  	v15 =	vadd.f32 v35, v34;
	v17 =	vld [tilespmem:s22+$0x1B0];
	v46 =	vadd.s32 v29, v39  }
0x275: {  	v11 =	vadd.f32 v37, v34;
	v0 =	vadd.s32 v13, v0  }
0x276: {  	v49 =	vadd.f32 v42, v34;
	[tilespmem:v40+s0+$0x0] =	vst.idx.msk $0xffff, v15  }
0x277: {  	[tilespmem:v2+s0+$0x0] =	vst.idx.msk $0xffff, v11;
	v2 =	vadd.f32 v43, v33  }
0x278: {  	v56 =	vadd.f32 v16, v33;
	[tilespmem:v44+s0+$0x0] =	vst.idx.msk $0xffff, v49  }
0x279: {  	v47 =	vld [tilespmem:s22+$0xB0];
	[tilespmem:v46+s0+$0x0] =	vst.idx.msk $0xffff, v2;
	v2 =	vadd.f32 v17, v33  }
0x27a: {  	v50 =	vld [tilespmem:s19+$0xFFFFFFB0];
	[tilespmem:v0+s0+$0x0] =	vst.idx.msk $0xffff, v56  }
0x27b: {  	v0 =	vld [tilespmem:$0x1FF20];
	[tilespmem:v48+s0+$0x0] =	vst.idx.msk $0xffff, v2  }
0x27c: {  	v56 =	vld [tilespmem:$0x1FF60]  }
0x27d: {  	v52 =	vld [tilespmem:s19+$0xFFFFFEB0]  }
0x27e: {  	v5 =	vadd.s32 v29, v5;
	v60 =	vld [tilespmem:s19+$0x1B0]  }
0x27f: {  	v10 =	vadd.s32 v13, v10;
	v61 =	vld [tilespmem:s19+$0xB0]  }
0x280: {  	v0 =	vadd.s32 v0, v3;
	v3 =	vadd.f32 v47, v33  }
0x281: {  	v62 =	vadd.f32 v50, v33;
	v2 =	vadd.s32 v56, v4  }
0x282: {  	[tilespmem:v45+s0+$0x0] =	vst.idx.msk $0xffff, v3;
	v3 =	vadd.f32 v52, v33  }
0x283: {  	s19 =	sshll.u32 s30, $0x12;
	[tilespmem:v5+s0+$0x0] =	vst.idx.msk $0xffff, v62;
	v63 =	vadd.f32 v60, v33  }
0x284: {  	s8 =	sor.u32 s14, s19;
	[tilespmem:v10+s0+$0x0] =	vst.idx.msk $0xffff, v3;
	v3 =	vadd.f32 v61, v33  }
0x285: {  	s8 =	sshrl.u32 s8, $0x3;
	[tilespmem:v0+s0+$0x0] =	vst.idx.msk $0xffff, v63  }
0x286: {  	s22 =	simm.s32 $0x15600;
	s8 =	sadd.s32 s2, s8;
	[tilespmem:v2+s0+$0x0] =	vst.idx.msk $0xffff, v3  }
0x287: {  	[hbm4b:s8+s3] =	stream.linear.scatter [tilespmem:s22], [sflag:$0xA], $0x80, $0x38;
	[tilespmem:$0x1BC00] =	vst v63  }
0x288: {  	s23 =	simm.s32 $0x15688;
	s12 =	sadd.s32 $0x10, s8  }
0x289: {  	[hbm4b:s12+s3] =	stream.linear.scatter [tilespmem:s23], [sflag:$0xA], $0x80, $0x38;
	[tilespmem:$0x1BC00] =	vst v63  }
0x28a: {  	s11 =	simm.s32 $0x440;
	s25 =	simm.s32 $0x15710;
	s30 =	sadd.s32 $0x20, s8  }
0x28b: {  	[hbm4b:s30+s3] =	stream.linear.scatter [tilespmem:s25], [sflag:$0xA], $0x80, $0x38;
	[tilespmem:$0x1BC00] =	vst v63  }
0x28c: {  	s18 =	simm.s32 $0x15820;
	s13 =	sadd.s32 $0x30, s8;
	s12 =	simm.s32 $0x15798  }
0x28d: {  	[hbm4b:s13+s3] =	stream.linear.scatter [tilespmem:s12], [sflag:$0xA], $0x80, $0x38;
	[tilespmem:$0x1BC00] =	vst v63  }
0x28e: {  	s19 =	sadd.s32 $0x40, s8;
	s22 =	simm.s32 $0x158A8;
	s23 =	sadd.s32 $0x50, s8  }
0x28f: {  	[hbm4b:s19+s3] =	stream.linear.scatter [tilespmem:s18], [sflag:$0xA], $0x80, $0x38;
	[tilespmem:$0x1BC00] =	vst v63  }
0x290: {  	s25 =	simm.s32 $0x15930;
	s30 =	sadd.s32 $0x60, s8;
	s13 =	simm.s32 $0x2200  }
0x291: {  	[hbm4b:s23+s3] =	stream.linear.scatter [tilespmem:s22], [sflag:$0xA], $0x80, $0x38;
	[tilespmem:$0x1BC00] =	vst v63  }
0x292: {  	s12 =	sadd.s32 $0x1000, s8;
	s18 =	simm.s32 $0x159B8;
	s19 =	sadd.s32 $0x70, s8  }
0x293: {  	v27 =	vmov v24;
	v45 =	vmov v30;
	[hbm4b:s30+s3] =	stream.linear.scatter [tilespmem:s25], [sflag:$0xA], $0x80, $0x38;
	[tilespmem:$0x1BC00] =	vst v63  }
.LBB2_9:
0x294: {  	[hbm4b:s19+s3] =	stream.linear.scatter [tilespmem:s18], [sflag:$0xA], $0x80, $0x38;
	[tilespmem:$0x1BC00] =	vst v63  }
0x295: {  	s8 =	smov.u32 s11;
	s11 =	smov.u32 s13  }
0x296: {  	s22 =	sadd.s32 $0x1100, s13;
	s11 =	sshra.s32 s11, $0x2;
	s18 =	sadd.s32 $0x15600, s8  }
0x297: {  	[hbm4b:s12+s3] =	stream.linear.scatter [tilespmem:s18], [sflag:$0xA], $0x80, $0x38;
	[tilespmem:$0x1BC00] =	vst v63  }
0x298: {  	p2 =	sne.s32 s13, $0x7700;
	s13 =	sadd.s32 $0x15688, s8;
	s18 =	sadd.s32 $0x10, s12  }
0x299: {  	[hbm4b:s18+s3] =	stream.linear.scatter [tilespmem:s13], [sflag:$0xA], $0x80, $0x38;
	[tilespmem:$0x1BC00] =	vst v63  }
0x29a: {  	s13 =	sadd.s32 $0x15710, s8;
	s18 =	sadd.s32 $0x20, s12  }
0x29b: {  	[hbm4b:s18+s3] =	stream.linear.scatter [tilespmem:s13], [sflag:$0xA], $0x80, $0x38;
	[tilespmem:$0x1BC00] =	vst v63  }
0x29c: {  	s13 =	sadd.s32 $0x15798, s8;
	s18 =	sadd.s32 $0x30, s12  }
0x29d: {  	[hbm4b:s18+s3] =	stream.linear.scatter [tilespmem:s13], [sflag:$0xA], $0x80, $0x38;
	[tilespmem:$0x1BC00] =	vst v63  }
0x29e: {  	s13 =	sadd.s32 $0x15820, s8;
	s18 =	sadd.s32 $0x40, s12  }
0x29f: {  	[hbm4b:s18+s3] =	stream.linear.scatter [tilespmem:s13], [sflag:$0xA], $0x80, $0x38;
	[tilespmem:$0x1BC00] =	vst v63  }
.Ltmp5:
0x2a0: {  	s13 =	sadd.s32 $0x158A8, s8;
	s18 =	sadd.s32 $0x50, s12;
	(pc) =	sbr.rel @p2 .LBB2_9-.Ltmp5, $4  }
0x2a1: {  	[hbm4b:s18+s3] =	stream.linear.scatter [tilespmem:s13], [sflag:$0xA], $0x80, $0x38;
	[tilespmem:$0x1BC00] =	vst v63  }
0x2a2: {  	s19 =	sadd.s32 $0x70, s12;
	s13 =	sadd.s32 $0x15930, s8;
	s18 =	sadd.s32 $0x60, s12  }
0x2a3: {  	[hbm4b:s18+s3] =	stream.linear.scatter [tilespmem:s13], [sflag:$0xA], $0x80, $0x38;
	[tilespmem:$0x1BC00] =	vst v63  }
0x2a4: {  	s12 =	sadd.s32 $0x1000, s12;
	s18 =	sadd.s32 $0x159B8, s8;
	s13 =	smov.u32 s22  }
0x2a5: {  	[hbm4b:s19+s3] =	stream.linear.scatter [tilespmem:s18], [sflag:$0xA], $0x80, $0x38;
	[tilespmem:$0x1BC00] =	vst v63  }
0x2a6: {  	s8 =	sadd.s32 $0x15600, s11  }
0x2a7: {  	[hbm4b:s12+s3] =	stream.linear.scatter [tilespmem:s8], [sflag:$0xA], $0x80, $0x38;
	[tilespmem:$0x1BC00] =	vst v63  }
0x2a8: {  	s25 =	sadd.s32 $0x15688, s11;
	s13 =	sadd.s32 $0x10, s12  }
0x2a9: {  	[hbm4b:s13+s3] =	stream.linear.scatter [tilespmem:s25], [sflag:$0xA], $0x80, $0x38;
	[tilespmem:$0x1BC00] =	vst v63  }
0x2aa: {  	s18 =	sadd.s32 $0x20, s12;
	s13 =	sadd.s32 $0x15710, s11  }
0x2ab: {  	[hbm4b:s18+s3] =	stream.linear.scatter [tilespmem:s13], [sflag:$0xA], $0x80, $0x38;
	[tilespmem:$0x1BC00] =	vst v63  }
0x2ac: {  	s19 =	sadd.s32 $0x15798, s11;
	s22 =	sadd.s32 $0x30, s12  }
0x2ad: {  	[hbm4b:s22+s3] =	stream.linear.scatter [tilespmem:s19], [sflag:$0xA], $0x80, $0x38;
	[tilespmem:$0x1BC00] =	vst v63  }
0x2ae: {  	s23 =	sadd.s32 $0x15820, s11;
	s25 =	sadd.s32 $0x40, s12  }
0x2af: {  	[hbm4b:s25+s3] =	stream.linear.scatter [tilespmem:s23], [sflag:$0xA], $0x80, $0x38;
	[tilespmem:$0x1BC00] =	vst v63  }
0x2b0: {  	s13 =	sadd.s32 $0x158A8, s11;
	s18 =	sadd.s32 $0x50, s12  }
0x2b1: {  	[hbm4b:s18+s3] =	stream.linear.scatter [tilespmem:s13], [sflag:$0xA], $0x80, $0x38;
	[tilespmem:$0x1BC00] =	vst v63  }
0x2b2: {  	s19 =	sadd.s32 $0x15930, s11;
	s22 =	sadd.s32 $0x60, s12  }
0x2b3: {  	[hbm4b:s22+s3] =	stream.linear.scatter [tilespmem:s19], [sflag:$0xA], $0x80, $0x38;
	[tilespmem:$0x1BC00] =	vst v63  }
0x2b4: {  	s8 =	simm.s32 @!p1 $0xC;
	s23 =	sadd.s32 $0x159B8, s11;
	s25 =	sadd.s32 $0x70, s12  }
0x2b5: {  	[hbm4b:s25+s3] =	stream.linear.scatter [tilespmem:s23], [sflag:$0xA], $0x80, $0x38;
	[tilespmem:$0x1BC00] =	vst v63  }
0x2b6: {  	_ =	swait.ge @!p1 [sflag:s8], $0x2000  }
0x2b7: {  	[sflag:s8] =	ssyncset.done @!p1 $0x0  }
0x2b8: {  	[sflag:s8] =	ssyncadd.s32 @!p1 $0xFFFFE000  }
0x2b9: {  	_ =	swait.ge [sflag:s1], $0x80  }
0x2ba: {  	s30 =	simm.s32 $0x3380;
	[sflag:s1] =	ssyncset.done $0x0;
	s8 =	rddreg [dreg:$0x9]  }
0x2bb: {  	s12 =	simm.s32 $0xF400;
	[sflag:s1] =	ssyncadd.s32 $0xFFFFFF80;
	s8 =	sadd.s32 @!p0 s8, s15  }
0x2bc: {  	[tilespmem:s12], [sflag:$0x8] =	stream.indirect.gather [hbm4b:s5+s21], $0x80, s30, s21, $0xb8;
	[tilespmem:$0x1BC00] =	vst v63  }
0x2bd: {  	s8 =	sshrl.u32 @!p0 s8, $0x3  }
0x2be: {  	s11 =	simm.s32 @!p0 $0x0;
	s12 =	simm.s32 @!p0 $0x3280;
	s8 =	sadd.s32 @!p0 s4, s8  }
0x2bf: {  	[tilespmem:s12], [sflag:$0x2] =	stream.linear.gather @!p0 [hbm4b:s8+s11], $0x80, $0x38;
	[tilespmem:$0x1BC00] =	vst v63  }
0x2c0: {  	_ =	swait.ge [sflag:s17], $0x4000  }
0x2c1: {  	s13 =	simm.s32 $0x2;
	v54 =	vld [tilespmem:$0x1FF30]  }
0x2c2: {  	s18 =	sshll.u32 s24, $0x6;
	v0 =	vmov s13;
	s19 =	simm.s32 $0x6;
	[sflag:s17] =	ssyncset.done $0x0;
	v60 =	vld [tilespmem:$0x1FEB0]  }
0x2c3: {  	s22 =	sand.u32 $0x3FFFFFC0, s18;
	v0 =	vshrl.u32 v0, $0x3;
	v2 =	vmov s19;
	s23 =	simm.s32 $0x4;
	v62 =	vld [tilespmem:$0x1FE60];
	[sflag:s17] =	ssyncadd.s32 $0xFFFFC000  }
0x2c4: {  	s18 =	simm.s32 $0xB600;
	v0 =	vshll.u32 v0, v1;
	v2 =	vshrl.u32 v2, $0x3;
	v3 =	vmov s23;
	v36 =	vld [tilespmem:s22+$0x0]  }
0x2c5: {  	v0 =	vbroadcast v0, $0x0;
	v2 =	vshll.u32 v2, v1;
	v3 =	vshrl.u32 v3, $0x3;
	v4 =	vld [tilespmem:s18+$0xFFFFFF00]  }
0x2c6: {  	v2 =	vbroadcast v2, $0x0;
	v3 =	vshll.u32 v3, v1;
	v5 =	vld [tilespmem:s18+$0x100]  }
0x2c7: {  	v3 =	vbroadcast v3, $0x0;
	v6 =	vld [tilespmem:s18+$0x0];
	v7 =	vadd.s32 v54, v0  }
0x2c8: {  	v8 =	vadd.s32 v60, v2  }
0x2c9: {  	v35 =	vld [tilespmem:s22+$0x10];
	v9 =	vadd.s32 v62, v3  }
0x2ca: {  	v34 =	vld [tilespmem:s22+$0x20];
	v4 =	vadd.f32 v4, v36  }
0x2cb: {  	v33 =	vld [tilespmem:s22+$0x30];
	v5 =	vadd.f32 v5, v36  }
0x2cc: {  	v11 =	vld [tilespmem:s18+$0xFFFFFE00];
	v6 =	vadd.f32 v6, v36;
	[tilespmem:v7+s6+$0x0] =	vst.idx.msk $0xffff, v4  }
0x2cd: {  	[tilespmem:v8+s6+$0x0] =	vst.idx.msk $0xffff, v5;
	v7 =	vld [tilespmem:s18+$0xFFFFFF10]  }
0x2ce: {  	[tilespmem:v9+s6+$0x0] =	vst.idx.msk $0xffff, v6;
	v5 =	vld [tilespmem:s18+$0x110]  }
0x2cf: {  	s25 =	simm.s32 $0x0;
	v6 =	vld [tilespmem:s18+$0x10]  }
0x2d0: {  	v10 =	vmov s25;
	v26 =	vld [tilespmem:$0x1FEC0]  }
0x2d1: {  	v4 =	vshrl.u32 v10, $0x3;
	v43 =	vld [tilespmem:$0x1FE70]  }
0x2d2: {  	v4 =	vshll.u32 v4, v1;
	v32 =	vld [tilespmem:$0x1FEA0]  }
0x2d3: {  	v55 =	vld [tilespmem:$0x1FF40];
	v4 =	vbroadcast v4, $0x0  }
0x2d4: {  	v61 =	vld [tilespmem:$0x1FED0]  }
0x2d5: {  	v29 =	vld [tilespmem:$0x1FE80];
	v9 =	vadd.s32 v22, v4  }
0x2d6: {  	v30 =	vld [tilespmem:$0x1FE30];
	v8 =	vadd.s32 v26, v2  }
0x2d7: {  	v10 =	vadd.f32 v11, v36;
	v11 =	vadd.s32 v43, v3  }
0x2d8: {  	v12 =	vadd.s32 v32, v0;
	v13 =	vadd.s32 v55, v4  }
0x2d9: {  	s19 =	simm.s32 $0xA;
	v14 =	vadd.s32 v61, v2;
	v7 =	vadd.f32 v7, v35;
	v5 =	vadd.f32 v5, v35  }
0x2da: {  	s13 =	simm.s32 $0x8;
	v49 =	vmov s19;
	v24 =	vld [tilespmem:$0x1FF50];
	v15 =	vadd.s32 v29, v3;
	v6 =	vadd.f32 v6, v35;
	[tilespmem:v9+s6+$0x0] =	vst.idx.msk $0xffff, v10  }
0x2db: {  	v17 =	vadd.s32 v30, v0;
	v2 =	vadd.s32 v19, v2;
	v10 =	vmov s13;
	v20 =	vld [tilespmem:s18+$0xFFFFFE10];
	[tilespmem:v8+s6+$0x0] =	vst.idx.msk $0xffff, v5  }
0x2dc: {  	v50 =	vmovc v19;
	s11 =	simm.s32 $0xC;
	s22 =	simm.s32 $0xBA00;
	v19 =	vadd.s32 v31, v0;
	v10 =	vshrl.u32 v10, $0x3;
	[tilespmem:v11+s6+$0x0] =	vst.idx.msk $0xffff, v6;
	v6 =	vshrl.u32 v49, $0x3;
	v9 =	vld [tilespmem:s18+$0x120]  }
0x2dd: {  	s23 =	simm.s32 $0xE;
	v5 =	vld [tilespmem:s22+$0xFFFFFF00];
	v8 =	vmov s11;
	v10 =	vshll.u32 v10, v1;
	v0 =	vshll.u32 v6, v1  }
0x2de: {  	v8 =	vshrl.u32 v8, $0x3;
	v6 =	vld [tilespmem:s18+$0x20];
	v39 =	vbroadcast v0, $0x0;
	v0 =	vmov s23  }
0x2df: {  	v11 =	vld [tilespmem:s22+$0x0];
	[tilespmem:v12+s6+$0x0] =	vst.idx.msk $0xffff, v7;
	v7 =	vbroadcast v10, $0x0;
	v8 =	vshll.u32 v8, v1;
	v0 =	vshrl.u32 v0, $0x3  }
0x2e0: {  	v8 =	vbroadcast v8, $0x0;
	v0 =	vshll.u32 v0, v1;
	v20 =	vadd.f32 v20, v35  }
0x2e1: {  	v10 =	vld [tilespmem:s22+$0x100];
	v12 =	vadd.s32 v54, v39;
	v42 =	vbroadcast v0, $0x0;
	v9 =	vadd.f32 v9, v34  }
0x2e2: {  	s25 =	simm.s32 $0x3;
	v38 =	vld [tilespmem:s18+$0xFFFFFF20];
	v37 =	vadd.s32 v62, v8;
	[tilespmem:v13+s6+$0x0] =	vst.idx.msk $0xffff, v20  }
0x2e3: {  	v40 =	vmov s25;
	v0 =	vadd.f32 v6, v34;
	v13 =	vadd.s32 v60, v42;
	[tilespmem:v14+s6+$0x0] =	vst.idx.msk $0xffff, v9;
	v14 =	vld [tilespmem:s18+$0xFFFFFE20]  }
0x2e4: {  	v5 =	vadd.f32 v5, v36;
	v6 =	vadd.f32 v11, v36;
	v9 =	vshrl.u32 v40, $0x3;
	v11 =	vld [tilespmem:s18+$0x130]  }
0x2e5: {  	v16 =	vadd.s32 v24, v4;
	[tilespmem:v15+s6+$0x0] =	vst.idx.msk $0xffff, v0;
	v9 =	vshll.u32 v9, v1  }
0x2e6: {  	v10 =	vadd.f32 v10, v36;
	[tilespmem:v12+s6+$0x0] =	vst.idx.msk $0xffff, v5;
	v23 =	vbroadcast v9, $0x0;
	v9 =	vld [tilespmem:s18+$0x30]  }
0x2e7: {  	s12 =	simm.s32 $0x5;
	v21 =	vld [tilespmem:s22+$0xFFFFFE00];
	v18 =	vadd.s32 v25, v4;
	v5 =	vadd.f32 v38, v34;
	[tilespmem:v37+s6+$0x0] =	vst.idx.msk $0xffff, v6  }
0x2e8: {  	v3 =	vadd.s32 v27, v3;
	v4 =	vmov s12;
	v52 =	vld [tilespmem:s22+$0xFFFFFF10];
	[tilespmem:v13+s6+$0x0] =	vst.idx.msk $0xffff, v10;
	v10 =	vadd.f32 v14, v34  }
0x2e9: {  	v4 =	vshrl.u32 v4, $0x3;
	[tilespmem:v17+s6+$0x0] =	vst.idx.msk $0xffff, v5;
	v17 =	vld [tilespmem:s22+$0x10];
	v5 =	vadd.f32 v11, v33  }
0x2ea: {  	v4 =	vshll.u32 v4, v1;
	v44 =	vld [tilespmem:s22+$0x110];
	[tilespmem:v16+s6+$0x0] =	vst.idx.msk $0xffff, v10  }
0x2eb: {  	v13 =	vbroadcast v4, $0x0;
	v4 =	vadd.f32 v9, v33;
	[tilespmem:v2+s6+$0x0] =	vst.idx.msk $0xffff, v5;
	v9 =	vld [tilespmem:s18+$0xFFFFFE30]  }
0x2ec: {  	v63 =	vld [tilespmem:$0x1FF10]  }
0x2ed: {  	s11 =	simm.s32 $0x7;
	v0 =	vld [tilespmem:$0x1FF20];
	[tilespmem:v3+s6+$0x0] =	vst.idx.msk $0xffff, v4  }
0x2ee: {  	v41 =	vadd.s32 v22, v7;
	v48 =	vadd.s32 v30, v39;
	v12 =	vmov s11;
	v28 =	vld [tilespmem:$0x1FEF0]  }
0x2ef: {  	v20 =	vadd.s32 v43, v8;
	v6 =	vshrl.u32 v12, $0x3;
	v5 =	vld [tilespmem:s18+$0x180];
	v4 =	vadd.s32 v45, v13  }
0x2f0: {  	v6 =	vshll.u32 v6, v1;
	v3 =	vld [tilespmem:s18+$0xFFFFFF30];
	[tilespmem:$0x1FD80] =	vst v4;
	v4 =	vadd.s32 v24, v7;
	v9 =	vadd.f32 v9, v33  }
0x2f1: {  	v43 =	vadd.s32 v31, v39;
	v47 =	vadd.s32 v26, v42;
	v6 =	vbroadcast v6, $0x0;
	v46 =	vld [tilespmem:s18+$0x80];
	[tilespmem:$0x1FD60] =	vst v4  }
0x2f2: {  	v50 =	vadd.s32 v50, v42;
	v15 =	vadd.f32 v21, v36;
	[tilespmem:v18+s6+$0x0] =	vst.idx.msk $0xffff, v9  }
0x2f3: {  	v12 =	vadd.s32 v32, v39;
	v10 =	vadd.f32 v52, v35;
	v52 =	vadd.s32 v28, v6;
	v28 =	vld [tilespmem:$0x1FF90]  }
0x2f4: {  	s12 =	simm.s32 $0x1;
	v21 =	vadd.s32 v53, v23;
	v14 =	vadd.s32 v55, v7;
	v59 =	vadd.s32 v59, v13  }
0x2f5: {  	v16 =	vadd.s32 v29, v8;
	v49 =	vadd.f32 v5, v36;
	v5 =	vmov s12  }
0x2f6: {  	s19 =	simm.s32 $0xBE00;
	v8 =	vadd.s32 v27, v8;
	v3 =	vadd.f32 v3, v33;
	v5 =	vshrl.u32 v5, $0x3  }
0x2f7: {  	v17 =	vadd.f32 v17, v35;
	v4 =	vmov v53;
	v53 =	vld [tilespmem:s19+$0xFFFFFF00];
	v5 =	vshll.u32 v5, v1;
	[tilespmem:$0x1FD70] =	vst v8  }
0x2f8: {  	v37 =	vadd.s32 v56, v13;
	v5 =	vbroadcast v5, $0x0;
	[tilespmem:v19+s6+$0x0] =	vst.idx.msk $0xffff, v3;
	v9 =	vadd.s32 v28, v13;
	v13 =	vld [tilespmem:s18+$0xFFFFFE80]  }
0x2f9: {  	s13 =	simm.s32 $0x14;
	v2 =	vadd.s32 v61, v42;
	v46 =	vadd.f32 v46, v36;
	[tilespmem:v20+s6+$0x0] =	vst.idx.msk $0xffff, v17;
	v20 =	vld [tilespmem:s19+$0x0]  }
0x2fa: {  	s23 =	simm.s32 $0x12;
	v42 =	vadd.s32 v25, v7;
	v7 =	vmov s13;
	v18 =	vld [tilespmem:s18+$0xFFFFFF80];
	v19 =	vadd.s32 v58, v5  }
0x2fb: {  	s11 =	simm.s32 $0x10;
	v44 =	vadd.f32 v44, v35;
	v7 =	vshrl.u32 v7, $0x3;
	v39 =	vld [tilespmem:s19+$0xFFFFFE00];
	[tilespmem:v59+s6+$0x0] =	vst.idx.msk $0xffff, v46;
	v59 =	vmov s23  }
0x2fc: {  	v7 =	vshll.u32 v7, v1;
	v3 =	vmov s11;
	v58 =	vld [tilespmem:s18+$0x90];
	v17 =	vshrl.u32 v59, $0x3  }
0x2fd: {  	[tilespmem:v41+s6+$0x0] =	vst.idx.msk $0xffff, v15;
	v46 =	vbroadcast v7, $0x0;
	v7 =	vld [tilespmem:s22+$0x20];
	v17 =	vshll.u32 v17, v1;
	v13 =	vadd.f32 v13, v36  }
0x2fe: {  	[tilespmem:v47+s6+$0x0] =	vst.idx.msk $0xffff, v44;
	v3 =	vshrl.u32 v3, $0x3;
	v41 =	vld [tilespmem:s22+$0xFFFFFE10];
	v44 =	vbroadcast v17, $0x0  }
0x2ff: {  	v3 =	vshll.u32 v3, v1;
	v17 =	vld [tilespmem:s22+$0x120];
	v18 =	vadd.f32 v18, v36;
	[tilespmem:v19+s6+$0x0] =	vst.idx.msk $0xffff, v13  }
0x300: {  	s25 =	simm.s32 $0x16;
	v47 =	vbroadcast v3, $0x0;
	v3 =	vadd.s32 v54, v44;
	v54 =	vld [tilespmem:s18+$0xFFFFFE90]  }
0x301: {  	v13 =	vadd.f32 v58, v35;
	v19 =	vmov s25;
	v59 =	vld [tilespmem:$0x1FFA0];
	[tilespmem:v21+s6+$0x0] =	vst.idx.msk $0xffff, v18  }
0x302: {  	v40 =	vadd.s32 v63, v6;
	v38 =	vadd.s32 v0, v6;
	[tilespmem:v12+s6+$0x0] =	vst.idx.msk $0xffff, v10;
	v10 =	vshrl.u32 v19, $0x3;
	v12 =	vld [tilespmem:s18+$0xFFFFFF90]  }
0x303: {  	v7 =	vadd.f32 v7, v34;
	[tilespmem:v9+s6+$0x0] =	vst.idx.msk $0xffff, v13;
	v9 =	vld [tilespmem:s19+$0x100];
	v10 =	vshll.u32 v10, v1  }
0x304: {  	s12 =	simm.s32 $0xB;
	v6 =	vadd.s32 v57, v6;
	v11 =	vld [tilespmem:$0x1FE10];
	v57 =	vbroadcast v10, $0x0;
	v10 =	vadd.f32 v17, v34;
	[tilespmem:v52+s6+$0x0] =	vst.idx.msk $0xffff, v49  }
0x305: {  	v15 =	vadd.s32 v62, v46;
	v13 =	vmov s12;
	[tilespmem:v16+s6+$0x0] =	vst.idx.msk $0xffff, v7;
	v16 =	vld [tilespmem:s22+$0xFFFFFF20]  }
0x306: {  	v45 =	vadd.s32 v51, v23;
	v21 =	vadd.f32 v41, v35;
	v13 =	vshrl.u32 v13, $0x3;
	[tilespmem:v2+s6+$0x0] =	vst.idx.msk $0xffff, v10;
	v10 =	vld [tilespmem:s18+$0x190]  }
0x307: {  	v19 =	vadd.f32 v20, v36;
	v20 =	vadd.f32 v53, v36;
	v13 =	vshll.u32 v13, v1;
	v2 =	vld [tilespmem:$0x1FFB0]  }
0x308: {  	v58 =	vadd.f32 v39, v36;
	v41 =	vadd.s32 v60, v57;
	v39 =	vbroadcast v13, $0x0;
	[tilespmem:v14+s6+$0x0] =	vst.idx.msk $0xffff, v21;
	v13 =	vld [tilespmem:s22+$0x130]  }
0x309: {  	s13 =	simm.s32 $0xD;
	s23 =	simm.s32 $0xF;
	v12 =	vadd.f32 v12, v35;
	v29 =	vld [tilespmem:$0x1FE70];
	[tilespmem:v3+s6+$0x0] =	vst.idx.msk $0xffff, v20;
	v18 =	vadd.s32 v11, v5  }
0x30a: {  	v7 =	vmov s13;
	v21 =	vmov s23;
	[tilespmem:v15+s6+$0x0] =	vst.idx.msk $0xffff, v19;
	v16 =	vadd.f32 v16, v34  }
0x30b: {  	v7 =	vshrl.u32 v7, $0x3;
	v9 =	vadd.f32 v9, v36;
	[tilespmem:v45+s6+$0x0] =	vst.idx.msk $0xffff, v12;
	v12 =	vshrl.u32 v21, $0x3;
	v21 =	vld [tilespmem:s19+$0xFFFFFF10]  }
0x30c: {  	v7 =	vshll.u32 v7, v1;
	v62 =	vadd.f32 v54, v35;
	[tilespmem:v48+s6+$0x0] =	vst.idx.msk $0xffff, v16  }
0x30d: {  	v60 =	vbroadcast v7, $0x0;
	[tilespmem:v41+s6+$0x0] =	vst.idx.msk $0xffff, v9;
	v7 =	vadd.f32 v13, v33  }
0x30e: {  	v12 =	vshll.u32 v12, v1;
	v10 =	vadd.f32 v10, v35;
	[tilespmem:v18+s6+$0x0] =	vst.idx.msk $0xffff, v62  }
0x30f: {  	v52 =	vbroadcast v12, $0x0;
	[tilespmem:v50+s6+$0x0] =	vst.idx.msk $0xffff, v7  }
0x310: {  	v3 =	vadd.s32 v32, v44;
	v32 =	vadd.f32 v21, v35;
	v21 =	vld [tilespmem:$0x1FE80];
	[tilespmem:v6+s6+$0x0] =	vst.idx.msk $0xffff, v10  }
0x311: {  	v48 =	vadd.s32 v0, v52;
	v0 =	vld [tilespmem:$0x1FFF0];
	_ =	sdelay $0x4  }
0x312: {  	v7 =	vadd.s32 v0, v60;
	v0 =	vld [tilespmem:$0x1FD60]  }
0x313: {  	v14 =	vld [tilespmem:s22+$0xFFFFFE20];
	_ =	sdelay $0x4  }
0x314: {  	v9 =	vadd.f32 v14, v34;
	_ =	sdelay $0x1  }
0x315: {  	v27 =	vld [tilespmem:$0x1FFC0];
	[tilespmem:v0+s6+$0x0] =	vst.idx.msk $0xffff, v9  }
0x316: {  	v0 =	vld [tilespmem:$0x1FD70]  }
0x317: {  	v18 =	vld [tilespmem:s22+$0x30];
	_ =	sdelay $0x4  }
0x318: {  	v20 =	vld [tilespmem:s18+$0xFFFFFFA0];
	v12 =	vadd.f32 v18, v33  }
0x319: {  	v9 =	vld [tilespmem:$0x1FE00];
	[tilespmem:v3+s6+$0x0] =	vst.idx.msk $0xffff, v32  }
0x31a: {  	v11 =	vadd.s32 v2, v23;
	[tilespmem:v0+s6+$0x0] =	vst.idx.msk $0xffff, v12  }
0x31b: {  	v0 =	vld [tilespmem:$0x1FE20];
	_ =	sdelay $0x1  }
0x31c: {  	v18 =	vadd.f32 v20, v34  }
0x31d: {  	v17 =	vld [tilespmem:s18+$0xA0]  }
0x31e: {  	v15 =	vld [tilespmem:s19+$0x10];
	[tilespmem:v11+s6+$0x0] =	vst.idx.msk $0xffff, v18  }
0x31f: {  	v59 =	vadd.s32 v59, v5;
	v5 =	vadd.s32 v0, v5;
	v0 =	vld [tilespmem:$0x1FD80]  }
0x320: {  	v8 =	vmov v51;
	v16 =	vld [tilespmem:s19+$0x110]  }
0x321: {  	v50 =	vadd.s32 v8, v39;
	v8 =	vld [tilespmem:s22+$0xFFFFFF30]  }
0x322: {  	v13 =	vld [tilespmem:s18+$0xFFFFFEA0]  }
0x323: {  	v49 =	vadd.s32 v4, v39;
	v4 =	vld [tilespmem:s18+$0x1A0]  }
0x324: {  	v51 =	vadd.s32 v22, v47;
	v55 =	vadd.s32 v55, v47;
	v20 =	vld [tilespmem:s22+$0x180]  }
0x325: {  	v53 =	vadd.s32 v24, v47;
	v54 =	vadd.s32 v61, v57;
	v17 =	vadd.f32 v17, v34;
	v12 =	vld [tilespmem:s22+$0xFFFFFE30]  }
0x326: {  	v45 =	vadd.s32 v56, v60;
	v2 =	vadd.s32 v29, v46;
	v6 =	vadd.s32 v9, v23;
	v9 =	vld [tilespmem:s22+$0x80]  }
0x327: {  	v25 =	vmov v61;
	v56 =	vadd.s32 v63, v52;
	v63 =	vadd.s32 v30, v44;
	v11 =	vld [tilespmem:s18+$0xFFFFFFB0];
	[tilespmem:v0+s6+$0x0] =	vst.idx.msk $0xffff, v17  }
0x328: {  	v28 =	vmovc v24;
	v10 =	vadd.s32 v26, v57;
	v14 =	vadd.f32 v13, v34;
	v41 =	vadd.s32 v27, v60;
	v27 =	vld [tilespmem:$0x1FEE0]  }
0x329: {  	s25 =	simm.s32 $0x9;
	v61 =	vadd.s32 v21, v46;
	v13 =	vadd.f32 v16, v35;
	v62 =	vadd.f32 v20, v36;
	v32 =	vmovc v26;
	v26 =	vld [tilespmem:$0x1FE60]  }
0x32a: {  	s12 =	simm.s32 $0x18;
	v3 =	vadd.f32 v15, v35;
	v15 =	vadd.f32 v4, v34;
	v23 =	vmovc v30;
	v30 =	vmovc v21;
	v0 =	vmov s25;
	v24 =	vld [tilespmem:$0x1FE90]  }
.LBB2_11:
0x32b: {  	v16 =	vshrl.u32 v0, $0x3;
	v0 =	vld [tilespmem:$0x1FEF0]  }
0x32c: {  	v19 =	vld [tilespmem:$0x1FF80]  }
0x32d: {  	[tilespmem:v59+s6+$0x0] =	vst.idx.msk $0xffff, v14;
	v14 =	vld [tilespmem:s18+$0xB0]  }
0x32e: {  	[tilespmem:v40+s6+$0x0] =	vst.idx.msk $0xffff, v15;
	v18 =	vld [tilespmem:s18+$0xFFFFFEB0]  }
0x32f: {  	[tilespmem:v10+s6+$0x0] =	vst.idx.msk $0xffff, v13;
	v13 =	vld [tilespmem:$0x1FF90]  }
0x330: {  	s13 =	smov.u32 s12;
	[tilespmem:v2+s6+$0x0] =	vst.idx.msk $0xffff, v3;
	v10 =	vshll.u32 v16, v1;
	v15 =	vld [tilespmem:s18+$0x1B0];
	v2 =	vadd.f32 v8, v33  }
0x331: {  	s18 =	smov.u32 s22;
	s22 =	smov.u32 s19;
	s19 =	sadd.s32 $0x400, s19;
	v3 =	vbroadcast v10, $0x0;
	v10 =	vld [tilespmem:$0x1FF70];
	v12 =	vadd.f32 v12, v33  }
0x332: {  	s8 =	sadd.s32 $0x5, s11;
	s23 =	sadd.s32 $0x4, s13;
	v16 =	vld [tilespmem:s19+$0xFFFFFF00];
	v8 =	vadd.f32 v9, v36;
	[tilespmem:v43+s6+$0x0] =	vst.idx.msk $0xffff, v2  }
0x333: {  	v20 =	vmov s23;
	v9 =	vmov s8;
	v17 =	vadd.s32 v0, v52;
	[tilespmem:v42+s6+$0x0] =	vst.idx.msk $0xffff, v12;
	v21 =	vld [tilespmem:s18+$0xFFFFFF80]  }
0x334: {  	v0 =	vadd.s32 v24, v46;
	v19 =	vadd.s32 v19, v3;
	[tilespmem:v7+s6+$0x0] =	vst.idx.msk $0xffff, v8;
	v8 =	vshrl.u32 v20, $0x3;
	v20 =	vld [tilespmem:$0x1FE10]  }
0x335: {  	v13 =	vadd.s32 v13, v60;
	v12 =	vld [tilespmem:s18+$0xFFFFFE80];
	v7 =	vadd.f32 v18, v33;
	v8 =	vshll.u32 v8, v1  }
0x336: {  	v60 =	vld [tilespmem:s18+$0x90];
	v42 =	vadd.s32 v10, v47;
	v10 =	vadd.f32 v11, v33;
	v11 =	vmov s13  }
0x337: {  	s8 =	sadd.s32 $0x2, s13;
	v46 =	vbroadcast v8, $0x0;
	v8 =	vadd.f32 v14, v33;
	[tilespmem:v5+s6+$0x0] =	vst.idx.msk $0xffff, v7;
	v5 =	vshrl.u32 v11, $0x3;
	v7 =	vld [tilespmem:s22+$0x20]  }
0x338: {  	v2 =	vmov s8;
	[tilespmem:v6+s6+$0x0] =	vst.idx.msk $0xffff, v10;
	v6 =	vadd.f32 v15, v33;
	v10 =	vld [tilespmem:s19+$0x0];
	v5 =	vshll.u32 v5, v1  }
0x339: {  	v2 =	vshrl.u32 v2, $0x3;
	[tilespmem:v37+s6+$0x0] =	vst.idx.msk $0xffff, v8;
	v47 =	vbroadcast v5, $0x0;
	v5 =	vld [tilespmem:$0x1FF30]  }
0x33a: {  	v2 =	vshll.u32 v2, v1;
	v14 =	vadd.f32 v21, v36;
	[tilespmem:v38+s6+$0x0] =	vst.idx.msk $0xffff, v6;
	v6 =	vld [tilespmem:s19+$0xFFFFFE00]  }
0x33b: {  	v43 =	vadd.s32 v31, v44;
	v44 =	vbroadcast v2, $0x0;
	[tilespmem:v51+s6+$0x0] =	vst.idx.msk $0xffff, v58;
	v2 =	vadd.f32 v12, v36;
	v12 =	vld [tilespmem:s22+$0x120]  }
0x33c: {  	v8 =	vld [tilespmem:s22+$0xFFFFFE10];
	[tilespmem:v49+s6+$0x0] =	vst.idx.msk $0xffff, v14  }
0x33d: {  	s25 =	sadd.s32 $0x6, s13;
	[tilespmem:v19+s6+$0x0] =	vst.idx.msk $0xffff, v2;
	v2 =	vadd.f32 v60, v35;
	v60 =	vld [tilespmem:s18+$0xFFFFFF90]  }
0x33e: {  	v37 =	vmov v45;
	v15 =	vmov s25;
	v45 =	vld [tilespmem:s18+$0xFFFFFE90]  }
0x33f: {  	v4 =	vadd.s32 v27, v57;
	v15 =	vshrl.u32 v15, $0x3;
	[tilespmem:v13+s6+$0x0] =	vst.idx.msk $0xffff, v2;
	v2 =	vld [tilespmem:s19+$0x100]  }
0x340: {  	v7 =	vadd.f32 v7, v34;
	v13 =	vshll.u32 v15, v1;
	[tilespmem:v17+s6+$0x0] =	vst.idx.msk $0xffff, v62;
	v17 =	vld [tilespmem:s22+$0xFFFFFF20]  }
0x341: {  	v20 =	vadd.s32 v20, v3;
	v57 =	vbroadcast v13, $0x0;
	v13 =	vld [tilespmem:s18+$0xA0];
	v12 =	vadd.f32 v12, v34  }
0x342: {  	[tilespmem:v61+s6+$0x0] =	vst.idx.msk $0xffff, v7;
	v58 =	vadd.f32 v6, v36;
	v6 =	vld [tilespmem:$0x1FEB0];
	v8 =	vadd.f32 v8, v35  }
0x343: {  	s25 =	sadd.s32 $0x3, s11;
	v7 =	vld [tilespmem:s18+$0x190];
	[tilespmem:v54+s6+$0x0] =	vst.idx.msk $0xffff, v12  }
0x344: {  	v15 =	vmov s25;
	v12 =	vld [tilespmem:$0x1FFB0];
	v18 =	vadd.f32 v45, v35;
	[tilespmem:v55+s6+$0x0] =	vst.idx.msk $0xffff, v8  }
0x345: {  	v11 =	vadd.s32 v26, v46;
	v38 =	vmovc v48;
	v5 =	vadd.s32 v5, v44;
	v15 =	vshrl.u32 v15, $0x3;
	v48 =	vld [tilespmem:s22+$0xFFFFFE20]  }
0x346: {  	v15 =	vshll.u32 v15, v1;
	[tilespmem:v20+s6+$0x0] =	vst.idx.msk $0xffff, v18;
	v18 =	vadd.f32 v13, v34;
	v13 =	vld [tilespmem:$0x1FE50]  }
0x347: {  	v19 =	vadd.f32 v60, v35;
	v8 =	vbroadcast v15, $0x0;
	v15 =	vld [tilespmem:s22+$0x130];
	v6 =	vadd.s32 v6, v57  }
0x348: {  	v16 =	vadd.f32 v16, v36  }
0x349: {  	s23 =	sadd.s32 $0x7, s11;
	v10 =	vadd.f32 v10, v36;
	[tilespmem:v50+s6+$0x0] =	vst.idx.msk $0xffff, v19  }
0x34a: {  	v14 =	vld [tilespmem:$0x1FF00];
	v62 =	vmov s23;
	v45 =	vadd.f32 v2, v36;
	[tilespmem:v5+s6+$0x0] =	vst.idx.msk $0xffff, v16;
	v16 =	vadd.f32 v17, v34  }
0x34b: {  	v21 =	vadd.s32 v12, v39;
	v12 =	vld [tilespmem:s22+$0x30];
	[tilespmem:v11+s6+$0x0] =	vst.idx.msk $0xffff, v10;
	v49 =	vadd.s32 v13, v8;
	v13 =	vshrl.u32 v62, $0x3  }
0x34c: {  	v17 =	vld [tilespmem:$0x1FF40];
	[tilespmem:v6+s6+$0x0] =	vst.idx.msk $0xffff, v45;
	v10 =	vshll.u32 v13, v1;
	v13 =	vadd.f32 v15, v33  }
0x34d: {  	v15 =	vld [tilespmem:s19+$0x110]  }
0x34e: {  	[tilespmem:v4+s6+$0x0] =	vst.idx.msk $0xffff, v13;
	v4 =	vld [tilespmem:$0x1FF10]  }
0x34f: {  	v9 =	vshrl.u32 v9, $0x3;
	v6 =	vld [tilespmem:$0x1FF60]  }
0x350: {  	v9 =	vshll.u32 v9, v1  }
0x351: {  	v14 =	vadd.s32 v14, v52;
	v60 =	vbroadcast v9, $0x0;
	v9 =	vld [tilespmem:s18+$0xFFFFFFA0];
	v52 =	vbroadcast v10, $0x0  }
0x352: {  	v55 =	vadd.s32 v17, v47;
	v17 =	vld [tilespmem:s19+$0xFFFFFF10]  }
0x353: {  	v40 =	vmov v56;
	v56 =	vadd.s32 v4, v52;
	v4 =	vld [tilespmem:$0x1FF20]  }
0x354: {  	v45 =	vadd.s32 v6, v60;
	v6 =	vld [tilespmem:$0x1FFF0];
	_ =	sdelay $0x2  }
0x355: {  	v7 =	vadd.f32 v7, v35;
	v10 =	vadd.f32 v48, v34  }
0x356: {  	v48 =	vadd.s32 v4, v52;
	v4 =	vadd.f32 v9, v34;
	v9 =	vadd.f32 v17, v35;
	v17 =	vld [tilespmem:s22+$0x180]  }
0x357: {  	[tilespmem:v14+s6+$0x0] =	vst.idx.msk $0xffff, v7;
	v7 =	vadd.s32 v6, v60;
	v6 =	vld [tilespmem:$0x1FFC0];
	_ =	sdelay $0x2  }
0x358: {  	v5 =	vld [tilespmem:$0x1FEA0]  }
0x359: {  	v59 =	vld [tilespmem:$0x1FFA0]  }
0x35a: {  	v19 =	vadd.s32 v6, v60;
	v6 =	vld [tilespmem:$0x1FE00]  }
0x35b: {  	v20 =	vld [tilespmem:s18+$0xFFFFFEA0];
	[tilespmem:v63+s6+$0x0] =	vst.idx.msk $0xffff, v16;
	v16 =	vadd.f32 v12, v33  }
0x35c: {  	v11 =	vld [tilespmem:s19+$0x10]  }
0x35d: {  	v5 =	vadd.s32 v5, v44;
	[tilespmem:v0+s6+$0x0] =	vst.idx.msk $0xffff, v16;
	v0 =	vld [tilespmem:$0x1FE20]  }
0x35e: {  	v51 =	vadd.s32 v22, v47;
	v22 =	vld [tilespmem:s18+$0x1A0]  }
0x35f: {  	v6 =	vadd.s32 v6, v39;
	v39 =	vmov v8;
	v8 =	vld [tilespmem:$0x1FFE0]  }
0x360: {  	p1 =	slt.u32 s12, $0x78;
	v59 =	vadd.s32 v59, v3;
	v61 =	vadd.s32 v30, v46;
	[tilespmem:v53+s6+$0x0] =	vst.idx.msk $0xffff, v10  }
.Ltmp6:
0x361: {  	v54 =	vadd.s32 v25, v57;
	v2 =	vadd.s32 v29, v46;
	v63 =	vadd.s32 v23, v44;
	v12 =	vld [tilespmem:s22+$0xFFFFFE30];
	(pc) =	sbr.rel @p1 .LBB2_11-.Ltmp6, $4  }
0x362: {  	v53 =	vadd.s32 v28, v47;
	v13 =	vadd.f32 v15, v35;
	[tilespmem:v5+s6+$0x0] =	vst.idx.msk $0xffff, v9;
	v9 =	vld [tilespmem:s22+$0x80]  }
0x363: {  	v10 =	vadd.s32 v32, v57;
	v14 =	vadd.f32 v20, v34;
	v15 =	vadd.f32 v22, v34;
	v22 =	vld [tilespmem:$0x1FFD0]  }
0x364: {  	s25 =	sadd.s32 $0x1, s11;
	v5 =	vadd.s32 v0, v3;
	v50 =	vadd.s32 v8, v39;
	v8 =	vld [tilespmem:s22+$0xFFFFFF30];
	[tilespmem:v21+s6+$0x0] =	vst.idx.msk $0xffff, v4  }
0x365: {  	s12 =	sadd.s32 $0x8, s12;
	s11 =	smov.u32 s13;
	v3 =	vadd.f32 v11, v35;
	v0 =	vmov s25;
	[tilespmem:v41+s6+$0x0] =	vst.idx.msk $0xffff, v18;
	v62 =	vadd.f32 v17, v36;
	v41 =	vmovc v19;
	v11 =	vld [tilespmem:s18+$0xFFFFFFB0]  }
0x366: {  	_ =	sdelay $0x3  }
0x367: {  	[tilespmem:v51+s6+$0x0] =	vst.idx.msk $0xffff, v58  }
0x368: {  	v4 =	vld [tilespmem:s19+$0xFFFFFE10];
	_ =	sdelay $0x2  }
0x369: {  	[tilespmem:v10+s6+$0x0] =	vst.idx.msk $0xffff, v13  }
0x36a: {  	v32 =	vadd.f32 v12, v33;
	[tilespmem:v2+s6+$0x0] =	vst.idx.msk $0xffff, v3;
	v3 =	vld [tilespmem:s19+$0x120]  }
0x36b: {  	[tilespmem:v59+s6+$0x0] =	vst.idx.msk $0xffff, v14;
	v51 =	vld [tilespmem:s19+$0x20];
	v4 =	vadd.f32 v4, v35  }
0x36c: {  	[tilespmem:v42+s6+$0x0] =	vst.idx.msk $0xffff, v32  }
0x36d: {  	v26 =	vld [tilespmem:s19+$0xFFFFFF20];
	v42 =	vadd.f32 v9, v36;
	[tilespmem:v55+s6+$0x0] =	vst.idx.msk $0xffff, v4  }
0x36e: {  	[tilespmem:v40+s6+$0x0] =	vst.idx.msk $0xffff, v15;
	v2 =	vadd.f32 v8, v33;
	v40 =	vld [tilespmem:s19+$0xFFFFFE20]  }
0x36f: {  	[tilespmem:v7+s6+$0x0] =	vst.idx.msk $0xffff, v42;
	v3 =	vadd.f32 v3, v34  }
0x370: {  	[tilespmem:v43+s6+$0x0] =	vst.idx.msk $0xffff, v2;
	v2 =	vld [tilespmem:s18+$0xFFFFFEB0];
	v9 =	vadd.f32 v51, v34  }
0x371: {  	v55 =	vadd.f32 v11, v33;
	[tilespmem:v54+s6+$0x0] =	vst.idx.msk $0xffff, v3  }
0x372: {  	v58 =	vld [tilespmem:s18+$0x1B0];
	v4 =	vadd.f32 v26, v34;
	[tilespmem:v61+s6+$0x0] =	vst.idx.msk $0xffff, v9  }
0x373: {  	v51 =	vld [tilespmem:s19+$0x130];
	[tilespmem:v6+s6+$0x0] =	vst.idx.msk $0xffff, v55;
	v19 =	vadd.f32 v40, v34  }
0x374: {  	[tilespmem:v63+s6+$0x0] =	vst.idx.msk $0xffff, v4;
	v18 =	vld [tilespmem:s19+$0x30]  }
0x375: {  	v2 =	vadd.f32 v2, v33;
	v40 =	vld [tilespmem:s19+$0xFFFFFF30];
	[tilespmem:v53+s6+$0x0] =	vst.idx.msk $0xffff, v19  }
0x376: {  	v19 =	vld [tilespmem:$0x1FF70]  }
0x377: {  	v20 =	vld [tilespmem:$0x1FEF0];
	[tilespmem:v5+s6+$0x0] =	vst.idx.msk $0xffff, v2  }
0x378: {  	v43 =	vadd.s32 v27, v57;
	v21 =	vld [tilespmem:$0x1FF80]  }
0x379: {  	v0 =	vshrl.u32 v0, $0x3;
	v16 =	vadd.s32 v24, v46;
	v3 =	vld [tilespmem:s19+$0xFFFFFE30]  }
0x37a: {  	v44 =	vadd.s32 v31, v44;
	v0 =	vshll.u32 v0, v1;
	v26 =	vld [tilespmem:s22+$0xFFFFFF80];
	v54 =	vadd.f32 v58, v33  }
0x37b: {  	v0 =	vbroadcast v0, $0x0;
	v59 =	vld [tilespmem:s22+$0xFFFFFE80];
	v9 =	vadd.f32 v51, v33;
	v17 =	vadd.s32 v19, v47  }
0x37c: {  	v61 =	vadd.f32 v18, v33;
	[tilespmem:v38+s6+$0x0] =	vst.idx.msk $0xffff, v54  }
0x37d: {  	[tilespmem:v43+s6+$0x0] =	vst.idx.msk $0xffff, v9;
	v8 =	vadd.f32 v40, v33;
	v2 =	vadd.s32 v21, v0  }
0x37e: {  	[tilespmem:v16+s6+$0x0] =	vst.idx.msk $0xffff, v61;
	v53 =	vadd.s32 v20, v52;
	v3 =	vadd.f32 v3, v33  }
0x37f: {  	v4 =	vadd.f32 v26, v36;
	[tilespmem:v44+s6+$0x0] =	vst.idx.msk $0xffff, v8  }
0x380: {  	s12 =	sadd.s32 $0x1, s11;
	v57 =	vld [tilespmem:s18+$0xB0];
	v6 =	vadd.f32 v59, v36;
	[tilespmem:v17+s6+$0x0] =	vst.idx.msk $0xffff, v3  }
0x381: {  	s8 =	sadd.s32 $0x5, s11;
	s25 =	sadd.s32 $0x3, s11;
	v42 =	vmov s12;
	v8 =	vld [tilespmem:$0x1FE50];
	[tilespmem:v49+s6+$0x0] =	vst.idx.msk $0xffff, v4  }
0x382: {  	s13 =	sadd.s32 $0x7, s11;
	v25 =	vmov s8;
	v32 =	vmov s25;
	v59 =	vshrl.u32 v42, $0x3;
	v17 =	vld [tilespmem:$0x1FE10];
	[tilespmem:v2+s6+$0x0] =	vst.idx.msk $0xffff, v6  }
0x383: {  	v58 =	vmov s13;
	v55 =	vshrl.u32 v32, $0x3;
	v11 =	vshll.u32 v59, v1;
	v24 =	vld [tilespmem:s19+$0xFFFFFE80];
	[tilespmem:v53+s6+$0x0] =	vst.idx.msk $0xffff, v62  }
0x384: {  	v7 =	vshll.u32 v55, v1;
	v10 =	vbroadcast v11, $0x0;
	v3 =	vshrl.u32 v58, $0x3;
	v16 =	vld [tilespmem:$0x1FFF0]  }
0x385: {  	v18 =	vshrl.u32 v25, $0x3;
	v5 =	vbroadcast v7, $0x0;
	v63 =	vld [tilespmem:s19+$0xFFFFFF80];
	v3 =	vshll.u32 v3, v1  }
0x386: {  	v9 =	vshll.u32 v18, v1;
	v13 =	vld [tilespmem:s19+$0x180];
	v26 =	vadd.s32 v21, v10;
	v3 =	vbroadcast v3, $0x0  }
0x387: {  	v25 =	vld [tilespmem:s19+$0x80];
	v4 =	vbroadcast v9, $0x0;
	v8 =	vadd.s32 v8, v5  }
0x388: {  	v7 =	vadd.f32 v57, v33;
	v27 =	vadd.s32 v20, v3  }
0x389: {  	v11 =	vadd.f32 v24, v36;
	v44 =	vmov v16;
	v16 =	vadd.s32 v16, v4  }
0x38a: {  	v12 =	vadd.f32 v63, v36;
	[tilespmem:v37+s6+$0x0] =	vst.idx.msk $0xffff, v7  }
0x38b: {  	v13 =	vadd.f32 v13, v36;
	v2 =	vld [tilespmem:s22+$0xFFFFFF90];
	[tilespmem:v26+s6+$0x0] =	vst.idx.msk $0xffff, v11  }
0x38c: {  	v9 =	vadd.f32 v25, v36;
	v32 =	vld [tilespmem:s22+$0xFFFFFE90];
	[tilespmem:v8+s6+$0x0] =	vst.idx.msk $0xffff, v12  }
0x38d: {  	v42 =	vld [tilespmem:$0x1FF00];
	[tilespmem:v27+s6+$0x0] =	vst.idx.msk $0xffff, v13  }
0x38e: {  	v58 =	vld [tilespmem:$0x1FF90];
	[tilespmem:v16+s6+$0x0] =	vst.idx.msk $0xffff, v9  }
0x38f: {  	v46 =	vmov v21;
	v21 =	vld [tilespmem:$0x1FFE0]  }
0x390: {  	v37 =	vld [tilespmem:s22+$0x190]  }
0x391: {  	v38 =	vld [tilespmem:s22+$0x90];
	v40 =	vadd.s32 v17, v0  }
0x392: {  	v47 =	vld [tilespmem:s19+$0xFFFFFF90];
	v43 =	vadd.s32 v42, v52  }
0x393: {  	v2 =	vadd.f32 v2, v35;
	v49 =	vadd.s32 v58, v60  }
0x394: {  	v15 =	vadd.f32 v32, v35;
	v52 =	vadd.s32 v21, v5  }
0x395: {  	[tilespmem:v50+s6+$0x0] =	vst.idx.msk $0xffff, v2;
	v2 =	vadd.f32 v37, v35  }
0x396: {  	v8 =	vadd.f32 v38, v35;
	[tilespmem:v40+s6+$0x0] =	vst.idx.msk $0xffff, v15  }
0x397: {  	v51 =	vld [tilespmem:s19+$0xFFFFFE90];
	v14 =	vadd.f32 v47, v35;
	[tilespmem:v43+s6+$0x0] =	vst.idx.msk $0xffff, v2  }
0x398: {  	v53 =	vld [tilespmem:s19+$0x190];
	[tilespmem:v49+s6+$0x0] =	vst.idx.msk $0xffff, v8  }
0x399: {  	v24 =	vld [tilespmem:$0x1FFB0];
	[tilespmem:v52+s6+$0x0] =	vst.idx.msk $0xffff, v14  }
0x39a: {  	v62 =	vld [tilespmem:$0x1FFA0]  }
0x39b: {  	v17 =	vadd.s32 v17, v10;
	v54 =	vld [tilespmem:s19+$0x90]  }
0x39c: {  	v55 =	vld [tilespmem:s22+$0xFFFFFFA0];
	v57 =	vadd.s32 v42, v3  }
0x39d: {  	v59 =	vadd.s32 v58, v4;
	v2 =	vld [tilespmem:s22+$0xFFFFFEA0]  }
0x39e: {  	v13 =	vadd.f32 v51, v35;
	v26 =	vld [tilespmem:s22+$0x1A0];
	v25 =	vadd.s32 v24, v39  }
0x39f: {  	v16 =	vadd.f32 v53, v35;
	v32 =	vld [tilespmem:s22+$0xA0];
	v27 =	vadd.s32 v62, v0  }
0x3a0: {  	v7 =	vadd.f32 v54, v35;
	[tilespmem:v17+s6+$0x0] =	vst.idx.msk $0xffff, v13;
	v35 =	vld [tilespmem:s19+$0xFFFFFFA0]  }
0x3a1: {  	v12 =	vadd.f32 v55, v34;
	[tilespmem:v57+s6+$0x0] =	vst.idx.msk $0xffff, v16  }
0x3a2: {  	[tilespmem:v59+s6+$0x0] =	vst.idx.msk $0xffff, v7;
	v2 =	vadd.f32 v2, v34;
	v37 =	vadd.s32 v24, v5  }
0x3a3: {  	v36 =	vld [tilespmem:s19+$0xFFFFFEA0];
	v40 =	vadd.f32 v26, v34;
	[tilespmem:v25+s6+$0x0] =	vst.idx.msk $0xffff, v12  }
0x3a4: {  	v38 =	vld [tilespmem:s19+$0x1A0];
	v14 =	vadd.f32 v32, v34;
	[tilespmem:v27+s6+$0x0] =	vst.idx.msk $0xffff, v2  }
0x3a5: {  	v13 =	vadd.f32 v35, v34;
	v2 =	vld [tilespmem:$0x1FF10];
	[tilespmem:v56+s6+$0x0] =	vst.idx.msk $0xffff, v40  }
0x3a6: {  	v30 =	vld [tilespmem:$0x1FFC0];
	[tilespmem:v41+s6+$0x0] =	vst.idx.msk $0xffff, v14  }
0x3a7: {  	v20 =	vld [tilespmem:$0x1FE00];
	[tilespmem:v37+s6+$0x0] =	vst.idx.msk $0xffff, v13  }
0x3a8: {  	v13 =	vld [tilespmem:$0x1FE20]  }
0x3a9: {  	v43 =	vld [tilespmem:s19+$0xA0];
	v42 =	vadd.s32 v62, v10  }
0x3aa: {  	v47 =	vld [tilespmem:s22+$0xFFFFFFB0];
	v2 =	vadd.s32 v2, v3  }
0x3ab: {  	v50 =	vld [tilespmem:s22+$0xFFFFFEB0];
	v49 =	vadd.s32 v30, v4  }
0x3ac: {  	v15 =	vadd.f32 v36, v34;
	v52 =	vld [tilespmem:s22+$0x1B0];
	v51 =	vadd.s32 v20, v39  }
0x3ad: {  	v11 =	vadd.f32 v38, v34;
	v0 =	vadd.s32 v13, v0  }
0x3ae: {  	v54 =	vadd.f32 v43, v34;
	[tilespmem:v42+s6+$0x0] =	vst.idx.msk $0xffff, v15  }
0x3af: {  	[tilespmem:v2+s6+$0x0] =	vst.idx.msk $0xffff, v11;
	v2 =	vadd.f32 v47, v33  }
0x3b0: {  	v57 =	vadd.f32 v50, v33;
	[tilespmem:v49+s6+$0x0] =	vst.idx.msk $0xffff, v54  }
0x3b1: {  	v53 =	vld [tilespmem:s22+$0xB0];
	[tilespmem:v51+s6+$0x0] =	vst.idx.msk $0xffff, v2;
	v2 =	vadd.f32 v52, v33  }
0x3b2: {  	v55 =	vld [tilespmem:s19+$0xFFFFFFB0];
	[tilespmem:v0+s6+$0x0] =	vst.idx.msk $0xffff, v57  }
0x3b3: {  	v0 =	vld [tilespmem:$0x1FF20];
	[tilespmem:v48+s6+$0x0] =	vst.idx.msk $0xffff, v2  }
0x3b4: {  	v31 =	vld [tilespmem:$0x1FF60]  }
0x3b5: {  	v56 =	vld [tilespmem:s19+$0xFFFFFEB0]  }
0x3b6: {  	v5 =	vadd.s32 v20, v5;
	v59 =	vld [tilespmem:s19+$0x1B0]  }
0x3b7: {  	v10 =	vadd.s32 v13, v10;
	v60 =	vld [tilespmem:s19+$0xB0]  }
0x3b8: {  	v0 =	vadd.s32 v0, v3;
	v3 =	vadd.f32 v53, v33  }
0x3b9: {  	v61 =	vadd.f32 v55, v33;
	v2 =	vadd.s32 v31, v4  }
0x3ba: {  	[tilespmem:v45+s6+$0x0] =	vst.idx.msk $0xffff, v3;
	v3 =	vadd.f32 v56, v33  }
0x3bb: {  	s19 =	sshll.u32 s24, $0x12;
	[tilespmem:v5+s6+$0x0] =	vst.idx.msk $0xffff, v61;
	v63 =	vadd.f32 v59, v33  }
0x3bc: {  	s8 =	sor.u32 s14, s19;
	[tilespmem:v10+s6+$0x0] =	vst.idx.msk $0xffff, v3;
	v3 =	vadd.f32 v60, v33  }
0x3bd: {  	s8 =	sshrl.u32 s8, $0x3;
	[tilespmem:v0+s6+$0x0] =	vst.idx.msk $0xffff, v63  }
0x3be: {  	s22 =	simm.s32 $0x17800;
	s8 =	sadd.s32 s2, s8;
	[tilespmem:v2+s6+$0x0] =	vst.idx.msk $0xffff, v3  }
0x3bf: {  	[hbm4b:s8+s3] =	stream.linear.scatter [tilespmem:s22], [sflag:$0xB], $0x80, $0x38;
	[tilespmem:$0x1BC00] =	vst v63  }
0x3c0: {  	s23 =	simm.s32 $0x17888;
	s12 =	sadd.s32 $0x10, s8  }
0x3c1: {  	[hbm4b:s12+s3] =	stream.linear.scatter [tilespmem:s23], [sflag:$0xB], $0x80, $0x38;
	[tilespmem:$0x1BC00] =	vst v63  }
0x3c2: {  	s11 =	simm.s32 $0x440;
	s24 =	simm.s32 $0x17910;
	s25 =	sadd.s32 $0x20, s8  }
0x3c3: {  	[hbm4b:s25+s3] =	stream.linear.scatter [tilespmem:s24], [sflag:$0xB], $0x80, $0x38;
	[tilespmem:$0x1BC00] =	vst v63  }
0x3c4: {  	s18 =	simm.s32 $0x17A20;
	s13 =	sadd.s32 $0x30, s8;
	s12 =	simm.s32 $0x17998  }
0x3c5: {  	[hbm4b:s13+s3] =	stream.linear.scatter [tilespmem:s12], [sflag:$0xB], $0x80, $0x38;
	[tilespmem:$0x1BC00] =	vst v63  }
0x3c6: {  	s19 =	sadd.s32 $0x40, s8;
	s22 =	simm.s32 $0x17AA8;
	s23 =	sadd.s32 $0x50, s8  }
0x3c7: {  	[hbm4b:s19+s3] =	stream.linear.scatter [tilespmem:s18], [sflag:$0xB], $0x80, $0x38;
	[tilespmem:$0x1BC00] =	vst v63  }
0x3c8: {  	s24 =	simm.s32 $0x17B30;
	s25 =	sadd.s32 $0x60, s8;
	s13 =	simm.s32 $0x2200  }
0x3c9: {  	[hbm4b:s23+s3] =	stream.linear.scatter [tilespmem:s22], [sflag:$0xB], $0x80, $0x38;
	[tilespmem:$0x1BC00] =	vst v63  }
0x3ca: {  	s12 =	sadd.s32 $0x1000, s8;
	s18 =	simm.s32 $0x17BB8;
	s19 =	sadd.s32 $0x70, s8  }
0x3cb: {  	v37 =	vmov v19;
	v45 =	vmov v21;
	[hbm4b:s25+s3] =	stream.linear.scatter [tilespmem:s24], [sflag:$0xB], $0x80, $0x38;
	[tilespmem:$0x1BC00] =	vst v63  }
.LBB2_13:
0x3cc: {  	[hbm4b:s19+s3] =	stream.linear.scatter [tilespmem:s18], [sflag:$0xB], $0x80, $0x38;
	[tilespmem:$0x1BC00] =	vst v63  }
0x3cd: {  	s8 =	smov.u32 s11;
	s11 =	smov.u32 s13  }
0x3ce: {  	s22 =	sadd.s32 $0x1100, s13;
	s11 =	sshra.s32 s11, $0x2;
	s18 =	sadd.s32 $0x17800, s8  }
0x3cf: {  	[hbm4b:s12+s3] =	stream.linear.scatter [tilespmem:s18], [sflag:$0xB], $0x80, $0x38;
	[tilespmem:$0x1BC00] =	vst v63  }
0x3d0: {  	p1 =	sne.s32 s13, $0x7700;
	s13 =	sadd.s32 $0x17888, s8;
	s18 =	sadd.s32 $0x10, s12  }
0x3d1: {  	[hbm4b:s18+s3] =	stream.linear.scatter [tilespmem:s13], [sflag:$0xB], $0x80, $0x38;
	[tilespmem:$0x1BC00] =	vst v63  }
0x3d2: {  	s13 =	sadd.s32 $0x17910, s8;
	s18 =	sadd.s32 $0x20, s12  }
0x3d3: {  	[hbm4b:s18+s3] =	stream.linear.scatter [tilespmem:s13], [sflag:$0xB], $0x80, $0x38;
	[tilespmem:$0x1BC00] =	vst v63  }
0x3d4: {  	s13 =	sadd.s32 $0x17998, s8;
	s18 =	sadd.s32 $0x30, s12  }
0x3d5: {  	[hbm4b:s18+s3] =	stream.linear.scatter [tilespmem:s13], [sflag:$0xB], $0x80, $0x38;
	[tilespmem:$0x1BC00] =	vst v63  }
0x3d6: {  	s13 =	sadd.s32 $0x17A20, s8;
	s18 =	sadd.s32 $0x40, s12  }
0x3d7: {  	[hbm4b:s18+s3] =	stream.linear.scatter [tilespmem:s13], [sflag:$0xB], $0x80, $0x38;
	[tilespmem:$0x1BC00] =	vst v63  }
.Ltmp7:
0x3d8: {  	s13 =	sadd.s32 $0x17AA8, s8;
	s18 =	sadd.s32 $0x50, s12;
	(pc) =	sbr.rel @p1 .LBB2_13-.Ltmp7, $4  }
0x3d9: {  	[hbm4b:s18+s3] =	stream.linear.scatter [tilespmem:s13], [sflag:$0xB], $0x80, $0x38;
	[tilespmem:$0x1BC00] =	vst v63  }
0x3da: {  	s19 =	sadd.s32 $0x70, s12;
	s13 =	sadd.s32 $0x17B30, s8;
	s18 =	sadd.s32 $0x60, s12  }
0x3db: {  	[hbm4b:s18+s3] =	stream.linear.scatter [tilespmem:s13], [sflag:$0xB], $0x80, $0x38;
	[tilespmem:$0x1BC00] =	vst v63  }
0x3dc: {  	s12 =	sadd.s32 $0x1000, s12;
	s18 =	sadd.s32 $0x17BB8, s8;
	s13 =	smov.u32 s22  }
0x3dd: {  	[hbm4b:s19+s3] =	stream.linear.scatter [tilespmem:s18], [sflag:$0xB], $0x80, $0x38;
	[tilespmem:$0x1BC00] =	vst v63  }
0x3de: {  	s8 =	sadd.s32 $0x17800, s11  }
0x3df: {  	[hbm4b:s12+s3] =	stream.linear.scatter [tilespmem:s8], [sflag:$0xB], $0x80, $0x38;
	[tilespmem:$0x1BC00] =	vst v63  }
0x3e0: {  	s25 =	sadd.s32 $0x17888, s11;
	s13 =	sadd.s32 $0x10, s12  }
0x3e1: {  	[hbm4b:s13+s3] =	stream.linear.scatter [tilespmem:s25], [sflag:$0xB], $0x80, $0x38;
	[tilespmem:$0x1BC00] =	vst v63  }
0x3e2: {  	s18 =	sadd.s32 $0x17910, s11;
	s19 =	sadd.s32 $0x20, s12  }
0x3e3: {  	[hbm4b:s19+s3] =	stream.linear.scatter [tilespmem:s18], [sflag:$0xB], $0x80, $0x38;
	[tilespmem:$0x1BC00] =	vst v63  }
0x3e4: {  	s22 =	sadd.s32 $0x17998, s11;
	s23 =	sadd.s32 $0x30, s12  }
0x3e5: {  	[hbm4b:s23+s3] =	stream.linear.scatter [tilespmem:s22], [sflag:$0xB], $0x80, $0x38;
	[tilespmem:$0x1BC00] =	vst v63  }
0x3e6: {  	s24 =	sadd.s32 $0x17A20, s11;
	s25 =	sadd.s32 $0x40, s12  }
0x3e7: {  	[hbm4b:s25+s3] =	stream.linear.scatter [tilespmem:s24], [sflag:$0xB], $0x80, $0x38;
	[tilespmem:$0x1BC00] =	vst v63  }
0x3e8: {  	s18 =	sadd.s32 $0x17AA8, s11;
	s19 =	sadd.s32 $0x50, s12  }
0x3e9: {  	[hbm4b:s19+s3] =	stream.linear.scatter [tilespmem:s18], [sflag:$0xB], $0x80, $0x38;
	[tilespmem:$0x1BC00] =	vst v63  }
0x3ea: {  	s22 =	sadd.s32 $0x17B30, s11;
	s23 =	sadd.s32 $0x60, s12  }
0x3eb: {  	[hbm4b:s23+s3] =	stream.linear.scatter [tilespmem:s22], [sflag:$0xB], $0x80, $0x38;
	[tilespmem:$0x1BC00] =	vst v63  }
0x3ec: {  	s8 =	simm.s32 @!p0 $0x9;
	s24 =	sadd.s32 $0x17BB8, s11;
	s25 =	sadd.s32 $0x70, s12  }
0x3ed: {  	[hbm4b:s25+s3] =	stream.linear.scatter [tilespmem:s24], [sflag:$0xB], $0x80, $0x38;
	[tilespmem:$0x1BC00] =	vst v63  }
0x3ee: {  	_ =	swait.ge @!p0 [sflag:s8], $0x2000  }
0x3ef: {  	[sflag:s8] =	ssyncset.done @!p0 $0x0  }
0x3f0: {  	[sflag:s8] =	ssyncadd.s32 @!p0 $0xFFFFE000;
	s8 =	simm.s32 @!p0 $0x1  }
0x3f1: {  	_ =	swait.ge @!p0 [sflag:s8], $0x80  }
0x3f2: {  	s11 =	simm.s32 @!p0 $0x3200;
	[sflag:s8] =	ssyncset.done @!p0 $0x0  }
0x3f3: {  	s12 =	simm.s32 @!p0 $0x3400;
	[sflag:s8] =	ssyncadd.s32 @!p0 $0xFFFFFF80;
	s8 =	simm.s32 @!p0 $0x80  }
0x3f4: {  	[tilespmem:s12], [sflag:$0x5] =	stream.indirect.gather @!p0 [hbm4b:s5+s8], $0x80, s11, s8, $0xb8;
	[tilespmem:$0x1BC00] =	vst v63  }
0x3f5: {  	s8 =	rddreg [dreg:$0xa]  }
0x3f6: {  	s8 =	sadd.s32 @!p0 s8, s15  }
0x3f7: {  	s8 =	sshrl.u32 @!p0 s8, $0x3  }
0x3f8: {  	s11 =	simm.s32 @!p0 $0x0;
	s12 =	simm.s32 @!p0 $0x3300;
	s8 =	sadd.s32 @!p0 s4, s8  }
0x3f9: {  	[tilespmem:s12], [sflag:$0x3] =	stream.linear.gather @!p0 [hbm4b:s8+s11], $0x80, $0x38;
	[tilespmem:$0x1BC00] =	vst v63  }
0x3fa: {  	_ =	swait.ge [sflag:s9], $0x4000  }
0x3fb: {  	s11 =	simm.s32 $0x2;
	v29 =	vld [tilespmem:$0x1FF30]  }
0x3fc: {  	s13 =	simm.s32 $0x6;
	s12 =	sshll.u32 s20, $0x6;
	v0 =	vmov s11;
	[sflag:s9] =	ssyncset.done $0x0;
	v60 =	vld [tilespmem:$0x1FEB0]  }
0x3fd: {  	v2 =	vmov s13;
	s19 =	simm.s32 $0x4;
	s15 =	sand.u32 $0x3FFFFFC0, s12;
	v0 =	vshrl.u32 v0, $0x3;
	v23 =	vld [tilespmem:$0x1FE60];
	[sflag:s9] =	ssyncadd.s32 $0xFFFFC000  }
0x3fe: {  	v2 =	vshrl.u32 v2, $0x3;
	s18 =	simm.s32 $0xF600;
	v3 =	vmov s19;
	v0 =	vshll.u32 v0, v1;
	v36 =	vld [tilespmem:s15+$0x0]  }
0x3ff: {  	v2 =	vshll.u32 v2, v1;
	v3 =	vshrl.u32 v3, $0x3;
	v4 =	vld [tilespmem:s18+$0xFFFFFF00];
	v0 =	vbroadcast v0, $0x0  }
0x400: {  	v2 =	vbroadcast v2, $0x0;
	v3 =	vshll.u32 v3, v1;
	v5 =	vld [tilespmem:s18+$0x100]  }
0x401: {  	v3 =	vbroadcast v3, $0x0;
	v6 =	vld [tilespmem:s18+$0x0];
	v7 =	vadd.s32 v29, v0  }
0x402: {  	v8 =	vadd.s32 v60, v2  }
0x403: {  	v35 =	vld [tilespmem:s15+$0x10];
	v9 =	vadd.s32 v23, v3  }
0x404: {  	v34 =	vld [tilespmem:s15+$0x20];
	v4 =	vadd.f32 v4, v36  }
0x405: {  	v33 =	vld [tilespmem:s15+$0x30];
	v5 =	vadd.f32 v5, v36  }
0x406: {  	v11 =	vld [tilespmem:s18+$0xFFFFFE00];
	v6 =	vadd.f32 v6, v36;
	[tilespmem:v7+s10+$0x0] =	vst.idx.msk $0xffff, v4  }
0x407: {  	[tilespmem:v8+s10+$0x0] =	vst.idx.msk $0xffff, v5;
	v7 =	vld [tilespmem:s18+$0xFFFFFF10]  }
0x408: {  	s22 =	simm.s32 $0x0;
	[tilespmem:v9+s10+$0x0] =	vst.idx.msk $0xffff, v6;
	v5 =	vld [tilespmem:s18+$0x110]  }
0x409: {  	v10 =	vmov s22;
	v6 =	vld [tilespmem:s18+$0x10]  }
0x40a: {  	v4 =	vshrl.u32 v10, $0x3;
	v48 =	vld [tilespmem:$0x1FEC0]  }
0x40b: {  	v4 =	vshll.u32 v4, v1;
	v27 =	vld [tilespmem:$0x1FE70]  }
0x40c: {  	v32 =	vld [tilespmem:$0x1FEA0];
	v4 =	vbroadcast v4, $0x0  }
0x40d: {  	v25 =	vld [tilespmem:$0x1FF40]  }
0x40e: {  	v28 =	vld [tilespmem:$0x1FED0];
	v9 =	vadd.s32 v22, v4  }
0x40f: {  	v50 =	vld [tilespmem:$0x1FE80];
	v8 =	vadd.s32 v48, v2  }
0x410: {  	v10 =	vadd.f32 v11, v36;
	v47 =	vld [tilespmem:$0x1FF50];
	v11 =	vadd.s32 v27, v3  }
0x411: {  	v63 =	vld [tilespmem:$0x1FE30]  }
0x412: {  	v51 =	vld [tilespmem:$0x1FEE0];
	v5 =	vadd.f32 v5, v35  }
0x413: {  	v24 =	vld [tilespmem:$0x1FE90];
	v6 =	vadd.f32 v6, v35;
	[tilespmem:v9+s10+$0x0] =	vst.idx.msk $0xffff, v10  }
0x414: {  	[tilespmem:v8+s10+$0x0] =	vst.idx.msk $0xffff, v5  }
0x415: {  	[tilespmem:v11+s10+$0x0] =	vst.idx.msk $0xffff, v6  }
0x416: {  	s12 =	simm.s32 $0xA;
	v59 =	vld [tilespmem:$0x1FE40]  }
0x417: {  	s25 =	simm.s32 $0x8;
	v19 =	vmov s12;
	v12 =	vadd.s32 v32, v0;
	v13 =	vadd.s32 v25, v4  }
0x418: {  	v14 =	vadd.s32 v28, v2;
	v7 =	vadd.f32 v7, v35;
	v10 =	vmov s25;
	v9 =	vld [tilespmem:s18+$0x120]  }
0x419: {  	s23 =	simm.s32 $0xC;
	s15 =	simm.s32 $0xFA00;
	v15 =	vadd.s32 v50, v3;
	v17 =	vadd.s32 v63, v0;
	v20 =	vld [tilespmem:s18+$0xFFFFFE10];
	v10 =	vshrl.u32 v10, $0x3  }
0x41a: {  	v8 =	vmov s23;
	v6 =	vshrl.u32 v19, $0x3;
	v11 =	vld [tilespmem:s15+$0x0];
	v10 =	vshll.u32 v10, v1  }
0x41b: {  	s13 =	simm.s32 $0xE;
	v8 =	vshrl.u32 v8, $0x3;
	v19 =	vadd.s32 v59, v0;
	v0 =	vshll.u32 v6, v1;
	v6 =	vld [tilespmem:s18+$0x20]  }
0x41c: {  	v55 =	vmovc v22;
	v5 =	vld [tilespmem:s15+$0xFFFFFF00];
	v8 =	vshll.u32 v8, v1;
	v22 =	vbroadcast v0, $0x0;
	v0 =	vmov s13  }
0x41d: {  	[tilespmem:v12+s10+$0x0] =	vst.idx.msk $0xffff, v7;
	v8 =	vbroadcast v8, $0x0;
	v9 =	vadd.f32 v9, v34;
	v0 =	vshrl.u32 v0, $0x3  }
0x41e: {  	v38 =	vld [tilespmem:s18+$0xFFFFFF20];
	v20 =	vadd.f32 v20, v35;
	v12 =	vadd.s32 v29, v22;
	v0 =	vshll.u32 v0, v1  }
0x41f: {  	v7 =	vbroadcast v10, $0x0;
	v10 =	vld [tilespmem:s15+$0x100];
	v49 =	vadd.s32 v23, v8;
	[tilespmem:v14+s10+$0x0] =	vst.idx.msk $0xffff, v9;
	v41 =	vbroadcast v0, $0x0  }
0x420: {  	[tilespmem:v13+s10+$0x0] =	vst.idx.msk $0xffff, v20;
	v0 =	vadd.f32 v6, v34;
	v6 =	vadd.f32 v11, v36;
	v11 =	vld [tilespmem:s18+$0x130]  }
0x421: {  	s19 =	simm.s32 $0x3;
	v5 =	vadd.f32 v5, v36;
	v14 =	vld [tilespmem:s18+$0xFFFFFE20];
	v13 =	vadd.s32 v60, v41  }
0x422: {  	v40 =	vmov s19;
	v2 =	vadd.s32 v51, v2;
	[tilespmem:v15+s10+$0x0] =	vst.idx.msk $0xffff, v0  }
0x423: {  	v21 =	vld [tilespmem:s15+$0xFFFFFE00];
	v16 =	vadd.s32 v47, v4;
	v9 =	vshrl.u32 v40, $0x3;
	[tilespmem:v12+s10+$0x0] =	vst.idx.msk $0xffff, v5;
	v5 =	vadd.f32 v38, v34  }
0x424: {  	v10 =	vadd.f32 v10, v36;
	v9 =	vshll.u32 v9, v1;
	v54 =	vld [tilespmem:$0x1FE50];
	[tilespmem:v49+s10+$0x0] =	vst.idx.msk $0xffff, v6  }
0x425: {  	s24 =	simm.s32 $0x5;
	v0 =	vbroadcast v9, $0x0;
	v9 =	vld [tilespmem:s18+$0x30];
	[tilespmem:v17+s10+$0x0] =	vst.idx.msk $0xffff, v5;
	v5 =	vadd.f32 v11, v33  }
0x426: {  	v18 =	vadd.s32 v37, v4;
	v4 =	vmov s24;
	v42 =	vld [tilespmem:s15+$0xFFFFFF10];
	[tilespmem:v13+s10+$0x0] =	vst.idx.msk $0xffff, v10;
	v10 =	vadd.f32 v14, v34  }
0x427: {  	v3 =	vadd.s32 v24, v3;
	v4 =	vshrl.u32 v4, $0x3;
	v17 =	vld [tilespmem:s15+$0x10];
	[tilespmem:v2+s10+$0x0] =	vst.idx.msk $0xffff, v5  }
0x428: {  	s22 =	simm.s32 $0x7;
	v4 =	vshll.u32 v4, v1;
	v5 =	vld [tilespmem:s18+$0x180];
	[tilespmem:v16+s10+$0x0] =	vst.idx.msk $0xffff, v10  }
0x429: {  	v39 =	vadd.s32 v55, v7;
	v20 =	vadd.s32 v27, v8;
	v12 =	vmov s22;
	v56 =	vld [tilespmem:$0x1FF10]  }
0x42a: {  	v6 =	vshrl.u32 v12, $0x3;
	v13 =	vbroadcast v4, $0x0;
	v4 =	vadd.f32 v9, v33;
	v61 =	vld [tilespmem:$0x1FF20]  }
0x42b: {  	v15 =	vadd.f32 v21, v36;
	v12 =	vadd.s32 v32, v22;
	v6 =	vshll.u32 v6, v1;
	v9 =	vld [tilespmem:s18+$0xFFFFFE30]  }
0x42c: {  	v26 =	vmov v25;
	v14 =	vadd.s32 v25, v7;
	v11 =	vadd.s32 v30, v13;
	[tilespmem:v3+s10+$0x0] =	vst.idx.msk $0xffff, v4;
	v3 =	vld [tilespmem:s18+$0xFFFFFF30]  }
0x42d: {  	v25 =	vadd.s32 v47, v7;
	v47 =	vadd.s32 v48, v41;
	v43 =	vld [tilespmem:s15+$0x110];
	v2 =	vadd.s32 v28, v41;
	[tilespmem:$0x1FD50] =	vst v11  }
0x42e: {  	v57 =	vmovc v37;
	v41 =	vadd.s32 v51, v41;
	v37 =	vadd.s32 v31, v13;
	v10 =	vadd.f32 v42, v35;
	v42 =	vld [tilespmem:s18+$0x80]  }
0x42f: {  	s23 =	simm.s32 $0x1;
	v16 =	vadd.s32 v50, v8;
	v4 =	vmovc v31;
	v31 =	vmov v44;
	v44 =	vadd.s32 v44, v13  }
0x430: {  	v49 =	vadd.f32 v5, v36;
	v5 =	vmov s23;
	v9 =	vadd.f32 v9, v33  }
0x431: {  	s19 =	simm.s32 $0xFE00;
	v30 =	vadd.s32 v63, v22;
	[tilespmem:$0x1FD40] =	vst v25;
	v25 =	vld [tilespmem:$0x1FEF0];
	v5 =	vshrl.u32 v5, $0x3;
	v3 =	vadd.f32 v3, v33  }
0x432: {  	v17 =	vadd.f32 v17, v35;
	v53 =	vld [tilespmem:s19+$0xFFFFFF00];
	v5 =	vshll.u32 v5, v1;
	[tilespmem:v18+s10+$0x0] =	vst.idx.msk $0xffff, v9  }
0x433: {  	v9 =	vadd.s32 v58, v13;
	v5 =	vbroadcast v5, $0x0;
	v51 =	vadd.f32 v42, v36;
	v13 =	vld [tilespmem:s18+$0xFFFFFE80];
	[tilespmem:v19+s10+$0x0] =	vst.idx.msk $0xffff, v3  }
0x434: {  	s24 =	simm.s32 $0x14;
	v6 =	vbroadcast v6, $0x0;
	v21 =	vadd.s32 v54, v0;
	v48 =	vadd.f32 v43, v35;
	[tilespmem:v20+s10+$0x0] =	vst.idx.msk $0xffff, v17;
	v18 =	vld [tilespmem:s18+$0xFFFFFF80]  }
0x435: {  	s25 =	simm.s32 $0x12;
	v20 =	vld [tilespmem:s19+$0x0];
	v42 =	vadd.s32 v57, v7;
	v7 =	vmov s24;
	v19 =	vadd.s32 v46, v5;
	[tilespmem:v44+s10+$0x0] =	vst.idx.msk $0xffff, v51  }
0x436: {  	v43 =	vadd.s32 v59, v22;
	v58 =	vmov s25;
	v7 =	vshrl.u32 v7, $0x3;
	v57 =	vld [tilespmem:s18+$0x90]  }
0x437: {  	v22 =	vld [tilespmem:s19+$0xFFFFFE00];
	v52 =	vadd.s32 v25, v6;
	v17 =	vshrl.u32 v58, $0x3;
	v7 =	vshll.u32 v7, v1  }
0x438: {  	s11 =	simm.s32 $0x10;
	[tilespmem:v47+s10+$0x0] =	vst.idx.msk $0xffff, v48;
	v17 =	vshll.u32 v17, v1;
	v46 =	vbroadcast v7, $0x0;
	v7 =	vld [tilespmem:s15+$0x20];
	v13 =	vadd.f32 v13, v36  }
0x439: {  	[tilespmem:v39+s10+$0x0] =	vst.idx.msk $0xffff, v15;
	v3 =	vmov s11;
	v44 =	vbroadcast v17, $0x0;
	v17 =	vld [tilespmem:s15+$0x120];
	v18 =	vadd.f32 v18, v36  }
0x43a: {  	s13 =	simm.s32 $0x16;
	v11 =	vmov v45;
	v45 =	vadd.s32 v45, v0;
	v39 =	vld [tilespmem:s15+$0xFFFFFE10];
	v3 =	vshrl.u32 v3, $0x3;
	[tilespmem:v19+s10+$0x0] =	vst.idx.msk $0xffff, v13  }
0x43b: {  	v3 =	vshll.u32 v3, v1;
	v19 =	vmov s13;
	v13 =	vadd.f32 v57, v35;
	v48 =	vld [tilespmem:s18+$0xFFFFFE90];
	[tilespmem:v21+s10+$0x0] =	vst.idx.msk $0xffff, v18  }
0x43c: {  	v47 =	vbroadcast v3, $0x0;
	v3 =	vadd.s32 v29, v44;
	v18 =	vld [tilespmem:$0x1FF00];
	[tilespmem:v12+s10+$0x0] =	vst.idx.msk $0xffff, v10;
	v10 =	vshrl.u32 v19, $0x3  }
0x43d: {  	v7 =	vadd.f32 v7, v34;
	v12 =	vld [tilespmem:s18+$0xFFFFFF90];
	[tilespmem:v9+s10+$0x0] =	vst.idx.msk $0xffff, v13;
	v10 =	vshll.u32 v10, v1  }
0x43e: {  	v15 =	vadd.s32 v23, v46;
	v58 =	vld [tilespmem:$0x1FE10];
	v57 =	vbroadcast v10, $0x0;
	v10 =	vadd.f32 v17, v34;
	[tilespmem:v52+s10+$0x0] =	vst.idx.msk $0xffff, v49  }
0x43f: {  	s22 =	simm.s32 $0xB;
	v40 =	vadd.s32 v56, v6;
	v21 =	vadd.f32 v39, v35;
	[tilespmem:v16+s10+$0x0] =	vst.idx.msk $0xffff, v7;
	v16 =	vld [tilespmem:s15+$0xFFFFFF20]  }
0x440: {  	v19 =	vadd.f32 v20, v36;
	v20 =	vadd.f32 v53, v36;
	v13 =	vmov s22;
	[tilespmem:v2+s10+$0x0] =	vst.idx.msk $0xffff, v10;
	v10 =	vld [tilespmem:s18+$0x190]  }
0x441: {  	v38 =	vadd.s32 v61, v6;
	v59 =	vadd.s32 v62, v5;
	v13 =	vshrl.u32 v13, $0x3;
	v62 =	vld [tilespmem:$0x1FFB0];
	[tilespmem:v14+s10+$0x0] =	vst.idx.msk $0xffff, v21  }
0x442: {  	v9 =	vld [tilespmem:s19+$0x100];
	v13 =	vshll.u32 v13, v1;
	v6 =	vadd.s32 v18, v6;
	[tilespmem:v3+s10+$0x0] =	vst.idx.msk $0xffff, v20  }
0x443: {  	v39 =	vbroadcast v13, $0x0;
	v13 =	vld [tilespmem:s15+$0x130];
	v12 =	vadd.f32 v12, v35;
	[tilespmem:v15+s10+$0x0] =	vst.idx.msk $0xffff, v19;
	v18 =	vadd.s32 v58, v5  }
0x444: {  	s23 =	simm.s32 $0xD;
	v58 =	vadd.f32 v22, v36;
	v22 =	vadd.s32 v60, v57;
	v16 =	vadd.f32 v16, v34  }
0x445: {  	v7 =	vmov s23;
	[tilespmem:v45+s10+$0x0] =	vst.idx.msk $0xffff, v12;
	v10 =	vadd.f32 v10, v35  }
0x446: {  	v7 =	vshrl.u32 v7, $0x3;
	v48 =	vadd.f32 v48, v35;
	[tilespmem:v30+s10+$0x0] =	vst.idx.msk $0xffff, v16  }
0x447: {  	v7 =	vshll.u32 v7, v1;
	v9 =	vadd.f32 v9, v36;
	[tilespmem:v6+s10+$0x0] =	vst.idx.msk $0xffff, v10  }
0x448: {  	v29 =	vmov v60;
	v60 =	vbroadcast v7, $0x0;
	v7 =	vadd.f32 v13, v33;
	[tilespmem:v18+s10+$0x0] =	vst.idx.msk $0xffff, v48  }
0x449: {  	[tilespmem:v22+s10+$0x0] =	vst.idx.msk $0xffff, v9  }
0x44a: {  	[tilespmem:v41+s10+$0x0] =	vst.idx.msk $0xffff, v7  }
0x44b: {  	v45 =	vadd.s32 v4, v60;
	v4 =	vld [tilespmem:$0x1FD40]  }
0x44c: {  	s24 =	simm.s32 $0xF;
	v14 =	vld [tilespmem:s15+$0xFFFFFE20]  }
0x44d: {  	v21 =	vmov s24  }
0x44e: {  	v12 =	vshrl.u32 v21, $0x3;
	v21 =	vld [tilespmem:s19+$0xFFFFFF10];
	_ =	sdelay $0x2  }
0x44f: {  	v18 =	vld [tilespmem:s15+$0x30];
	v9 =	vadd.f32 v14, v34;
	_ =	sdelay $0x1  }
0x450: {  	v8 =	vadd.s32 v24, v8;
	v19 =	vadd.f32 v21, v35;
	v21 =	vld [tilespmem:$0x1FFC0];
	[tilespmem:v4+s10+$0x0] =	vst.idx.msk $0xffff, v9  }
0x451: {  	v9 =	vld [tilespmem:$0x1FE00]  }
0x452: {  	v12 =	vshll.u32 v12, v1  }
0x453: {  	v52 =	vbroadcast v12, $0x0;
	v12 =	vadd.f32 v18, v33;
	_ =	sdelay $0x1  }
0x454: {  	v3 =	vadd.s32 v32, v44;
	[tilespmem:v8+s10+$0x0] =	vst.idx.msk $0xffff, v12  }
0x455: {  	v62 =	vadd.s32 v62, v0;
	v6 =	vadd.s32 v9, v0;
	v0 =	vld [tilespmem:$0x1FF50];
	_ =	sdelay $0x3  }
0x456: {  	[tilespmem:v3+s10+$0x0] =	vst.idx.msk $0xffff, v19  }
0x457: {  	v23 =	vmovc v27;
	v2 =	vadd.s32 v27, v46;
	v27 =	vmov v0;
	v53 =	vadd.s32 v0, v47;
	v0 =	vld [tilespmem:$0x1FEC0];
	_ =	sdelay $0x1  }
0x458: {  	v20 =	vld [tilespmem:s18+$0xFFFFFFA0];
	_ =	sdelay $0x2  }
0x459: {  	v24 =	vmov v0;
	v10 =	vadd.s32 v0, v57;
	v0 =	vld [tilespmem:$0x1FE20]  }
0x45a: {  	v17 =	vld [tilespmem:s18+$0xA0]  }
0x45b: {  	v15 =	vld [tilespmem:s19+$0x10];
	v18 =	vadd.f32 v20, v34  }
0x45c: {  	v13 =	vld [tilespmem:s18+$0xFFFFFEA0]  }
0x45d: {  	v7 =	vadd.s32 v31, v60;
	v31 =	vld [tilespmem:$0x1FF30];
	[tilespmem:v62+s10+$0x0] =	vst.idx.msk $0xffff, v18  }
0x45e: {  	v5 =	vadd.s32 v0, v5;
	v0 =	vld [tilespmem:$0x1FD50]  }
0x45f: {  	v16 =	vld [tilespmem:s19+$0x110]  }
0x460: {  	v20 =	vld [tilespmem:s15+$0x180]  }
0x461: {  	v25 =	vmov v26;
	v51 =	vadd.s32 v55, v47;
	v55 =	vadd.s32 v26, v47;
	v4 =	vld [tilespmem:s18+$0x1A0]  }
0x462: {  	v26 =	vmovc v63;
	v63 =	vadd.s32 v63, v44;
	v49 =	vadd.s32 v54, v39;
	v54 =	vadd.s32 v28, v57  }
0x463: {  	v17 =	vadd.f32 v17, v34;
	v30 =	vmovc v28;
	v56 =	vadd.s32 v56, v52;
	v48 =	vadd.s32 v61, v52;
	v12 =	vld [tilespmem:s15+$0xFFFFFE30]  }
0x464: {  	v28 =	vmovc v50;
	v61 =	vadd.s32 v50, v46;
	v50 =	vadd.s32 v11, v39;
	v14 =	vadd.f32 v13, v34;
	v8 =	vld [tilespmem:s15+$0xFFFFFF30]  }
0x465: {  	s25 =	simm.s32 $0x9;
	v41 =	vadd.s32 v21, v60;
	v13 =	vadd.f32 v16, v35;
	v9 =	vld [tilespmem:s15+$0x80];
	v3 =	vadd.f32 v15, v35  }
0x466: {  	s12 =	simm.s32 $0x18;
	v15 =	vadd.f32 v4, v34;
	v62 =	vadd.f32 v20, v36;
	v11 =	vld [tilespmem:s18+$0xFFFFFFB0];
	[tilespmem:v0+s10+$0x0] =	vst.idx.msk $0xffff, v17;
	v0 =	vmov s25  }
.LBB2_15:
0x467: {  	v4 =	vld [tilespmem:$0x1FEE0]  }
0x468: {  	v16 =	vshrl.u32 v0, $0x3;
	v0 =	vld [tilespmem:$0x1FEF0]  }
0x469: {  	v19 =	vld [tilespmem:$0x1FF80]  }
0x46a: {  	[tilespmem:v59+s10+$0x0] =	vst.idx.msk $0xffff, v14;
	v14 =	vld [tilespmem:s18+$0xB0]  }
0x46b: {  	[tilespmem:v40+s10+$0x0] =	vst.idx.msk $0xffff, v15;
	v18 =	vld [tilespmem:s18+$0xFFFFFEB0]  }
0x46c: {  	[tilespmem:v10+s10+$0x0] =	vst.idx.msk $0xffff, v13;
	v13 =	vld [tilespmem:$0x1FF90]  }
0x46d: {  	v10 =	vshll.u32 v16, v1;
	v15 =	vld [tilespmem:s18+$0x1B0]  }
0x46e: {  	[tilespmem:v2+s10+$0x0] =	vst.idx.msk $0xffff, v3;
	s18 =	smov.u32 s15;
	s15 =	smov.u32 s19;
	s19 =	sadd.s32 $0x400, s19;
	v3 =	vbroadcast v10, $0x0;
	v10 =	vld [tilespmem:$0x1FF70]  }
0x46f: {  	v2 =	vadd.f32 v8, v33;
	v16 =	vld [tilespmem:s19+$0xFFFFFF00]  }
0x470: {  	v17 =	vadd.s32 v0, v52;
	v0 =	vld [tilespmem:$0x1FE90]  }
0x471: {  	s13 =	smov.u32 s12;
	v12 =	vadd.f32 v12, v33;
	[tilespmem:v43+s10+$0x0] =	vst.idx.msk $0xffff, v2;
	v2 =	vld [tilespmem:$0x1FE40]  }
0x472: {  	s22 =	sadd.s32 $0x4, s13;
	v8 =	vadd.f32 v9, v36;
	v4 =	vadd.s32 v4, v57;
	v57 =	vld [tilespmem:$0x1FFA0]  }
0x473: {  	v20 =	vmov s22;
	[tilespmem:v42+s10+$0x0] =	vst.idx.msk $0xffff, v12;
	v21 =	vld [tilespmem:s18+$0xFFFFFF80]  }
0x474: {  	[tilespmem:v7+s10+$0x0] =	vst.idx.msk $0xffff, v8;
	v8 =	vshrl.u32 v20, $0x3;
	v20 =	vld [tilespmem:$0x1FE10]  }
0x475: {  	v13 =	vadd.s32 v13, v60;
	v12 =	vld [tilespmem:s18+$0xFFFFFE80];
	v7 =	vadd.f32 v18, v33  }
0x476: {  	v60 =	vld [tilespmem:s18+$0x90];
	v42 =	vadd.s32 v10, v47;
	v10 =	vadd.f32 v11, v33;
	v11 =	vmov s13  }
0x477: {  	s25 =	sadd.s32 $0x2, s13;
	v19 =	vadd.s32 v19, v3;
	[tilespmem:v5+s10+$0x0] =	vst.idx.msk $0xffff, v7;
	v5 =	vshrl.u32 v11, $0x3;
	v7 =	vld [tilespmem:s15+$0x20]  }
0x478: {  	v11 =	vld [tilespmem:$0x1FE60];
	v43 =	vadd.s32 v2, v44;
	v2 =	vmov s25;
	[tilespmem:v6+s10+$0x0] =	vst.idx.msk $0xffff, v10;
	v6 =	vadd.f32 v15, v33  }
0x479: {  	v8 =	vshll.u32 v8, v1;
	v0 =	vadd.s32 v0, v46;
	v10 =	vld [tilespmem:s19+$0x0];
	v2 =	vshrl.u32 v2, $0x3  }
0x47a: {  	v46 =	vbroadcast v8, $0x0;
	v8 =	vadd.f32 v14, v33;
	v2 =	vshll.u32 v2, v1;
	[tilespmem:v38+s10+$0x0] =	vst.idx.msk $0xffff, v6;
	v6 =	vld [tilespmem:s19+$0xFFFFFE00]  }
0x47b: {  	[tilespmem:v51+s10+$0x0] =	vst.idx.msk $0xffff, v58;
	v44 =	vbroadcast v2, $0x0;
	v2 =	vadd.f32 v12, v36;
	v12 =	vld [tilespmem:s15+$0x120]  }
0x47c: {  	s23 =	sadd.s32 $0x6, s13;
	[tilespmem:v37+s10+$0x0] =	vst.idx.msk $0xffff, v8;
	v8 =	vld [tilespmem:s15+$0xFFFFFE10]  }
0x47d: {  	v15 =	vmov s23;
	v58 =	vld [tilespmem:$0x1FFD0];
	[tilespmem:v19+s10+$0x0] =	vst.idx.msk $0xffff, v2;
	v2 =	vadd.f32 v60, v35  }
0x47e: {  	v59 =	vadd.s32 v57, v3;
	v15 =	vshrl.u32 v15, $0x3;
	v37 =	vmov v45;
	v45 =	vld [tilespmem:s18+$0xFFFFFE90]  }
0x47f: {  	v7 =	vadd.f32 v7, v34;
	[tilespmem:v13+s10+$0x0] =	vst.idx.msk $0xffff, v2;
	v2 =	vld [tilespmem:s19+$0x100];
	v13 =	vshll.u32 v15, v1  }
0x480: {  	v20 =	vadd.s32 v20, v3;
	[tilespmem:v17+s10+$0x0] =	vst.idx.msk $0xffff, v62;
	v57 =	vbroadcast v13, $0x0;
	v12 =	vadd.f32 v12, v34;
	v13 =	vld [tilespmem:s18+$0xA0]  }
0x481: {  	v5 =	vshll.u32 v5, v1;
	v8 =	vadd.f32 v8, v35;
	[tilespmem:v61+s10+$0x0] =	vst.idx.msk $0xffff, v7  }
0x482: {  	s23 =	sadd.s32 $0x3, s11;
	v47 =	vbroadcast v5, $0x0;
	v7 =	vld [tilespmem:s18+$0x190];
	[tilespmem:v54+s10+$0x0] =	vst.idx.msk $0xffff, v12  }
0x483: {  	v14 =	vadd.f32 v21, v36;
	v15 =	vmov s23;
	v12 =	vld [tilespmem:$0x1FFB0];
	[tilespmem:v55+s10+$0x0] =	vst.idx.msk $0xffff, v8;
	v18 =	vadd.f32 v45, v35  }
0x484: {  	v11 =	vadd.s32 v11, v46;
	v51 =	vadd.s32 v58, v47;
	v15 =	vshrl.u32 v15, $0x3;
	v45 =	vld [tilespmem:s15+$0xFFFFFE20]  }
0x485: {  	v15 =	vshll.u32 v15, v1;
	[tilespmem:v20+s10+$0x0] =	vst.idx.msk $0xffff, v18;
	v18 =	vadd.f32 v13, v34;
	v13 =	vld [tilespmem:$0x1FE50]  }
0x486: {  	[tilespmem:v49+s10+$0x0] =	vst.idx.msk $0xffff, v14;
	v58 =	vadd.f32 v6, v36;
	v6 =	vadd.s32 v29, v57;
	v8 =	vbroadcast v15, $0x0;
	v15 =	vld [tilespmem:s15+$0x130]  }
0x487: {  	v60 =	vld [tilespmem:s18+$0xFFFFFF90]  }
0x488: {  	s24 =	sadd.s32 $0x7, s11;
	v10 =	vadd.f32 v10, v36  }
0x489: {  	v14 =	vld [tilespmem:$0x1FF00];
	v5 =	vadd.s32 v31, v44;
	v62 =	vmov s24;
	v22 =	vadd.f32 v2, v36  }
0x48a: {  	v21 =	vadd.s32 v12, v39;
	v12 =	vld [tilespmem:s15+$0x30];
	[tilespmem:v11+s10+$0x0] =	vst.idx.msk $0xffff, v10;
	v49 =	vadd.s32 v13, v8;
	v13 =	vshrl.u32 v62, $0x3  }
0x48b: {  	v17 =	vld [tilespmem:s15+$0xFFFFFF20];
	[tilespmem:v6+s10+$0x0] =	vst.idx.msk $0xffff, v22;
	v10 =	vshll.u32 v13, v1;
	v13 =	vadd.f32 v15, v33  }
0x48c: {  	s8 =	sadd.s32 $0x5, s11;
	v19 =	vadd.f32 v60, v35;
	v15 =	vld [tilespmem:s19+$0x110]  }
0x48d: {  	v9 =	vmov s8;
	v16 =	vadd.f32 v16, v36;
	[tilespmem:v4+s10+$0x0] =	vst.idx.msk $0xffff, v13;
	v4 =	vld [tilespmem:$0x1FF10]  }
0x48e: {  	v9 =	vshrl.u32 v9, $0x3;
	[tilespmem:v50+s10+$0x0] =	vst.idx.msk $0xffff, v19;
	v6 =	vld [tilespmem:$0x1FF60]  }
0x48f: {  	v9 =	vshll.u32 v9, v1;
	[tilespmem:v5+s10+$0x0] =	vst.idx.msk $0xffff, v16  }
0x490: {  	v14 =	vadd.s32 v14, v52;
	v60 =	vbroadcast v9, $0x0;
	v9 =	vld [tilespmem:s18+$0xFFFFFFA0];
	v52 =	vbroadcast v10, $0x0  }
0x491: {  	v16 =	vadd.f32 v17, v34;
	v17 =	vld [tilespmem:s19+$0xFFFFFF10]  }
0x492: {  	v40 =	vmov v56;
	v56 =	vadd.s32 v4, v52;
	v4 =	vld [tilespmem:$0x1FF20]  }
0x493: {  	v10 =	vadd.f32 v45, v34;
	v45 =	vadd.s32 v6, v60;
	v6 =	vld [tilespmem:$0x1FFF0];
	_ =	sdelay $0x2  }
0x494: {  	v7 =	vadd.f32 v7, v35  }
0x495: {  	v38 =	vmovc v48;
	v48 =	vadd.s32 v4, v52;
	v4 =	vadd.f32 v9, v34;
	v9 =	vadd.f32 v17, v35;
	v17 =	vld [tilespmem:s15+$0x180]  }
0x496: {  	[tilespmem:v14+s10+$0x0] =	vst.idx.msk $0xffff, v7;
	v7 =	vadd.s32 v6, v60;
	v6 =	vld [tilespmem:$0x1FFC0];
	_ =	sdelay $0x4  }
0x497: {  	v19 =	vadd.s32 v6, v60;
	v6 =	vld [tilespmem:$0x1FE00];
	_ =	sdelay $0x1  }
0x498: {  	v20 =	vld [tilespmem:s18+$0xFFFFFEA0];
	[tilespmem:v63+s10+$0x0] =	vst.idx.msk $0xffff, v16;
	v16 =	vadd.f32 v12, v33  }
0x499: {  	v11 =	vld [tilespmem:s19+$0x10]  }
0x49a: {  	v5 =	vadd.s32 v32, v44;
	[tilespmem:v0+s10+$0x0] =	vst.idx.msk $0xffff, v16;
	v0 =	vld [tilespmem:$0x1FE20]  }
0x49b: {  	v6 =	vadd.s32 v6, v39;
	v39 =	vmov v8;
	v8 =	vld [tilespmem:$0x1FFE0]  }
0x49c: {  	p1 =	slt.u32 s12, $0x78;
	v61 =	vadd.s32 v28, v46;
	v55 =	vadd.s32 v25, v47;
	v54 =	vadd.s32 v30, v57;
	v22 =	vld [tilespmem:s18+$0x1A0]  }
.Ltmp8:
0x49d: {  	v2 =	vadd.s32 v23, v46;
	v63 =	vadd.s32 v26, v44;
	[tilespmem:v53+s10+$0x0] =	vst.idx.msk $0xffff, v10;
	(pc) =	sbr.rel @p1 .LBB2_15-.Ltmp8, $4  }
0x49e: {  	v53 =	vadd.s32 v27, v47;
	v10 =	vadd.s32 v24, v57;
	v12 =	vld [tilespmem:s15+$0xFFFFFE30];
	v13 =	vadd.f32 v15, v35  }
0x49f: {  	v14 =	vadd.f32 v20, v34;
	[tilespmem:v5+s10+$0x0] =	vst.idx.msk $0xffff, v9;
	v5 =	vadd.s32 v0, v3;
	v9 =	vld [tilespmem:s15+$0x80]  }
0x4a0: {  	s25 =	sadd.s32 $0x1, s11;
	v3 =	vadd.f32 v11, v35;
	v50 =	vadd.s32 v8, v39;
	v8 =	vld [tilespmem:s15+$0xFFFFFF30];
	[tilespmem:v21+s10+$0x0] =	vst.idx.msk $0xffff, v4  }
0x4a1: {  	s12 =	sadd.s32 $0x8, s12;
	s11 =	smov.u32 s13;
	v0 =	vmov s25;
	[tilespmem:v41+s10+$0x0] =	vst.idx.msk $0xffff, v18;
	v62 =	vadd.f32 v17, v36;
	v15 =	vadd.f32 v22, v34;
	v41 =	vmovc v19;
	v11 =	vld [tilespmem:s18+$0xFFFFFFB0]  }
0x4a2: {  	_ =	sdelay $0x3  }
0x4a3: {  	[tilespmem:v51+s10+$0x0] =	vst.idx.msk $0xffff, v58  }
0x4a4: {  	v4 =	vld [tilespmem:s19+$0xFFFFFE10];
	_ =	sdelay $0x4  }
0x4a5: {  	[tilespmem:v59+s10+$0x0] =	vst.idx.msk $0xffff, v14;
	v4 =	vadd.f32 v4, v35  }
0x4a6: {  	[tilespmem:v10+s10+$0x0] =	vst.idx.msk $0xffff, v13  }
0x4a7: {  	[tilespmem:v55+s10+$0x0] =	vst.idx.msk $0xffff, v4;
	v4 =	vld [tilespmem:s19+$0xFFFFFF20]  }
0x4a8: {  	[tilespmem:v2+s10+$0x0] =	vst.idx.msk $0xffff, v3;
	v58 =	vadd.f32 v12, v33;
	v59 =	vld [tilespmem:s19+$0xFFFFFE20]  }
0x4a9: {  	[tilespmem:v40+s10+$0x0] =	vst.idx.msk $0xffff, v15;
	v14 =	vadd.f32 v9, v36  }
0x4aa: {  	v3 =	vld [tilespmem:s19+$0x120];
	v2 =	vadd.f32 v8, v33;
	[tilespmem:v42+s10+$0x0] =	vst.idx.msk $0xffff, v58  }
0x4ab: {  	v20 =	vmov v31;
	v31 =	vadd.f32 v11, v33;
	[tilespmem:v7+s10+$0x0] =	vst.idx.msk $0xffff, v14  }
0x4ac: {  	v30 =	vld [tilespmem:s19+$0x20];
	[tilespmem:v43+s10+$0x0] =	vst.idx.msk $0xffff, v2;
	v4 =	vadd.f32 v4, v34  }
0x4ad: {  	v7 =	vld [tilespmem:s18+$0x1B0];
	[tilespmem:v6+s10+$0x0] =	vst.idx.msk $0xffff, v31;
	v32 =	vadd.f32 v59, v34  }
0x4ae: {  	v2 =	vld [tilespmem:s18+$0xFFFFFEB0];
	[tilespmem:v63+s10+$0x0] =	vst.idx.msk $0xffff, v4  }
0x4af: {  	v3 =	vadd.f32 v3, v34;
	[tilespmem:v53+s10+$0x0] =	vst.idx.msk $0xffff, v32;
	v43 =	vld [tilespmem:s19+$0xFFFFFF30]  }
0x4b0: {  	v13 =	vld [tilespmem:$0x1FEE0]  }
0x4b1: {  	v9 =	vadd.f32 v30, v34;
	[tilespmem:v54+s10+$0x0] =	vst.idx.msk $0xffff, v3;
	v3 =	vld [tilespmem:s19+$0xFFFFFE30]  }
0x4b2: {  	v14 =	vld [tilespmem:$0x1FE40]  }
0x4b3: {  	[tilespmem:v61+s10+$0x0] =	vst.idx.msk $0xffff, v9;
	v53 =	vld [tilespmem:s19+$0x130]  }
0x4b4: {  	v2 =	vadd.f32 v2, v33;
	v17 =	vld [tilespmem:$0x1FF70]  }
0x4b5: {  	v16 =	vld [tilespmem:$0x1FE90]  }
0x4b6: {  	v23 =	vld [tilespmem:$0x1FEF0];
	[tilespmem:v5+s10+$0x0] =	vst.idx.msk $0xffff, v2  }
0x4b7: {  	v22 =	vld [tilespmem:$0x1FF80];
	v13 =	vadd.s32 v13, v57  }
0x4b8: {  	v0 =	vshrl.u32 v0, $0x3;
	v18 =	vld [tilespmem:s19+$0x30];
	v14 =	vadd.s32 v14, v44  }
0x4b9: {  	v0 =	vshll.u32 v0, v1;
	v4 =	vld [tilespmem:s15+$0xFFFFFF80];
	v5 =	vadd.f32 v7, v33;
	v19 =	vmovc v17;
	v17 =	vadd.s32 v17, v47  }
0x4ba: {  	v0 =	vbroadcast v0, $0x0;
	v6 =	vld [tilespmem:s15+$0xFFFFFE80];
	v9 =	vadd.f32 v53, v33;
	v16 =	vadd.s32 v16, v46  }
0x4bb: {  	v8 =	vadd.f32 v43, v33;
	[tilespmem:v38+s10+$0x0] =	vst.idx.msk $0xffff, v5  }
0x4bc: {  	v3 =	vadd.f32 v3, v33;
	v2 =	vadd.s32 v22, v0;
	[tilespmem:v13+s10+$0x0] =	vst.idx.msk $0xffff, v9  }
0x4bd: {  	s12 =	sadd.s32 $0x3, s11;
	v15 =	vadd.s32 v23, v52;
	v57 =	vadd.f32 v18, v33;
	[tilespmem:v14+s10+$0x0] =	vst.idx.msk $0xffff, v8  }
0x4be: {  	v42 =	vmov s12;
	v4 =	vadd.f32 v4, v36;
	[tilespmem:v17+s10+$0x0] =	vst.idx.msk $0xffff, v3  }
0x4bf: {  	v6 =	vadd.f32 v6, v36;
	v7 =	vshrl.u32 v42, $0x3;
	[tilespmem:v16+s10+$0x0] =	vst.idx.msk $0xffff, v57  }
0x4c0: {  	s13 =	sadd.s32 $0x1, s11;
	v7 =	vshll.u32 v7, v1;
	v8 =	vld [tilespmem:$0x1FE50];
	[tilespmem:v49+s10+$0x0] =	vst.idx.msk $0xffff, v4  }
0x4c1: {  	s22 =	sadd.s32 $0x7, s11;
	v51 =	vmov s13;
	v5 =	vbroadcast v7, $0x0;
	v7 =	vld [tilespmem:s18+$0xB0];
	[tilespmem:v2+s10+$0x0] =	vst.idx.msk $0xffff, v6  }
0x4c2: {  	s8 =	sadd.s32 $0x5, s11;
	v55 =	vshrl.u32 v51, $0x3;
	v54 =	vmov s22;
	v58 =	vld [tilespmem:s19+$0xFFFFFF80];
	[tilespmem:v15+s10+$0x0] =	vst.idx.msk $0xffff, v62  }
0x4c3: {  	v40 =	vmov s8;
	v11 =	vshll.u32 v55, v1;
	v3 =	vshrl.u32 v54, $0x3;
	v18 =	vld [tilespmem:$0x1FFF0]  }
0x4c4: {  	v10 =	vbroadcast v11, $0x0;
	v59 =	vshrl.u32 v40, $0x3;
	v3 =	vshll.u32 v3, v1;
	v61 =	vld [tilespmem:s19+$0xFFFFFE80]  }
0x4c5: {  	v9 =	vshll.u32 v59, v1;
	v13 =	vld [tilespmem:s19+$0x180];
	v3 =	vbroadcast v3, $0x0;
	v8 =	vadd.s32 v8, v5  }
0x4c6: {  	v30 =	vadd.s32 v22, v10;
	v4 =	vbroadcast v9, $0x0;
	v63 =	vld [tilespmem:s19+$0x80]  }
0x4c7: {  	v7 =	vadd.f32 v7, v33;
	v6 =	vadd.s32 v23, v3  }
0x4c8: {  	v12 =	vadd.f32 v58, v36;
	v16 =	vadd.s32 v18, v4  }
0x4c9: {  	v2 =	vld [tilespmem:s15+$0xFFFFFF90];
	[tilespmem:v37+s10+$0x0] =	vst.idx.msk $0xffff, v7;
	v11 =	vadd.f32 v61, v36  }
0x4ca: {  	v15 =	vld [tilespmem:s15+$0xFFFFFE90];
	v13 =	vadd.f32 v13, v36;
	[tilespmem:v8+s10+$0x0] =	vst.idx.msk $0xffff, v12  }
0x4cb: {  	v9 =	vadd.f32 v63, v36;
	v17 =	vld [tilespmem:$0x1FE10];
	[tilespmem:v30+s10+$0x0] =	vst.idx.msk $0xffff, v11  }
0x4cc: {  	v23 =	vld [tilespmem:$0x1FF00];
	[tilespmem:v6+s10+$0x0] =	vst.idx.msk $0xffff, v13  }
0x4cd: {  	v58 =	vld [tilespmem:$0x1FF90];
	[tilespmem:v16+s10+$0x0] =	vst.idx.msk $0xffff, v9  }
0x4ce: {  	v51 =	vld [tilespmem:$0x1FFE0]  }
0x4cf: {  	v7 =	vld [tilespmem:s15+$0x190]  }
0x4d0: {  	v31 =	vld [tilespmem:s15+$0x90];
	v32 =	vadd.s32 v17, v0  }
0x4d1: {  	v38 =	vld [tilespmem:s19+$0xFFFFFF90];
	v37 =	vadd.s32 v23, v52  }
0x4d2: {  	v2 =	vadd.f32 v2, v35;
	v6 =	vadd.s32 v58, v60  }
0x4d3: {  	v15 =	vadd.f32 v15, v35;
	v42 =	vadd.s32 v51, v5  }
0x4d4: {  	[tilespmem:v50+s10+$0x0] =	vst.idx.msk $0xffff, v2;
	v2 =	vadd.f32 v7, v35  }
0x4d5: {  	v8 =	vadd.f32 v31, v35;
	[tilespmem:v32+s10+$0x0] =	vst.idx.msk $0xffff, v15  }
0x4d6: {  	v40 =	vld [tilespmem:s19+$0xFFFFFE90];
	v14 =	vadd.f32 v38, v35;
	[tilespmem:v37+s10+$0x0] =	vst.idx.msk $0xffff, v2  }
0x4d7: {  	v7 =	vld [tilespmem:s19+$0x90];
	[tilespmem:v6+s10+$0x0] =	vst.idx.msk $0xffff, v8  }
0x4d8: {  	v63 =	vld [tilespmem:$0x1FFB0];
	[tilespmem:v42+s10+$0x0] =	vst.idx.msk $0xffff, v14  }
0x4d9: {  	v21 =	vmov v25;
	v25 =	vld [tilespmem:$0x1FFA0]  }
0x4da: {  	v16 =	vld [tilespmem:s19+$0x190];
	v17 =	vadd.s32 v17, v10  }
0x4db: {  	v43 =	vld [tilespmem:s15+$0xFFFFFFA0];
	v44 =	vadd.s32 v58, v4  }
0x4dc: {  	v15 =	vadd.s32 v23, v3;
	v2 =	vld [tilespmem:s15+$0xFFFFFEA0]  }
0x4dd: {  	v13 =	vadd.f32 v40, v35;
	v46 =	vld [tilespmem:s15+$0x1A0];
	v6 =	vadd.s32 v63, v39  }
0x4de: {  	v7 =	vadd.f32 v7, v35;
	v49 =	vld [tilespmem:s15+$0xA0];
	v47 =	vadd.s32 v25, v0  }
0x4df: {  	v16 =	vadd.f32 v16, v35;
	[tilespmem:v17+s10+$0x0] =	vst.idx.msk $0xffff, v13;
	v50 =	vld [tilespmem:s19+$0xFFFFFFA0]  }
0x4e0: {  	v12 =	vadd.f32 v43, v34;
	[tilespmem:v44+s10+$0x0] =	vst.idx.msk $0xffff, v7  }
0x4e1: {  	[tilespmem:v15+s10+$0x0] =	vst.idx.msk $0xffff, v16;
	v2 =	vadd.f32 v2, v34;
	v7 =	vadd.s32 v63, v5  }
0x4e2: {  	v15 =	vld [tilespmem:s19+$0xFFFFFEA0];
	[tilespmem:v6+s10+$0x0] =	vst.idx.msk $0xffff, v12;
	v6 =	vadd.f32 v46, v34  }
0x4e3: {  	v52 =	vld [tilespmem:s19+$0x1A0];
	v14 =	vadd.f32 v49, v34;
	[tilespmem:v47+s10+$0x0] =	vst.idx.msk $0xffff, v2  }
0x4e4: {  	v13 =	vadd.f32 v50, v34;
	v2 =	vld [tilespmem:$0x1FF10];
	[tilespmem:v56+s10+$0x0] =	vst.idx.msk $0xffff, v6  }
0x4e5: {  	v53 =	vadd.s32 v25, v10;
	v25 =	vld [tilespmem:$0x1FFC0];
	[tilespmem:v41+s10+$0x0] =	vst.idx.msk $0xffff, v14  }
0x4e6: {  	v23 =	vld [tilespmem:$0x1FE00];
	[tilespmem:v7+s10+$0x0] =	vst.idx.msk $0xffff, v13  }
0x4e7: {  	v13 =	vld [tilespmem:$0x1FE20]  }
0x4e8: {  	v54 =	vld [tilespmem:s19+$0xA0]  }
0x4e9: {  	v55 =	vld [tilespmem:s15+$0xFFFFFFB0];
	v2 =	vadd.s32 v2, v3  }
0x4ea: {  	v16 =	vld [tilespmem:s15+$0xFFFFFEB0];
	v6 =	vadd.s32 v25, v4  }
0x4eb: {  	v15 =	vadd.f32 v15, v34;
	v17 =	vld [tilespmem:s15+$0x1B0];
	v57 =	vadd.s32 v23, v39  }
0x4ec: {  	v11 =	vadd.f32 v52, v34;
	v0 =	vadd.s32 v13, v0  }
0x4ed: {  	v59 =	vadd.f32 v54, v34;
	[tilespmem:v53+s10+$0x0] =	vst.idx.msk $0xffff, v15  }
0x4ee: {  	[tilespmem:v2+s10+$0x0] =	vst.idx.msk $0xffff, v11;
	v2 =	vadd.f32 v55, v33  }
0x4ef: {  	[tilespmem:v6+s10+$0x0] =	vst.idx.msk $0xffff, v59;
	v6 =	vadd.f32 v16, v33  }
0x4f0: {  	v7 =	vld [tilespmem:s15+$0xB0];
	[tilespmem:v57+s10+$0x0] =	vst.idx.msk $0xffff, v2;
	v2 =	vadd.f32 v17, v33  }
0x4f1: {  	v60 =	vld [tilespmem:s19+$0xFFFFFFB0];
	[tilespmem:v0+s10+$0x0] =	vst.idx.msk $0xffff, v6  }
0x4f2: {  	v0 =	vld [tilespmem:$0x1FF20];
	[tilespmem:v48+s10+$0x0] =	vst.idx.msk $0xffff, v2  }
0x4f3: {  	v56 =	vld [tilespmem:$0x1FF60]  }
0x4f4: {  	v61 =	vld [tilespmem:s19+$0xFFFFFEB0]  }
0x4f5: {  	v5 =	vadd.s32 v23, v5;
	v62 =	vld [tilespmem:s19+$0x1B0]  }
0x4f6: {  	v10 =	vadd.s32 v13, v10;
	v63 =	vld [tilespmem:s19+$0xB0]  }
0x4f7: {  	v0 =	vadd.s32 v0, v3;
	v3 =	vadd.f32 v7, v33  }
0x4f8: {  	v2 =	vadd.s32 v56, v4;
	v4 =	vadd.f32 v60, v33  }
0x4f9: {  	[tilespmem:v45+s10+$0x0] =	vst.idx.msk $0xffff, v3;
	v3 =	vadd.f32 v61, v33  }
0x4fa: {  	s23 =	sshll.u32 s20, $0x12;
	[tilespmem:v5+s10+$0x0] =	vst.idx.msk $0xffff, v4;
	v4 =	vadd.f32 v62, v33  }
0x4fb: {  	s8 =	sor.u32 s14, s23;
	[tilespmem:v10+s10+$0x0] =	vst.idx.msk $0xffff, v3;
	v3 =	vadd.f32 v63, v33  }
0x4fc: {  	s8 =	sshrl.u32 s8, $0x3;
	[tilespmem:v0+s10+$0x0] =	vst.idx.msk $0xffff, v4  }
0x4fd: {  	s24 =	simm.s32 $0x19A00;
	s8 =	sadd.s32 s2, s8;
	[tilespmem:v2+s10+$0x0] =	vst.idx.msk $0xffff, v3  }
0x4fe: {  	[hbm4b:s8+s3] =	stream.linear.scatter [tilespmem:s24], [sflag:$0xC], $0x80, $0x38;
	[tilespmem:$0x1BC00] =	vst v63  }
0x4ff: {  	s25 =	simm.s32 $0x19A88;
	s12 =	sadd.s32 $0x10, s8  }
0x500: {  	[hbm4b:s12+s3] =	stream.linear.scatter [tilespmem:s25], [sflag:$0xC], $0x80, $0x38;
	[tilespmem:$0x1BC00] =	vst v63  }
0x501: {  	s11 =	simm.s32 $0x440;
	s13 =	sadd.s32 $0x20, s8;
	s12 =	simm.s32 $0x19B10  }
0x502: {  	[hbm4b:s13+s3] =	stream.linear.scatter [tilespmem:s12], [sflag:$0xC], $0x80, $0x38;
	[tilespmem:$0x1BC00] =	vst v63  }
0x503: {  	s20 =	sadd.s32 $0x40, s8;
	s18 =	sadd.s32 $0x30, s8;
	s15 =	simm.s32 $0x19B98  }
0x504: {  	[hbm4b:s18+s3] =	stream.linear.scatter [tilespmem:s15], [sflag:$0xC], $0x80, $0x38;
	[tilespmem:$0x1BC00] =	vst v63  }
0x505: {  	s23 =	sadd.s32 $0x50, s8;
	s22 =	simm.s32 $0x19CA8;
	s19 =	simm.s32 $0x19C20  }
0x506: {  	[hbm4b:s20+s3] =	stream.linear.scatter [tilespmem:s19], [sflag:$0xC], $0x80, $0x38;
	[tilespmem:$0x1BC00] =	vst v63  }
0x507: {  	s24 =	simm.s32 $0x19D30;
	s25 =	sadd.s32 $0x60, s8;
	s13 =	simm.s32 $0x2200  }
0x508: {  	[hbm4b:s23+s3] =	stream.linear.scatter [tilespmem:s22], [sflag:$0xC], $0x80, $0x38;
	[tilespmem:$0x1BC00] =	vst v63  }
0x509: {  	s12 =	sadd.s32 $0x1000, s8;
	s15 =	simm.s32 $0x19DB8;
	s18 =	sadd.s32 $0x70, s8  }
0x50a: {  	v16 =	vmov v18;
	v60 =	vmov v58;
	v5 =	vmov v22;
	[hbm4b:s25+s3] =	stream.linear.scatter [tilespmem:s24], [sflag:$0xC], $0x80, $0x38;
	[tilespmem:$0x1BC00] =	vst v63  }
.LBB2_17:
0x50b: {  	[hbm4b:s18+s3] =	stream.linear.scatter [tilespmem:s15], [sflag:$0xC], $0x80, $0x38;
	[tilespmem:$0x1BC00] =	vst v63  }
0x50c: {  	s8 =	smov.u32 s11;
	s11 =	smov.u32 s13  }
0x50d: {  	s19 =	sadd.s32 $0x1100, s13;
	s11 =	sshra.s32 s11, $0x2;
	s15 =	sadd.s32 $0x19A00, s8  }
0x50e: {  	[hbm4b:s12+s3] =	stream.linear.scatter [tilespmem:s15], [sflag:$0xC], $0x80, $0x38;
	[tilespmem:$0x1BC00] =	vst v63  }
0x50f: {  	p1 =	sne.s32 s13, $0x7700;
	s13 =	sadd.s32 $0x19A88, s8;
	s15 =	sadd.s32 $0x10, s12  }
0x510: {  	[hbm4b:s15+s3] =	stream.linear.scatter [tilespmem:s13], [sflag:$0xC], $0x80, $0x38;
	[tilespmem:$0x1BC00] =	vst v63  }
0x511: {  	s13 =	sadd.s32 $0x19B10, s8;
	s15 =	sadd.s32 $0x20, s12  }
0x512: {  	[hbm4b:s15+s3] =	stream.linear.scatter [tilespmem:s13], [sflag:$0xC], $0x80, $0x38;
	[tilespmem:$0x1BC00] =	vst v63  }
0x513: {  	s13 =	sadd.s32 $0x19B98, s8;
	s15 =	sadd.s32 $0x30, s12  }
0x514: {  	[hbm4b:s15+s3] =	stream.linear.scatter [tilespmem:s13], [sflag:$0xC], $0x80, $0x38;
	[tilespmem:$0x1BC00] =	vst v63  }
0x515: {  	s13 =	sadd.s32 $0x19C20, s8;
	s15 =	sadd.s32 $0x40, s12  }
0x516: {  	[hbm4b:s15+s3] =	stream.linear.scatter [tilespmem:s13], [sflag:$0xC], $0x80, $0x38;
	[tilespmem:$0x1BC00] =	vst v63  }
.Ltmp9:
0x517: {  	s13 =	sadd.s32 $0x19CA8, s8;
	s15 =	sadd.s32 $0x50, s12;
	(pc) =	sbr.rel @p1 .LBB2_17-.Ltmp9, $4  }
0x518: {  	[hbm4b:s15+s3] =	stream.linear.scatter [tilespmem:s13], [sflag:$0xC], $0x80, $0x38;
	[tilespmem:$0x1BC00] =	vst v63  }
0x519: {  	s18 =	sadd.s32 $0x70, s12;
	s13 =	sadd.s32 $0x19D30, s8;
	s15 =	sadd.s32 $0x60, s12  }
0x51a: {  	[hbm4b:s15+s3] =	stream.linear.scatter [tilespmem:s13], [sflag:$0xC], $0x80, $0x38;
	[tilespmem:$0x1BC00] =	vst v63  }
0x51b: {  	s12 =	sadd.s32 $0x1000, s12;
	s15 =	sadd.s32 $0x19DB8, s8;
	s13 =	smov.u32 s19  }
0x51c: {  	[hbm4b:s18+s3] =	stream.linear.scatter [tilespmem:s15], [sflag:$0xC], $0x80, $0x38;
	[tilespmem:$0x1BC00] =	vst v63  }
0x51d: {  	s8 =	sadd.s32 $0x19A00, s11  }
0x51e: {  	[hbm4b:s12+s3] =	stream.linear.scatter [tilespmem:s8], [sflag:$0xC], $0x80, $0x38;
	[tilespmem:$0x1BC00] =	vst v63  }
0x51f: {  	s20 =	sadd.s32 $0x19A88, s11;
	s13 =	sadd.s32 $0x10, s12  }
0x520: {  	[hbm4b:s13+s3] =	stream.linear.scatter [tilespmem:s20], [sflag:$0xC], $0x80, $0x38;
	[tilespmem:$0x1BC00] =	vst v63  }
0x521: {  	s22 =	sadd.s32 $0x19B10, s11;
	s23 =	sadd.s32 $0x20, s12  }
0x522: {  	[hbm4b:s23+s3] =	stream.linear.scatter [tilespmem:s22], [sflag:$0xC], $0x80, $0x38;
	[tilespmem:$0x1BC00] =	vst v63  }
0x523: {  	s24 =	sadd.s32 $0x19B98, s11;
	s25 =	sadd.s32 $0x30, s12  }
0x524: {  	[hbm4b:s25+s3] =	stream.linear.scatter [tilespmem:s24], [sflag:$0xC], $0x80, $0x38;
	[tilespmem:$0x1BC00] =	vst v63  }
0x525: {  	s15 =	sadd.s32 $0x19C20, s11;
	s18 =	sadd.s32 $0x40, s12  }
0x526: {  	[hbm4b:s18+s3] =	stream.linear.scatter [tilespmem:s15], [sflag:$0xC], $0x80, $0x38;
	[tilespmem:$0x1BC00] =	vst v63  }
0x527: {  	s19 =	sadd.s32 $0x19CA8, s11;
	s20 =	sadd.s32 $0x50, s12  }
0x528: {  	v22 =	vld [tilespmem:$0x1FFD0];
	[hbm4b:s20+s3] =	stream.linear.scatter [tilespmem:s19], [sflag:$0xC], $0x80, $0x38  }
.Ltmp10:
0x529: {  	v17 =	vmov v21;
	v21 =	vld [tilespmem:$0x1FEA0];
	(pc) =	sbr.rel @p0 .LBB2_20-.Ltmp10, $4  }
0x52a: {  	v26 =	vld [tilespmem:$0x1FE70];
	s22 =	sadd.s32 $0x19D30, s11;
	s23 =	sadd.s32 $0x60, s12  }
0x52b: {  	v24 =	vld [tilespmem:$0x1FE80];
	[hbm4b:s23+s3] =	stream.linear.scatter [tilespmem:s22], [sflag:$0xC], $0x80, $0x38  }
0x52c: {  	v23 =	vld [tilespmem:$0x1FEC0];
	s24 =	sadd.s32 $0x19DB8, s11;
	s25 =	sadd.s32 $0x70, s12  }
0x52d: {  	v30 =	vmov v27;
	v61 =	vld [tilespmem:$0x1FED0];
	[hbm4b:s25+s3] =	stream.linear.scatter [tilespmem:s24], [sflag:$0xC], $0x80, $0x38  }
0x52e: {  	_ =	swait.ge [sflag:s7], $0x2000  }
0x52f: {  	[sflag:s7] =	ssyncset.done $0x0  }
0x530: {  	s8 =	simm.s32 $0x2;
	[sflag:s7] =	ssyncadd.s32 $0xFFFFE000  }
0x531: {  	_ =	swait.ge [sflag:s8], $0x80  }
0x532: {  	v63 =	vld [tilespmem:$0x1FE10]  }
0x533: {  	v32 =	vld [tilespmem:$0x1FE30]  }
0x534: {  	v57 =	vld [tilespmem:$0x1FE40]  }
0x535: {  	v53 =	vld [tilespmem:$0x1FE50]  }
0x536: {  	v27 =	vld [tilespmem:$0x1FE60]  }
0x537: {  	v40 =	vld [tilespmem:$0x1FE90]  }
.Ltmp11:
0x538: {  	v28 =	vmov v19;
	v19 =	vld [tilespmem:$0x1FEB0];
	(pc) =	sbr.rel .LBB2_2-.Ltmp11, $4  }
0x539: {  	v42 =	vld [tilespmem:$0x1FEE0]  }
0x53a: {  	s25 =	simm.s32 $0x3280;
	[sflag:s8] =	ssyncset.done $0x0;
	v55 =	vld [tilespmem:$0x1FEF0]  }
0x53b: {  	s11 =	simm.s32 $0x7400;
	s16 =	sadd.s32 $0x1, s16;
	v29 =	vld [tilespmem:$0x1FF10];
	[sflag:s8] =	ssyncadd.s32 $0xFFFFFF80  }
0x53c: {  	v18 =	vld [tilespmem:$0x1FF20];
	[tilespmem:s11], [sflag:$0x6] =	stream.indirect.gather [hbm4b:s5+s21], $0x80, s25, s21, $0xb8  }
.LBB2_21:
0x53d: {  	_ =	sfence.sel $0x180000  }
0x53e: {  	[bflag:$0x0] =	sbarrier.arrive $0xFFFF  }
0x53f: {  	_ =	strace $0x90000047  }
0x540: {  	s0 =	stileid.u32;
	[bflag:$0x2] =	sbarrier.arrive $0xFFFF  }
0x541: {  	p0 =	sne.s32 s0, $0x0;
	s0 =	rddreg [dreg:$0x2]  }
0x542: {  	s0 =	sadd.s32 @!p0 $0x100000, s0  }
0x543: {  	[sflag:s0] =	ssyncadd.tile.s32 @!p0 $0x1;
	_ =	shalt  }
.Lfunc_end2:
_tile_overlayer_lowered:
.L_overlay_start_2:
0x544: {  	(tag) =	ssettag $0x2  }
0x545: {  	s0 =	rddreg [dreg:$0x0];
	s2 =	stileid.u32  }
0x546: {  	s1 =	rddreg [dreg:$0x1];
	p0 =	sne.s32 s2, $0x0  }
0x547: {  	s3 =	rddreg [dreg:$0x2];
	[bflag:$0x3] =	sbarrier.arrive $0xFFFF;
	s2 =	simm.s32 @!p0 $0x1C0D  }
0x548: {  	[timem:s3], [sflag:s2] =	dma.local @!p0 [hbm:s0], s1  }
0x549: {  	s0 =	simm.s32 @!p0 $0xD  }
0x54a: {  	_ =	swait.ge @!p0 [sflag:s0], s1  }
0x54b: {  	s1 =	ssub.s32 @!p0 $0x0, s1;
	[sflag:s0] =	ssyncset.done @!p0 $0x0  }
0x54c: {  	[sflag:s0] =	ssyncadd.s32 @!p0 s1  }
0x54d: {  	[bflag:$0x3] =	sbarrier.arrive $0xFFFF  }
0x54e: {  	_ =	shalt  }

</sc_bundles>
